<compile_context>
chip_gen: v7x
topology: tpu7x:2x2x1
jax: 0.10.2.dev20260603
libtpu: 0.0.44.dev20260713+nightly
codegen_flags: <defaults>
</compile_context>

<pallas_src>
import functools

import jax
import jax.numpy as jnp
from jax import lax
from jax.experimental import pallas as pl
from jax.experimental.pallas import tpu as pltpu
from jax.experimental.pallas import tpu_sc as plsc

NC = 2
NS = 16
L = 16
NW = NC * NS

BATCH = 16384
DIM = 32
BPW = BATCH // NW
NG = BPW // L


def _make_sc_kernel():
  mesh = plsc.VectorSubcoreMesh(core_axis_name="c", subcore_axis_name="s",
                                num_cores=NC, num_subcores=NS)

  @functools.partial(
      pl.kernel,
      out_type=jax.ShapeDtypeStruct((BATCH,), jnp.float32),
      mesh=mesh,
      scratch_types=[
          pltpu.VMEM((BPW,), jnp.int32),
          pltpu.VMEM((BPW,), jnp.int32),
          pltpu.VMEM((2, L, DIM), jnp.float32),
          pltpu.VMEM((2, L, DIM), jnp.float32),
          pltpu.VMEM((48,), jnp.float32),
          pltpu.VMEM((BPW,), jnp.float32),
          pltpu.SemaphoreType.DMA,
          pltpu.SemaphoreType.DMA,
      ],
      compiler_params=pltpu.CompilerParams(needs_layout_passes=False),
  )
  def sc_kernel(user_hbm, item_hbm, wb_hbm, utab_hbm, itab_hbm, out_hbm,
                uidx_v, iidx_v, ubuf_v, ibuf_v, wb_v, out_v, sem_u, sem_i):
    wid = lax.axis_index("s") * NC + lax.axis_index("c")
    base = wid * BPW

    pltpu.sync_copy(wb_hbm, wb_v)
    pltpu.sync_copy(user_hbm.at[pl.ds(base, BPW)], uidx_v)
    pltpu.sync_copy(item_hbm.at[pl.ds(base, BPW)], iidx_v)

    lane = lax.iota(jnp.int32, L)
    bias = wb_v[pl.ds(DIM, L)]
    w0 = wb_v[pl.ds(0, L)]
    w1 = wb_v[pl.ds(L, L)]

    def fire(g, buf):
      uvec = uidx_v[pl.ds(g * L, L)]
      ivec = iidx_v[pl.ds(g * L, L)]
      for j in range(L):
        pltpu.async_copy(utab_hbm.at[pl.ds(uvec[j], 1)],
                         ubuf_v.at[buf, pl.ds(j, 1)], sem_u)
        pltpu.async_copy(itab_hbm.at[pl.ds(ivec[j], 1)],
                         ibuf_v.at[buf, pl.ds(j, 1)], sem_i)

    def drain(buf):
      pltpu.make_async_copy(utab_hbm.at[pl.ds(0, L)], ubuf_v.at[buf],
                            sem_u).wait()
      pltpu.make_async_copy(itab_hbm.at[pl.ds(0, L)], ibuf_v.at[buf],
                            sem_i).wait()

    def compute(g, buf):
      res = bias
      for j in range(L):
        p = (ubuf_v[buf, j, pl.ds(0, L)] * ibuf_v[buf, j, pl.ds(0, L)] * w0
             + ubuf_v[buf, j, pl.ds(L, L)] * ibuf_v[buf, j, pl.ds(L, L)] * w1)
        s = jnp.sum(p)
        res = jnp.where(lane == j, res + s, res)
      out_v[pl.ds(g * L, L)] = 1.0 / (1.0 + jnp.exp(-res))

    fire(0, 0)

    def step(g, carry):
      buf = lax.rem(g, 2)
      nbuf = 1 - buf

      @pl.when(g + 1 < NG)
      def _():
        fire(g + 1, nbuf)

      drain(buf)
      compute(g, buf)
      return carry

    lax.fori_loop(0, NG, step, 0)
    pltpu.sync_copy(out_v, out_hbm.at[pl.ds(base, BPW)])

  return sc_kernel


_SC_KERNEL = None


def kernel(user, item, user_table, item_table, W, b):
  global _SC_KERNEL
  if _SC_KERNEL is None:
    _SC_KERNEL = _make_sc_kernel()
  wb = jnp.concatenate([
      W.reshape(DIM).astype(jnp.float32),
      jnp.broadcast_to(b.astype(jnp.float32), (L,)),
  ])
  score = _SC_KERNEL(user.astype(jnp.int32), item.astype(jnp.int32), wb,
                     user_table, item_table)
  return score.reshape(BATCH, 1)

# --- scband reference (transcript-rebuilt; emitter-appended) ---
"""Pipeline reference for scband-gmf-35553739276389 (READ-ONLY COPY).

The authoritative reference and input builder live on the scoring server;
editing this copy changes nothing except your own understanding.
"""

import jax, jax.numpy as jnp
import numpy as np

NUM_USERS = 1000000
NUM_ITEMS = 1000000
LATENT_DIM = 32
BATCH = 16384

def setup_inputs(seed: int = 0) -> dict:
    key = jax.random.key(seed)
    k_user, k_item, k_ut, k_it, k_w, k_b = jax.random.split(key, 6)
    user = jax.random.randint(k_user, (BATCH,), 0, NUM_USERS, dtype=jnp.int64 if jax.config.jax_enable_x64 else jnp.int32)
    item = jax.random.randint(k_item, (BATCH,), 0, NUM_ITEMS, dtype=jnp.int64 if jax.config.jax_enable_x64 else jnp.int32)
    user_table = 0.01 * jax.random.normal(k_ut, (NUM_USERS, LATENT_DIM), dtype=jnp.float32)
    item_table = 0.01 * jax.random.normal(k_it, (NUM_ITEMS, LATENT_DIM), dtype=jnp.float32)
    W = 0.01 * jax.random.normal(k_w, (LATENT_DIM, 1), dtype=jnp.float32)
    b = jnp.zeros((1,), dtype=jnp.float32)
    return {"user": user, "item": item, "user_table": user_table, "item_table": item_table, "W": W, "b": b}

def reference(user, item, user_table, item_table, W, b):
    user_embedding = jnp.take(user_table, user, axis=0)
    item_embedding = jnp.take(item_table, item, axis=0)
    element_product = user_embedding * item_embedding
    logit = element_product @ W + b
    score = jax.nn.sigmoid(logit)
    return score

if __name__ == "__main__":
    import jax
    _d = setup_inputs()
    print(jax.jit(kernel)(*tuple(_d.values())))

</pallas_src>

<mosaic_0001>
#map = affine_map<(d0, d1) -> (0)>
#map1 = affine_map<(d0, d1) -> (0, 0)>
module attributes {stable_mosaic.version = 14 : i64} {
  func.func @sc_kernel(%arg0: i32, %arg1: i32, %arg2: memref<16384xi32, #tpu.memory_space<hbm>>, %arg3: memref<16384xi32, #tpu.memory_space<hbm>>, %arg4: memref<48xf32, #tpu.memory_space<hbm>>, %arg5: memref<1000000x32xf32, #tpu.memory_space<hbm>>, %arg6: memref<1000000x32xf32, #tpu.memory_space<hbm>>, %arg7: memref<16384xf32, #tpu.memory_space<hbm>>, %arg8: memref<512xi32, #tpu.memory_space<vmem>>, %arg9: memref<512xi32, #tpu.memory_space<vmem>>, %arg10: memref<2x16x32xf32, #tpu.memory_space<vmem>>, %arg11: memref<2x16x32xf32, #tpu.memory_space<vmem>>, %arg12: memref<48xf32, #tpu.memory_space<vmem>>, %arg13: memref<512xf32, #tpu.memory_space<vmem>>, %arg14: memref<!tpu.dma_semaphore, #tpu.memory_space<semaphore_mem>>, %arg15: memref<!tpu.dma_semaphore, #tpu.memory_space<semaphore_mem>>) attributes {dimension_semantics = [#tpu.dimension_semantics<core_parallel>, #tpu.dimension_semantics<subcore_parallel>], iteration_bounds = array<i64: 2, 16>, scalar_prefetch = 0 : i64, scratch_operands = 8 : i64, tpu.core_type = #tpu.core_type<sc_vector_subcore>, window_params = [{transform_indices = #map}, {transform_indices = #map}, {transform_indices = #map}, {transform_indices = #map1}, {transform_indices = #map1}, {transform_indices = #map}]} {
    %mul3A = arith.constant 2 : i32
    %mul3A_0 = arith.muli %arg1, %mul3A : i32
    %add3A = arith.addi %mul3A_0, %arg0 : i32
    %mul3A_1 = arith.constant 512 : i32
    %mul3A_2 = arith.muli %add3A, %mul3A_1 : i32
    "tpu.region"() ({
      %run_scoped3A = tpu.sem_alloc : memref<!tpu.dma_semaphore, #tpu.memory_space<semaphore_mem>>
      tpu.enqueue_dma source(%arg4 : memref<48xf32, #tpu.memory_space<hbm>>) target(%arg12 : memref<48xf32, #tpu.memory_space<vmem>>) target_semaphore(%run_scoped3A : memref<!tpu.dma_semaphore, #tpu.memory_space<semaphore_mem>>)
      tpu.wait_dma2 semaphore(%run_scoped3A : memref<!tpu.dma_semaphore, #tpu.memory_space<semaphore_mem>>) src(%arg4 : memref<48xf32, #tpu.memory_space<hbm>>) dst(%arg12 : memref<48xf32, #tpu.memory_space<vmem>>)
      tpu.yield
    }) : () -> ()
    "tpu.region"() ({
      %run_scoped3A = tpu.sem_alloc : memref<!tpu.dma_semaphore, #tpu.memory_space<semaphore_mem>>
      %dma_start3A_494 = tpu.memref_slice %arg2[%mul3A_2] : memref<16384xi32, #tpu.memory_space<hbm>> -> memref<512xi32, #tpu.memory_space<hbm>>
      %dma_start3A_495 = tpu.memref_slice %arg2[%mul3A_2] : memref<16384xi32, #tpu.memory_space<hbm>> -> memref<512xi32, #tpu.memory_space<hbm>>
      tpu.enqueue_dma source(%dma_start3A_495 : memref<512xi32, #tpu.memory_space<hbm>>) target(%arg8 : memref<512xi32, #tpu.memory_space<vmem>>) target_semaphore(%run_scoped3A : memref<!tpu.dma_semaphore, #tpu.memory_space<semaphore_mem>>)
      %dma_wait3A = tpu.memref_slice %arg2[%mul3A_2] : memref<16384xi32, #tpu.memory_space<hbm>> -> memref<512xi32, #tpu.memory_space<hbm>>
      %dma_wait3A_496 = tpu.memref_slice %arg2[%mul3A_2] : memref<16384xi32, #tpu.memory_space<hbm>> -> memref<512xi32, #tpu.memory_space<hbm>>
      tpu.wait_dma2 semaphore(%run_scoped3A : memref<!tpu.dma_semaphore, #tpu.memory_space<semaphore_mem>>) src(%dma_wait3A_496 : memref<512xi32, #tpu.memory_space<hbm>>) dst(%arg8 : memref<512xi32, #tpu.memory_space<vmem>>)
      tpu.yield
    }) : () -> ()
    "tpu.region"() ({
      %run_scoped3A = tpu.sem_alloc : memref<!tpu.dma_semaphore, #tpu.memory_space<semaphore_mem>>
      %dma_start3A_494 = tpu.memref_slice %arg3[%mul3A_2] : memref<16384xi32, #tpu.memory_space<hbm>> -> memref<512xi32, #tpu.memory_space<hbm>>
      %dma_start3A_495 = tpu.memref_slice %arg3[%mul3A_2] : memref<16384xi32, #tpu.memory_space<hbm>> -> memref<512xi32, #tpu.memory_space<hbm>>
      tpu.enqueue_dma source(%dma_start3A_495 : memref<512xi32, #tpu.memory_space<hbm>>) target(%arg9 : memref<512xi32, #tpu.memory_space<vmem>>) target_semaphore(%run_scoped3A : memref<!tpu.dma_semaphore, #tpu.memory_space<semaphore_mem>>)
      %dma_wait3A = tpu.memref_slice %arg3[%mul3A_2] : memref<16384xi32, #tpu.memory_space<hbm>> -> memref<512xi32, #tpu.memory_space<hbm>>
      %dma_wait3A_496 = tpu.memref_slice %arg3[%mul3A_2] : memref<16384xi32, #tpu.memory_space<hbm>> -> memref<512xi32, #tpu.memory_space<hbm>>
      tpu.wait_dma2 semaphore(%run_scoped3A : memref<!tpu.dma_semaphore, #tpu.memory_space<semaphore_mem>>) src(%dma_wait3A_496 : memref<512xi32, #tpu.memory_space<hbm>>) dst(%arg9 : memref<512xi32, #tpu.memory_space<vmem>>)
      tpu.yield
    }) : () -> ()
    %iota3A = tpu.iota {dimensions = array<i32: 0>} : vector<16xi32>
    %get3A = arith.constant 32 : index
    %get3A_3 = tpu.vector_load %arg12[%get3A] {strides = array<i32>} : memref<48xf32, #tpu.memory_space<vmem>>, vector<16xf32>,
    %get3A_4 = arith.constant 0 : index
    %get3A_5 = tpu.vector_load %arg12[%get3A_4] {strides = array<i32>} : memref<48xf32, #tpu.memory_space<vmem>>, vector<16xf32>,
    %get3A_6 = arith.constant 16 : index
    %get3A_7 = tpu.vector_load %arg12[%get3A_6] {strides = array<i32>} : memref<48xf32, #tpu.memory_space<vmem>>, vector<16xf32>,
    %get3A_8 = arith.constant 0 : index
    %get3A_9 = tpu.vector_load %arg8[%get3A_8] {strides = array<i32>} : memref<512xi32, #tpu.memory_space<vmem>>, vector<16xi32>,
    %get3A_10 = arith.constant 0 : index
    %get3A_11 = tpu.vector_load %arg9[%get3A_10] {strides = array<i32>} : memref<512xi32, #tpu.memory_space<vmem>>, vector<16xi32>,
    %slice3A = vector.extract_strided_slice %get3A_9 {offsets = [0], sizes = [1], strides = [1]} : vector<16xi32> to vector<1xi32>
    %squeeze3A = vector.extract %slice3A[0] : i32 from vector<1xi32>
    %dma_start3A = arith.constant 0 : i32
    %dma_start3A_12 = arith.constant 0 : i32
    %dma_start3A_13 = arith.constant 0 : i32
    %dma_start3A_14 = tpu.memref_slice %arg10[%dma_start3A, %dma_start3A_12, %dma_start3A_13] : memref<2x16x32xf32, #tpu.memory_space<vmem>> -> memref<1x1x32xf32, #tpu.memory_space<vmem>>
    %dma_start3A_15 = tpu.memref_squeeze %dma_start3A_14 : memref<1x1x32xf32, #tpu.memory_space<vmem>> -> memref<1x32xf32, #tpu.memory_space<vmem>>
    %dma_start3A_16 = arith.constant 0 : i32
    %dma_start3A_17 = tpu.memref_slice %arg5[%squeeze3A, %dma_start3A_16] : memref<1000000x32xf32, #tpu.memory_space<hbm>> -> memref<1x32xf32, #tpu.memory_space<hbm>>
    %dma_start3A_18 = arith.constant 0 : i32
    %dma_start3A_19 = arith.constant 0 : i32
    %dma_start3A_20 = tpu.memref_slice %arg10[%dma_start3A, %dma_start3A_18, %dma_start3A_19] : memref<2x16x32xf32, #tpu.memory_space<vmem>> -> memref<1x1x32xf32, #tpu.memory_space<vmem>>
    %dma_start3A_21 = tpu.memref_squeeze %dma_start3A_20 : memref<1x1x32xf32, #tpu.memory_space<vmem>> -> memref<1x32xf32, #tpu.memory_space<vmem>>
    %dma_start3A_22 = arith.constant 0 : i32
    %dma_start3A_23 = tpu.memref_slice %arg5[%squeeze3A, %dma_start3A_22] : memref<1000000x32xf32, #tpu.memory_space<hbm>> -> memref<1x32xf32, #tpu.memory_space<hbm>>
    tpu.enqueue_dma source(%dma_start3A_23 : memref<1x32xf32, #tpu.memory_space<hbm>>) target(%dma_start3A_21 : memref<1x32xf32, #tpu.memory_space<vmem>>) target_semaphore(%arg14 : memref<!tpu.dma_semaphore, #tpu.memory_space<semaphore_mem>>)
    %slice3A_24 = vector.extract_strided_slice %get3A_11 {offsets = [0], sizes = [1], strides = [1]} : vector<16xi32> to vector<1xi32>
    %squeeze3A_25 = vector.extract %slice3A_24[0] : i32 from vector<1xi32>
    %dma_start3A_26 = arith.constant 0 : i32
    %dma_start3A_27 = arith.constant 0 : i32
    %dma_start3A_28 = arith.constant 0 : i32
    %dma_start3A_29 = tpu.memref_slice %arg11[%dma_start3A_26, %dma_start3A_27, %dma_start3A_28] : memref<2x16x32xf32, #tpu.memory_space<vmem>> -> memref<1x1x32xf32, #tpu.memory_space<vmem>>
    %dma_start3A_30 = tpu.memref_squeeze %dma_start3A_29 : memref<1x1x32xf32, #tpu.memory_space<vmem>> -> memref<1x32xf32, #tpu.memory_space<vmem>>
    %dma_start3A_31 = arith.constant 0 : i32
    %dma_start3A_32 = tpu.memref_slice %arg6[%squeeze3A_25, %dma_start3A_31] : memref<1000000x32xf32, #tpu.memory_space<hbm>> -> memref<1x32xf32, #tpu.memory_space<hbm>>
    %dma_start3A_33 = arith.constant 0 : i32
    %dma_start3A_34 = arith.constant 0 : i32
    %dma_start3A_35 = tpu.memref_slice %arg11[%dma_start3A_26, %dma_start3A_33, %dma_start3A_34] : memref<2x16x32xf32, #tpu.memory_space<vmem>> -> memref<1x1x32xf32, #tpu.memory_space<vmem>>
    %dma_start3A_36 = tpu.memref_squeeze %dma_start3A_35 : memref<1x1x32xf32, #tpu.memory_space<vmem>> -> memref<1x32xf32, #tpu.memory_space<vmem>>
    %dma_start3A_37 = arith.constant 0 : i32
    %dma_start3A_38 = tpu.memref_slice %arg6[%squeeze3A_25, %dma_start3A_37] : memref<1000000x32xf32, #tpu.memory_space<hbm>> -> memref<1x32xf32, #tpu.memory_space<hbm>>
    tpu.enqueue_dma source(%dma_start3A_38 : memref<1x32xf32, #tpu.memory_space<hbm>>) target(%dma_start3A_36 : memref<1x32xf32, #tpu.memory_space<vmem>>) target_semaphore(%arg15 : memref<!tpu.dma_semaphore, #tpu.memory_space<semaphore_mem>>)
    %slice3A_39 = vector.extract_strided_slice %get3A_9 {offsets = [1], sizes = [1], strides = [1]} : vector<16xi32> to vector<1xi32>
    %squeeze3A_40 = vector.extract %slice3A_39[0] : i32 from vector<1xi32>
    %dma_start3A_41 = arith.constant 0 : i32
    %dma_start3A_42 = arith.constant 1 : i32
    %dma_start3A_43 = arith.constant 0 : i32
    %dma_start3A_44 = tpu.memref_slice %arg10[%dma_start3A_41, %dma_start3A_42, %dma_start3A_43] : memref<2x16x32xf32, #tpu.memory_space<vmem>> -> memref<1x1x32xf32, #tpu.memory_space<vmem>>
    %dma_start3A_45 = tpu.memref_squeeze %dma_start3A_44 : memref<1x1x32xf32, #tpu.memory_space<vmem>> -> memref<1x32xf32, #tpu.memory_space<vmem>>
    %dma_start3A_46 = arith.constant 0 : i32
    %dma_start3A_47 = tpu.memref_slice %arg5[%squeeze3A_40, %dma_start3A_46] : memref<1000000x32xf32, #tpu.memory_space<hbm>> -> memref<1x32xf32, #tpu.memory_space<hbm>>
    %dma_start3A_48 = arith.constant 1 : i32
    %dma_start3A_49 = arith.constant 0 : i32
    %dma_start3A_50 = tpu.memref_slice %arg10[%dma_start3A_41, %dma_start3A_48, %dma_start3A_49] : memref<2x16x32xf32, #tpu.memory_space<vmem>> -> memref<1x1x32xf32, #tpu.memory_space<vmem>>
    %dma_start3A_51 = tpu.memref_squeeze %dma_start3A_50 : memref<1x1x32xf32, #tpu.memory_space<vmem>> -> memref<1x32xf32, #tpu.memory_space<vmem>>
    %dma_start3A_52 = arith.constant 0 : i32
    %dma_start3A_53 = tpu.memref_slice %arg5[%squeeze3A_40, %dma_start3A_52] : memref<1000000x32xf32, #tpu.memory_space<hbm>> -> memref<1x32xf32, #tpu.memory_space<hbm>>
    tpu.enqueue_dma source(%dma_start3A_53 : memref<1x32xf32, #tpu.memory_space<hbm>>) target(%dma_start3A_51 : memref<1x32xf32, #tpu.memory_space<vmem>>) target_semaphore(%arg14 : memref<!tpu.dma_semaphore, #tpu.memory_space<semaphore_mem>>)
    %slice3A_54 = vector.extract_strided_slice %get3A_11 {offsets = [1], sizes = [1], strides = [1]} : vector<16xi32> to vector<1xi32>
    %squeeze3A_55 = vector.extract %slice3A_54[0] : i32 from vector<1xi32>
    %dma_start3A_56 = arith.constant 0 : i32
    %dma_start3A_57 = arith.constant 1 : i32
    %dma_start3A_58 = arith.constant 0 : i32
    %dma_start3A_59 = tpu.memref_slice %arg11[%dma_start3A_56, %dma_start3A_57, %dma_start3A_58] : memref<2x16x32xf32, #tpu.memory_space<vmem>> -> memref<1x1x32xf32, #tpu.memory_space<vmem>>
    %dma_start3A_60 = tpu.memref_squeeze %dma_start3A_59 : memref<1x1x32xf32, #tpu.memory_space<vmem>> -> memref<1x32xf32, #tpu.memory_space<vmem>>
    %dma_start3A_61 = arith.constant 0 : i32
    %dma_start3A_62 = tpu.memref_slice %arg6[%squeeze3A_55, %dma_start3A_61] : memref<1000000x32xf32, #tpu.memory_space<hbm>> -> memref<1x32xf32, #tpu.memory_space<hbm>>
    %dma_start3A_63 = arith.constant 1 : i32
    %dma_start3A_64 = arith.constant 0 : i32
    %dma_start3A_65 = tpu.memref_slice %arg11[%dma_start3A_56, %dma_start3A_63, %dma_start3A_64] : memref<2x16x32xf32, #tpu.memory_space<vmem>> -> memref<1x1x32xf32, #tpu.memory_space<vmem>>
    %dma_start3A_66 = tpu.memref_squeeze %dma_start3A_65 : memref<1x1x32xf32, #tpu.memory_space<vmem>> -> memref<1x32xf32, #tpu.memory_space<vmem>>
    %dma_start3A_67 = arith.constant 0 : i32
    %dma_start3A_68 = tpu.memref_slice %arg6[%squeeze3A_55, %dma_start3A_67] : memref<1000000x32xf32, #tpu.memory_space<hbm>> -> memref<1x32xf32, #tpu.memory_space<hbm>>
    tpu.enqueue_dma source(%dma_start3A_68 : memref<1x32xf32, #tpu.memory_space<hbm>>) target(%dma_start3A_66 : memref<1x32xf32, #tpu.memory_space<vmem>>) target_semaphore(%arg15 : memref<!tpu.dma_semaphore, #tpu.memory_space<semaphore_mem>>)
    %slice3A_69 = vector.extract_strided_slice %get3A_9 {offsets = [2], sizes = [1], strides = [1]} : vector<16xi32> to vector<1xi32>
    %squeeze3A_70 = vector.extract %slice3A_69[0] : i32 from vector<1xi32>
    %dma_start3A_71 = arith.constant 0 : i32
    %dma_start3A_72 = arith.constant 2 : i32
    %dma_start3A_73 = arith.constant 0 : i32
    %dma_start3A_74 = tpu.memref_slice %arg10[%dma_start3A_71, %dma_start3A_72, %dma_start3A_73] : memref<2x16x32xf32, #tpu.memory_space<vmem>> -> memref<1x1x32xf32, #tpu.memory_space<vmem>>
    %dma_start3A_75 = tpu.memref_squeeze %dma_start3A_74 : memref<1x1x32xf32, #tpu.memory_space<vmem>> -> memref<1x32xf32, #tpu.memory_space<vmem>>
    %dma_start3A_76 = arith.constant 0 : i32
    %dma_start3A_77 = tpu.memref_slice %arg5[%squeeze3A_70, %dma_start3A_76] : memref<1000000x32xf32, #tpu.memory_space<hbm>> -> memref<1x32xf32, #tpu.memory_space<hbm>>
    %dma_start3A_78 = arith.constant 2 : i32
    %dma_start3A_79 = arith.constant 0 : i32
    %dma_start3A_80 = tpu.memref_slice %arg10[%dma_start3A_71, %dma_start3A_78, %dma_start3A_79] : memref<2x16x32xf32, #tpu.memory_space<vmem>> -> memref<1x1x32xf32, #tpu.memory_space<vmem>>
    %dma_start3A_81 = tpu.memref_squeeze %dma_start3A_80 : memref<1x1x32xf32, #tpu.memory_space<vmem>> -> memref<1x32xf32, #tpu.memory_space<vmem>>
    %dma_start3A_82 = arith.constant 0 : i32
    %dma_start3A_83 = tpu.memref_slice %arg5[%squeeze3A_70, %dma_start3A_82] : memref<1000000x32xf32, #tpu.memory_space<hbm>> -> memref<1x32xf32, #tpu.memory_space<hbm>>
    tpu.enqueue_dma source(%dma_start3A_83 : memref<1x32xf32, #tpu.memory_space<hbm>>) target(%dma_start3A_81 : memref<1x32xf32, #tpu.memory_space<vmem>>) target_semaphore(%arg14 : memref<!tpu.dma_semaphore, #tpu.memory_space<semaphore_mem>>)
    %slice3A_84 = vector.extract_strided_slice %get3A_11 {offsets = [2], sizes = [1], strides = [1]} : vector<16xi32> to vector<1xi32>
    %squeeze3A_85 = vector.extract %slice3A_84[0] : i32 from vector<1xi32>
    %dma_start3A_86 = arith.constant 0 : i32
    %dma_start3A_87 = arith.constant 2 : i32
    %dma_start3A_88 = arith.constant 0 : i32
    %dma_start3A_89 = tpu.memref_slice %arg11[%dma_start3A_86, %dma_start3A_87, %dma_start3A_88] : memref<2x16x32xf32, #tpu.memory_space<vmem>> -> memref<1x1x32xf32, #tpu.memory_space<vmem>>
    %dma_start3A_90 = tpu.memref_squeeze %dma_start3A_89 : memref<1x1x32xf32, #tpu.memory_space<vmem>> -> memref<1x32xf32, #tpu.memory_space<vmem>>
    %dma_start3A_91 = arith.constant 0 : i32
    %dma_start3A_92 = tpu.memref_slice %arg6[%squeeze3A_85, %dma_start3A_91] : memref<1000000x32xf32, #tpu.memory_space<hbm>> -> memref<1x32xf32, #tpu.memory_space<hbm>>
    %dma_start3A_93 = arith.constant 2 : i32
    %dma_start3A_94 = arith.constant 0 : i32
    %dma_start3A_95 = tpu.memref_slice %arg11[%dma_start3A_86, %dma_start3A_93, %dma_start3A_94] : memref<2x16x32xf32, #tpu.memory_space<vmem>> -> memref<1x1x32xf32, #tpu.memory_space<vmem>>
    %dma_start3A_96 = tpu.memref_squeeze %dma_start3A_95 : memref<1x1x32xf32, #tpu.memory_space<vmem>> -> memref<1x32xf32, #tpu.memory_space<vmem>>
    %dma_start3A_97 = arith.constant 0 : i32
    %dma_start3A_98 = tpu.memref_slice %arg6[%squeeze3A_85, %dma_start3A_97] : memref<1000000x32xf32, #tpu.memory_space<hbm>> -> memref<1x32xf32, #tpu.memory_space<hbm>>
    tpu.enqueue_dma source(%dma_start3A_98 : memref<1x32xf32, #tpu.memory_space<hbm>>) target(%dma_start3A_96 : memref<1x32xf32, #tpu.memory_space<vmem>>) target_semaphore(%arg15 : memref<!tpu.dma_semaphore, #tpu.memory_space<semaphore_mem>>)
    %slice3A_99 = vector.extract_strided_slice %get3A_9 {offsets = [3], sizes = [1], strides = [1]} : vector<16xi32> to vector<1xi32>
    %squeeze3A_100 = vector.extract %slice3A_99[0] : i32 from vector<1xi32>
    %dma_start3A_101 = arith.constant 0 : i32
    %dma_start3A_102 = arith.constant 3 : i32
    %dma_start3A_103 = arith.constant 0 : i32
    %dma_start3A_104 = tpu.memref_slice %arg10[%dma_start3A_101, %dma_start3A_102, %dma_start3A_103] : memref<2x16x32xf32, #tpu.memory_space<vmem>> -> memref<1x1x32xf32, #tpu.memory_space<vmem>>
    %dma_start3A_105 = tpu.memref_squeeze %dma_start3A_104 : memref<1x1x32xf32, #tpu.memory_space<vmem>> -> memref<1x32xf32, #tpu.memory_space<vmem>>
    %dma_start3A_106 = arith.constant 0 : i32
    %dma_start3A_107 = tpu.memref_slice %arg5[%squeeze3A_100, %dma_start3A_106] : memref<1000000x32xf32, #tpu.memory_space<hbm>> -> memref<1x32xf32, #tpu.memory_space<hbm>>
    %dma_start3A_108 = arith.constant 3 : i32
    %dma_start3A_109 = arith.constant 0 : i32
    %dma_start3A_110 = tpu.memref_slice %arg10[%dma_start3A_101, %dma_start3A_108, %dma_start3A_109] : memref<2x16x32xf32, #tpu.memory_space<vmem>> -> memref<1x1x32xf32, #tpu.memory_space<vmem>>
    %dma_start3A_111 = tpu.memref_squeeze %dma_start3A_110 : memref<1x1x32xf32, #tpu.memory_space<vmem>> -> memref<1x32xf32, #tpu.memory_space<vmem>>
    %dma_start3A_112 = arith.constant 0 : i32
    %dma_start3A_113 = tpu.memref_slice %arg5[%squeeze3A_100, %dma_start3A_112] : memref<1000000x32xf32, #tpu.memory_space<hbm>> -> memref<1x32xf32, #tpu.memory_space<hbm>>
    tpu.enqueue_dma source(%dma_start3A_113 : memref<1x32xf32, #tpu.memory_space<hbm>>) target(%dma_start3A_111 : memref<1x32xf32, #tpu.memory_space<vmem>>) target_semaphore(%arg14 : memref<!tpu.dma_semaphore, #tpu.memory_space<semaphore_mem>>)
    %slice3A_114 = vector.extract_strided_slice %get3A_11 {offsets = [3], sizes = [1], strides = [1]} : vector<16xi32> to vector<1xi32>
    %squeeze3A_115 = vector.extract %slice3A_114[0] : i32 from vector<1xi32>
    %dma_start3A_116 = arith.constant 0 : i32
    %dma_start3A_117 = arith.constant 3 : i32
    %dma_start3A_118 = arith.constant 0 : i32
    %dma_start3A_119 = tpu.memref_slice %arg11[%dma_start3A_116, %dma_start3A_117, %dma_start3A_118] : memref<2x16x32xf32, #tpu.memory_space<vmem>> -> memref<1x1x32xf32, #tpu.memory_space<vmem>>
    %dma_start3A_120 = tpu.memref_squeeze %dma_start3A_119 : memref<1x1x32xf32, #tpu.memory_space<vmem>> -> memref<1x32xf32, #tpu.memory_space<vmem>>
    %dma_start3A_121 = arith.constant 0 : i32
    %dma_start3A_122 = tpu.memref_slice %arg6[%squeeze3A_115, %dma_start3A_121] : memref<1000000x32xf32, #tpu.memory_space<hbm>> -> memref<1x32xf32, #tpu.memory_space<hbm>>
    %dma_start3A_123 = arith.constant 3 : i32
    %dma_start3A_124 = arith.constant 0 : i32
    %dma_start3A_125 = tpu.memref_slice %arg11[%dma_start3A_116, %dma_start3A_123, %dma_start3A_124] : memref<2x16x32xf32, #tpu.memory_space<vmem>> -> memref<1x1x32xf32, #tpu.memory_space<vmem>>
    %dma_start3A_126 = tpu.memref_squeeze %dma_start3A_125 : memref<1x1x32xf32, #tpu.memory_space<vmem>> -> memref<1x32xf32, #tpu.memory_space<vmem>>
    %dma_start3A_127 = arith.constant 0 : i32
    %dma_start3A_128 = tpu.memref_slice %arg6[%squeeze3A_115, %dma_start3A_127] : memref<1000000x32xf32, #tpu.memory_space<hbm>> -> memref<1x32xf32, #tpu.memory_space<hbm>>
    tpu.enqueue_dma source(%dma_start3A_128 : memref<1x32xf32, #tpu.memory_space<hbm>>) target(%dma_start3A_126 : memref<1x32xf32, #tpu.memory_space<vmem>>) target_semaphore(%arg15 : memref<!tpu.dma_semaphore, #tpu.memory_space<semaphore_mem>>)
    %slice3A_129 = vector.extract_strided_slice %get3A_9 {offsets = [4], sizes = [1], strides = [1]} : vector<16xi32> to vector<1xi32>
    %squeeze3A_130 = vector.extract %slice3A_129[0] : i32 from vector<1xi32>
    %dma_start3A_131 = arith.constant 0 : i32
    %dma_start3A_132 = arith.constant 4 : i32
    %dma_start3A_133 = arith.constant 0 : i32
    %dma_start3A_134 = tpu.memref_slice %arg10[%dma_start3A_131, %dma_start3A_132, %dma_start3A_133] : memref<2x16x32xf32, #tpu.memory_space<vmem>> -> memref<1x1x32xf32, #tpu.memory_space<vmem>>
    %dma_start3A_135 = tpu.memref_squeeze %dma_start3A_134 : memref<1x1x32xf32, #tpu.memory_space<vmem>> -> memref<1x32xf32, #tpu.memory_space<vmem>>
    %dma_start3A_136 = arith.constant 0 : i32
    %dma_start3A_137 = tpu.memref_slice %arg5[%squeeze3A_130, %dma_start3A_136] : memref<1000000x32xf32, #tpu.memory_space<hbm>> -> memref<1x32xf32, #tpu.memory_space<hbm>>
    %dma_start3A_138 = arith.constant 4 : i32
    %dma_start3A_139 = arith.constant 0 : i32
    %dma_start3A_140 = tpu.memref_slice %arg10[%dma_start3A_131, %dma_start3A_138, %dma_start3A_139] : memref<2x16x32xf32, #tpu.memory_space<vmem>> -> memref<1x1x32xf32, #tpu.memory_space<vmem>>
    %dma_start3A_141 = tpu.memref_squeeze %dma_start3A_140 : memref<1x1x32xf32, #tpu.memory_space<vmem>> -> memref<1x32xf32, #tpu.memory_space<vmem>>
    %dma_start3A_142 = arith.constant 0 : i32
    %dma_start3A_143 = tpu.memref_slice %arg5[%squeeze3A_130, %dma_start3A_142] : memref<1000000x32xf32, #tpu.memory_space<hbm>> -> memref<1x32xf32, #tpu.memory_space<hbm>>
    tpu.enqueue_dma source(%dma_start3A_143 : memref<1x32xf32, #tpu.memory_space<hbm>>) target(%dma_start3A_141 : memref<1x32xf32, #tpu.memory_space<vmem>>) target_semaphore(%arg14 : memref<!tpu.dma_semaphore, #tpu.memory_space<semaphore_mem>>)
    %slice3A_144 = vector.extract_strided_slice %get3A_11 {offsets = [4], sizes = [1], strides = [1]} : vector<16xi32> to vector<1xi32>
    %squeeze3A_145 = vector.extract %slice3A_144[0] : i32 from vector<1xi32>
    %dma_start3A_146 = arith.constant 0 : i32
    %dma_start3A_147 = arith.constant 4 : i32
    %dma_start3A_148 = arith.constant 0 : i32
    %dma_start3A_149 = tpu.memref_slice %arg11[%dma_start3A_146, %dma_start3A_147, %dma_start3A_148] : memref<2x16x32xf32, #tpu.memory_space<vmem>> -> memref<1x1x32xf32, #tpu.memory_space<vmem>>
    %dma_start3A_150 = tpu.memref_squeeze %dma_start3A_149 : memref<1x1x32xf32, #tpu.memory_space<vmem>> -> memref<1x32xf32, #tpu.memory_space<vmem>>
    %dma_start3A_151 = arith.constant 0 : i32
    %dma_start3A_152 = tpu.memref_slice %arg6[%squeeze3A_145, %dma_start3A_151] : memref<1000000x32xf32, #tpu.memory_space<hbm>> -> memref<1x32xf32, #tpu.memory_space<hbm>>
    %dma_start3A_153 = arith.constant 4 : i32
    %dma_start3A_154 = arith.constant 0 : i32
    %dma_start3A_155 = tpu.memref_slice %arg11[%dma_start3A_146, %dma_start3A_153, %dma_start3A_154] : memref<2x16x32xf32, #tpu.memory_space<vmem>> -> memref<1x1x32xf32, #tpu.memory_space<vmem>>
    %dma_start3A_156 = tpu.memref_squeeze %dma_start3A_155 : memref<1x1x32xf32, #tpu.memory_space<vmem>> -> memref<1x32xf32, #tpu.memory_space<vmem>>
    %dma_start3A_157 = arith.constant 0 : i32
    %dma_start3A_158 = tpu.memref_slice %arg6[%squeeze3A_145, %dma_start3A_157] : memref<1000000x32xf32, #tpu.memory_space<hbm>> -> memref<1x32xf32, #tpu.memory_space<hbm>>
    tpu.enqueue_dma source(%dma_start3A_158 : memref<1x32xf32, #tpu.memory_space<hbm>>) target(%dma_start3A_156 : memref<1x32xf32, #tpu.memory_space<vmem>>) target_semaphore(%arg15 : memref<!tpu.dma_semaphore, #tpu.memory_space<semaphore_mem>>)
    %slice3A_159 = vector.extract_strided_slice %get3A_9 {offsets = [5], sizes = [1], strides = [1]} : vector<16xi32> to vector<1xi32>
    %squeeze3A_160 = vector.extract %slice3A_159[0] : i32 from vector<1xi32>
    %dma_start3A_161 = arith.constant 0 : i32
    %dma_start3A_162 = arith.constant 5 : i32
    %dma_start3A_163 = arith.constant 0 : i32
    %dma_start3A_164 = tpu.memref_slice %arg10[%dma_start3A_161, %dma_start3A_162, %dma_start3A_163] : memref<2x16x32xf32, #tpu.memory_space<vmem>> -> memref<1x1x32xf32, #tpu.memory_space<vmem>>
    %dma_start3A_165 = tpu.memref_squeeze %dma_start3A_164 : memref<1x1x32xf32, #tpu.memory_space<vmem>> -> memref<1x32xf32, #tpu.memory_space<vmem>>
    %dma_start3A_166 = arith.constant 0 : i32
    %dma_start3A_167 = tpu.memref_slice %arg5[%squeeze3A_160, %dma_start3A_166] : memref<1000000x32xf32, #tpu.memory_space<hbm>> -> memref<1x32xf32, #tpu.memory_space<hbm>>
    %dma_start3A_168 = arith.constant 5 : i32
    %dma_start3A_169 = arith.constant 0 : i32
    %dma_start3A_170 = tpu.memref_slice %arg10[%dma_start3A_161, %dma_start3A_168, %dma_start3A_169] : memref<2x16x32xf32, #tpu.memory_space<vmem>> -> memref<1x1x32xf32, #tpu.memory_space<vmem>>
    %dma_start3A_171 = tpu.memref_squeeze %dma_start3A_170 : memref<1x1x32xf32, #tpu.memory_space<vmem>> -> memref<1x32xf32, #tpu.memory_space<vmem>>
    %dma_start3A_172 = arith.constant 0 : i32
    %dma_start3A_173 = tpu.memref_slice %arg5[%squeeze3A_160, %dma_start3A_172] : memref<1000000x32xf32, #tpu.memory_space<hbm>> -> memref<1x32xf32, #tpu.memory_space<hbm>>
    tpu.enqueue_dma source(%dma_start3A_173 : memref<1x32xf32, #tpu.memory_space<hbm>>) target(%dma_start3A_171 : memref<1x32xf32, #tpu.memory_space<vmem>>) target_semaphore(%arg14 : memref<!tpu.dma_semaphore, #tpu.memory_space<semaphore_mem>>)
    %slice3A_174 = vector.extract_strided_slice %get3A_11 {offsets = [5], sizes = [1], strides = [1]} : vector<16xi32> to vector<1xi32>
    %squeeze3A_175 = vector.extract %slice3A_174[0] : i32 from vector<1xi32>
    %dma_start3A_176 = arith.constant 0 : i32
    %dma_start3A_177 = arith.constant 5 : i32
    %dma_start3A_178 = arith.constant 0 : i32
    %dma_start3A_179 = tpu.memref_slice %arg11[%dma_start3A_176, %dma_start3A_177, %dma_start3A_178] : memref<2x16x32xf32, #tpu.memory_space<vmem>> -> memref<1x1x32xf32, #tpu.memory_space<vmem>>
    %dma_start3A_180 = tpu.memref_squeeze %dma_start3A_179 : memref<1x1x32xf32, #tpu.memory_space<vmem>> -> memref<1x32xf32, #tpu.memory_space<vmem>>
    %dma_start3A_181 = arith.constant 0 : i32
    %dma_start3A_182 = tpu.memref_slice %arg6[%squeeze3A_175, %dma_start3A_181] : memref<1000000x32xf32, #tpu.memory_space<hbm>> -> memref<1x32xf32, #tpu.memory_space<hbm>>
    %dma_start3A_183 = arith.constant 5 : i32
    %dma_start3A_184 = arith.constant 0 : i32
    %dma_start3A_185 = tpu.memref_slice %arg11[%dma_start3A_176, %dma_start3A_183, %dma_start3A_184] : memref<2x16x32xf32, #tpu.memory_space<vmem>> -> memref<1x1x32xf32, #tpu.memory_space<vmem>>
    %dma_start3A_186 = tpu.memref_squeeze %dma_start3A_185 : memref<1x1x32xf32, #tpu.memory_space<vmem>> -> memref<1x32xf32, #tpu.memory_space<vmem>>
    %dma_start3A_187 = arith.constant 0 : i32
    %dma_start3A_188 = tpu.memref_slice %arg6[%squeeze3A_175, %dma_start3A_187] : memref<1000000x32xf32, #tpu.memory_space<hbm>> -> memref<1x32xf32, #tpu.memory_space<hbm>>
    tpu.enqueue_dma source(%dma_start3A_188 : memref<1x32xf32, #tpu.memory_space<hbm>>) target(%dma_start3A_186 : memref<1x32xf32, #tpu.memory_space<vmem>>) target_semaphore(%arg15 : memref<!tpu.dma_semaphore, #tpu.memory_space<semaphore_mem>>)
    %slice3A_189 = vector.extract_strided_slice %get3A_9 {offsets = [6], sizes = [1], strides = [1]} : vector<16xi32> to vector<1xi32>
    %squeeze3A_190 = vector.extract %slice3A_189[0] : i32 from vector<1xi32>
    %dma_start3A_191 = arith.constant 0 : i32
    %dma_start3A_192 = arith.constant 6 : i32
    %dma_start3A_193 = arith.constant 0 : i32
    %dma_start3A_194 = tpu.memref_slice %arg10[%dma_start3A_191, %dma_start3A_192, %dma_start3A_193] : memref<2x16x32xf32, #tpu.memory_space<vmem>> -> memref<1x1x32xf32, #tpu.memory_space<vmem>>
    %dma_start3A_195 = tpu.memref_squeeze %dma_start3A_194 : memref<1x1x32xf32, #tpu.memory_space<vmem>> -> memref<1x32xf32, #tpu.memory_space<vmem>>
    %dma_start3A_196 = arith.constant 0 : i32
    %dma_start3A_197 = tpu.memref_slice %arg5[%squeeze3A_190, %dma_start3A_196] : memref<1000000x32xf32, #tpu.memory_space<hbm>> -> memref<1x32xf32, #tpu.memory_space<hbm>>
    %dma_start3A_198 = arith.constant 6 : i32
    %dma_start3A_199 = arith.constant 0 : i32
    %dma_start3A_200 = tpu.memref_slice %arg10[%dma_start3A_191, %dma_start3A_198, %dma_start3A_199] : memref<2x16x32xf32, #tpu.memory_space<vmem>> -> memref<1x1x32xf32, #tpu.memory_space<vmem>>
    %dma_start3A_201 = tpu.memref_squeeze %dma_start3A_200 : memref<1x1x32xf32, #tpu.memory_space<vmem>> -> memref<1x32xf32, #tpu.memory_space<vmem>>
    %dma_start3A_202 = arith.constant 0 : i32
    %dma_start3A_203 = tpu.memref_slice %arg5[%squeeze3A_190, %dma_start3A_202] : memref<1000000x32xf32, #tpu.memory_space<hbm>> -> memref<1x32xf32, #tpu.memory_space<hbm>>
    tpu.enqueue_dma source(%dma_start3A_203 : memref<1x32xf32, #tpu.memory_space<hbm>>) target(%dma_start3A_201 : memref<1x32xf32, #tpu.memory_space<vmem>>) target_semaphore(%arg14 : memref<!tpu.dma_semaphore, #tpu.memory_space<semaphore_mem>>)
    %slice3A_204 = vector.extract_strided_slice %get3A_11 {offsets = [6], sizes = [1], strides = [1]} : vector<16xi32> to vector<1xi32>
    %squeeze3A_205 = vector.extract %slice3A_204[0] : i32 from vector<1xi32>
    %dma_start3A_206 = arith.constant 0 : i32
    %dma_start3A_207 = arith.constant 6 : i32
    %dma_start3A_208 = arith.constant 0 : i32
    %dma_start3A_209 = tpu.memref_slice %arg11[%dma_start3A_206, %dma_start3A_207, %dma_start3A_208] : memref<2x16x32xf32, #tpu.memory_space<vmem>> -> memref<1x1x32xf32, #tpu.memory_space<vmem>>
    %dma_start3A_210 = tpu.memref_squeeze %dma_start3A_209 : memref<1x1x32xf32, #tpu.memory_space<vmem>> -> memref<1x32xf32, #tpu.memory_space<vmem>>
    %dma_start3A_211 = arith.constant 0 : i32
    %dma_start3A_212 = tpu.memref_slice %arg6[%squeeze3A_205, %dma_start3A_211] : memref<1000000x32xf32, #tpu.memory_space<hbm>> -> memref<1x32xf32, #tpu.memory_space<hbm>>
    %dma_start3A_213 = arith.constant 6 : i32
    %dma_start3A_214 = arith.constant 0 : i32
    %dma_start3A_215 = tpu.memref_slice %arg11[%dma_start3A_206, %dma_start3A_213, %dma_start3A_214] : memref<2x16x32xf32, #tpu.memory_space<vmem>> -> memref<1x1x32xf32, #tpu.memory_space<vmem>>
    %dma_start3A_216 = tpu.memref_squeeze %dma_start3A_215 : memref<1x1x32xf32, #tpu.memory_space<vmem>> -> memref<1x32xf32, #tpu.memory_space<vmem>>
    %dma_start3A_217 = arith.constant 0 : i32
    %dma_start3A_218 = tpu.memref_slice %arg6[%squeeze3A_205, %dma_start3A_217] : memref<1000000x32xf32, #tpu.memory_space<hbm>> -> memref<1x32xf32, #tpu.memory_space<hbm>>
    tpu.enqueue_dma source(%dma_start3A_218 : memref<1x32xf32, #tpu.memory_space<hbm>>) target(%dma_start3A_216 : memref<1x32xf32, #tpu.memory_space<vmem>>) target_semaphore(%arg15 : memref<!tpu.dma_semaphore, #tpu.memory_space<semaphore_mem>>)
    %slice3A_219 = vector.extract_strided_slice %get3A_9 {offsets = [7], sizes = [1], strides = [1]} : vector<16xi32> to vector<1xi32>
    %squeeze3A_220 = vector.extract %slice3A_219[0] : i32 from vector<1xi32>
    %dma_start3A_221 = arith.constant 0 : i32
    %dma_start3A_222 = arith.constant 7 : i32
    %dma_start3A_223 = arith.constant 0 : i32
    %dma_start3A_224 = tpu.memref_slice %arg10[%dma_start3A_221, %dma_start3A_222, %dma_start3A_223] : memref<2x16x32xf32, #tpu.memory_space<vmem>> -> memref<1x1x32xf32, #tpu.memory_space<vmem>>
    %dma_start3A_225 = tpu.memref_squeeze %dma_start3A_224 : memref<1x1x32xf32, #tpu.memory_space<vmem>> -> memref<1x32xf32, #tpu.memory_space<vmem>>
    %dma_start3A_226 = arith.constant 0 : i32
    %dma_start3A_227 = tpu.memref_slice %arg5[%squeeze3A_220, %dma_start3A_226] : memref<1000000x32xf32, #tpu.memory_space<hbm>> -> memref<1x32xf32, #tpu.memory_space<hbm>>
    %dma_start3A_228 = arith.constant 7 : i32
    %dma_start3A_229 = arith.constant 0 : i32
    %dma_start3A_230 = tpu.memref_slice %arg10[%dma_start3A_221, %dma_start3A_228, %dma_start3A_229] : memref<2x16x32xf32, #tpu.memory_space<vmem>> -> memref<1x1x32xf32, #tpu.memory_space<vmem>>
    %dma_start3A_231 = tpu.memref_squeeze %dma_start3A_230 : memref<1x1x32xf32, #tpu.memory_space<vmem>> -> memref<1x32xf32, #tpu.memory_space<vmem>>
    %dma_start3A_232 = arith.constant 0 : i32
    %dma_start3A_233 = tpu.memref_slice %arg5[%squeeze3A_220, %dma_start3A_232] : memref<1000000x32xf32, #tpu.memory_space<hbm>> -> memref<1x32xf32, #tpu.memory_space<hbm>>
    tpu.enqueue_dma source(%dma_start3A_233 : memref<1x32xf32, #tpu.memory_space<hbm>>) target(%dma_start3A_231 : memref<1x32xf32, #tpu.memory_space<vmem>>) target_semaphore(%arg14 : memref<!tpu.dma_semaphore, #tpu.memory_space<semaphore_mem>>)
    %slice3A_234 = vector.extract_strided_slice %get3A_11 {offsets = [7], sizes = [1], strides = [1]} : vector<16xi32> to vector<1xi32>
    %squeeze3A_235 = vector.extract %slice3A_234[0] : i32 from vector<1xi32>
    %dma_start3A_236 = arith.constant 0 : i32
    %dma_start3A_237 = arith.constant 7 : i32
    %dma_start3A_238 = arith.constant 0 : i32
    %dma_start3A_239 = tpu.memref_slice %arg11[%dma_start3A_236, %dma_start3A_237, %dma_start3A_238] : memref<2x16x32xf32, #tpu.memory_space<vmem>> -> memref<1x1x32xf32, #tpu.memory_space<vmem>>
    %dma_start3A_240 = tpu.memref_squeeze %dma_start3A_239 : memref<1x1x32xf32, #tpu.memory_space<vmem>> -> memref<1x32xf32, #tpu.memory_space<vmem>>
    %dma_start3A_241 = arith.constant 0 : i32
    %dma_start3A_242 = tpu.memref_slice %arg6[%squeeze3A_235, %dma_start3A_241] : memref<1000000x32xf32, #tpu.memory_space<hbm>> -> memref<1x32xf32, #tpu.memory_space<hbm>>
    %dma_start3A_243 = arith.constant 7 : i32
    %dma_start3A_244 = arith.constant 0 : i32
    %dma_start3A_245 = tpu.memref_slice %arg11[%dma_start3A_236, %dma_start3A_243, %dma_start3A_244] : memref<2x16x32xf32, #tpu.memory_space<vmem>> -> memref<1x1x32xf32, #tpu.memory_space<vmem>>
    %dma_start3A_246 = tpu.memref_squeeze %dma_start3A_245 : memref<1x1x32xf32, #tpu.memory_space<vmem>> -> memref<1x32xf32, #tpu.memory_space<vmem>>
    %dma_start3A_247 = arith.constant 0 : i32
    %dma_start3A_248 = tpu.memref_slice %arg6[%squeeze3A_235, %dma_start3A_247] : memref<1000000x32xf32, #tpu.memory_space<hbm>> -> memref<1x32xf32, #tpu.memory_space<hbm>>
    tpu.enqueue_dma source(%dma_start3A_248 : memref<1x32xf32, #tpu.memory_space<hbm>>) target(%dma_start3A_246 : memref<1x32xf32, #tpu.memory_space<vmem>>) target_semaphore(%arg15 : memref<!tpu.dma_semaphore, #tpu.memory_space<semaphore_mem>>)
    %slice3A_249 = vector.extract_strided_slice %get3A_9 {offsets = [8], sizes = [1], strides = [1]} : vector<16xi32> to vector<1xi32>
    %squeeze3A_250 = vector.extract %slice3A_249[0] : i32 from vector<1xi32>
    %dma_start3A_251 = arith.constant 0 : i32
    %dma_start3A_252 = arith.constant 8 : i32
    %dma_start3A_253 = arith.constant 0 : i32
    %dma_start3A_254 = tpu.memref_slice %arg10[%dma_start3A_251, %dma_start3A_252, %dma_start3A_253] : memref<2x16x32xf32, #tpu.memory_space<vmem>> -> memref<1x1x32xf32, #tpu.memory_space<vmem>>
    %dma_start3A_255 = tpu.memref_squeeze %dma_start3A_254 : memref<1x1x32xf32, #tpu.memory_space<vmem>> -> memref<1x32xf32, #tpu.memory_space<vmem>>
    %dma_start3A_256 = arith.constant 0 : i32
    %dma_start3A_257 = tpu.memref_slice %arg5[%squeeze3A_250, %dma_start3A_256] : memref<1000000x32xf32, #tpu.memory_space<hbm>> -> memref<1x32xf32, #tpu.memory_space<hbm>>
    %dma_start3A_258 = arith.constant 8 : i32
    %dma_start3A_259 = arith.constant 0 : i32
    %dma_start3A_260 = tpu.memref_slice %arg10[%dma_start3A_251, %dma_start3A_258, %dma_start3A_259] : memref<2x16x32xf32, #tpu.memory_space<vmem>> -> memref<1x1x32xf32, #tpu.memory_space<vmem>>
    %dma_start3A_261 = tpu.memref_squeeze %dma_start3A_260 : memref<1x1x32xf32, #tpu.memory_space<vmem>> -> memref<1x32xf32, #tpu.memory_space<vmem>>
    %dma_start3A_262 = arith.constant 0 : i32
    %dma_start3A_263 = tpu.memref_slice %arg5[%squeeze3A_250, %dma_start3A_262] : memref<1000000x32xf32, #tpu.memory_space<hbm>> -> memref<1x32xf32, #tpu.memory_space<hbm>>
    tpu.enqueue_dma source(%dma_start3A_263 : memref<1x32xf32, #tpu.memory_space<hbm>>) target(%dma_start3A_261 : memref<1x32xf32, #tpu.memory_space<vmem>>) target_semaphore(%arg14 : memref<!tpu.dma_semaphore, #tpu.memory_space<semaphore_mem>>)
    %slice3A_264 = vector.extract_strided_slice %get3A_11 {offsets = [8], sizes = [1], strides = [1]} : vector<16xi32> to vector<1xi32>
    %squeeze3A_265 = vector.extract %slice3A_264[0] : i32 from vector<1xi32>
    %dma_start3A_266 = arith.constant 0 : i32
    %dma_start3A_267 = arith.constant 8 : i32
    %dma_start3A_268 = arith.constant 0 : i32
    %dma_start3A_269 = tpu.memref_slice %arg11[%dma_start3A_266, %dma_start3A_267, %dma_start3A_268] : memref<2x16x32xf32, #tpu.memory_space<vmem>> -> memref<1x1x32xf32, #tpu.memory_space<vmem>>
    %dma_start3A_270 = tpu.memref_squeeze %dma_start3A_269 : memref<1x1x32xf32, #tpu.memory_space<vmem>> -> memref<1x32xf32, #tpu.memory_space<vmem>>
    %dma_start3A_271 = arith.constant 0 : i32
    %dma_start3A_272 = tpu.memref_slice %arg6[%squeeze3A_265, %dma_start3A_271] : memref<1000000x32xf32, #tpu.memory_space<hbm>> -> memref<1x32xf32, #tpu.memory_space<hbm>>
    %dma_start3A_273 = arith.constant 8 : i32
    %dma_start3A_274 = arith.constant 0 : i32
    %dma_start3A_275 = tpu.memref_slice %arg11[%dma_start3A_266, %dma_start3A_273, %dma_start3A_274] : memref<2x16x32xf32, #tpu.memory_space<vmem>> -> memref<1x1x32xf32, #tpu.memory_space<vmem>>
    %dma_start3A_276 = tpu.memref_squeeze %dma_start3A_275 : memref<1x1x32xf32, #tpu.memory_space<vmem>> -> memref<1x32xf32, #tpu.memory_space<vmem>>
    %dma_start3A_277 = arith.constant 0 : i32
    %dma_start3A_278 = tpu.memref_slice %arg6[%squeeze3A_265, %dma_start3A_277] : memref<1000000x32xf32, #tpu.memory_space<hbm>> -> memref<1x32xf32, #tpu.memory_space<hbm>>
    tpu.enqueue_dma source(%dma_start3A_278 : memref<1x32xf32, #tpu.memory_space<hbm>>) target(%dma_start3A_276 : memref<1x32xf32, #tpu.memory_space<vmem>>) target_semaphore(%arg15 : memref<!tpu.dma_semaphore, #tpu.memory_space<semaphore_mem>>)
    %slice3A_279 = vector.extract_strided_slice %get3A_9 {offsets = [9], sizes = [1], strides = [1]} : vector<16xi32> to vector<1xi32>
    %squeeze3A_280 = vector.extract %slice3A_279[0] : i32 from vector<1xi32>
    %dma_start3A_281 = arith.constant 0 : i32
    %dma_start3A_282 = arith.constant 9 : i32
    %dma_start3A_283 = arith.constant 0 : i32
    %dma_start3A_284 = tpu.memref_slice %arg10[%dma_start3A_281, %dma_start3A_282, %dma_start3A_283] : memref<2x16x32xf32, #tpu.memory_space<vmem>> -> memref<1x1x32xf32, #tpu.memory_space<vmem>>
    %dma_start3A_285 = tpu.memref_squeeze %dma_start3A_284 : memref<1x1x32xf32, #tpu.memory_space<vmem>> -> memref<1x32xf32, #tpu.memory_space<vmem>>
    %dma_start3A_286 = arith.constant 0 : i32
    %dma_start3A_287 = tpu.memref_slice %arg5[%squeeze3A_280, %dma_start3A_286] : memref<1000000x32xf32, #tpu.memory_space<hbm>> -> memref<1x32xf32, #tpu.memory_space<hbm>>
    %dma_start3A_288 = arith.constant 9 : i32
    %dma_start3A_289 = arith.constant 0 : i32
    %dma_start3A_290 = tpu.memref_slice %arg10[%dma_start3A_281, %dma_start3A_288, %dma_start3A_289] : memref<2x16x32xf32, #tpu.memory_space<vmem>> -> memref<1x1x32xf32, #tpu.memory_space<vmem>>
    %dma_start3A_291 = tpu.memref_squeeze %dma_start3A_290 : memref<1x1x32xf32, #tpu.memory_space<vmem>> -> memref<1x32xf32, #tpu.memory_space<vmem>>
    %dma_start3A_292 = arith.constant 0 : i32
    %dma_start3A_293 = tpu.memref_slice %arg5[%squeeze3A_280, %dma_start3A_292] : memref<1000000x32xf32, #tpu.memory_space<hbm>> -> memref<1x32xf32, #tpu.memory_space<hbm>>
    tpu.enqueue_dma source(%dma_start3A_293 : memref<1x32xf32, #tpu.memory_space<hbm>>) target(%dma_start3A_291 : memref<1x32xf32, #tpu.memory_space<vmem>>) target_semaphore(%arg14 : memref<!tpu.dma_semaphore, #tpu.memory_space<semaphore_mem>>)
    %slice3A_294 = vector.extract_strided_slice %get3A_11 {offsets = [9], sizes = [1], strides = [1]} : vector<16xi32> to vector<1xi32>
    %squeeze3A_295 = vector.extract %slice3A_294[0] : i32 from vector<1xi32>
    %dma_start3A_296 = arith.constant 0 : i32
    %dma_start3A_297 = arith.constant 9 : i32
    %dma_start3A_298 = arith.constant 0 : i32
    %dma_start3A_299 = tpu.memref_slice %arg11[%dma_start3A_296, %dma_start3A_297, %dma_start3A_298] : memref<2x16x32xf32, #tpu.memory_space<vmem>> -> memref<1x1x32xf32, #tpu.memory_space<vmem>>
    %dma_start3A_300 = tpu.memref_squeeze %dma_start3A_299 : memref<1x1x32xf32, #tpu.memory_space<vmem>> -> memref<1x32xf32, #tpu.memory_space<vmem>>
    %dma_start3A_301 = arith.constant 0 : i32
    %dma_start3A_302 = tpu.memref_slice %arg6[%squeeze3A_295, %dma_start3A_301] : memref<1000000x32xf32, #tpu.memory_space<hbm>> -> memref<1x32xf32, #tpu.memory_space<hbm>>
    %dma_start3A_303 = arith.constant 9 : i32
    %dma_start3A_304 = arith.constant 0 : i32
    %dma_start3A_305 = tpu.memref_slice %arg11[%dma_start3A_296, %dma_start3A_303, %dma_start3A_304] : memref<2x16x32xf32, #tpu.memory_space<vmem>> -> memref<1x1x32xf32, #tpu.memory_space<vmem>>
    %dma_start3A_306 = tpu.memref_squeeze %dma_start3A_305 : memref<1x1x32xf32, #tpu.memory_space<vmem>> -> memref<1x32xf32, #tpu.memory_space<vmem>>
    %dma_start3A_307 = arith.constant 0 : i32
    %dma_start3A_308 = tpu.memref_slice %arg6[%squeeze3A_295, %dma_start3A_307] : memref<1000000x32xf32, #tpu.memory_space<hbm>> -> memref<1x32xf32, #tpu.memory_space<hbm>>
    tpu.enqueue_dma source(%dma_start3A_308 : memref<1x32xf32, #tpu.memory_space<hbm>>) target(%dma_start3A_306 : memref<1x32xf32, #tpu.memory_space<vmem>>) target_semaphore(%arg15 : memref<!tpu.dma_semaphore, #tpu.memory_space<semaphore_mem>>)
    %slice3A_309 = vector.extract_strided_slice %get3A_9 {offsets = [10], sizes = [1], strides = [1]} : vector<16xi32> to vector<1xi32>
    %squeeze3A_310 = vector.extract %slice3A_309[0] : i32 from vector<1xi32>
    %dma_start3A_311 = arith.constant 0 : i32
    %dma_start3A_312 = arith.constant 10 : i32
    %dma_start3A_313 = arith.constant 0 : i32
    %dma_start3A_314 = tpu.memref_slice %arg10[%dma_start3A_311, %dma_start3A_312, %dma_start3A_313] : memref<2x16x32xf32, #tpu.memory_space<vmem>> -> memref<1x1x32xf32, #tpu.memory_space<vmem>>
    %dma_start3A_315 = tpu.memref_squeeze %dma_start3A_314 : memref<1x1x32xf32, #tpu.memory_space<vmem>> -> memref<1x32xf32, #tpu.memory_space<vmem>>
    %dma_start3A_316 = arith.constant 0 : i32
    %dma_start3A_317 = tpu.memref_slice %arg5[%squeeze3A_310, %dma_start3A_316] : memref<1000000x32xf32, #tpu.memory_space<hbm>> -> memref<1x32xf32, #tpu.memory_space<hbm>>
    %dma_start3A_318 = arith.constant 10 : i32
    %dma_start3A_319 = arith.constant 0 : i32
    %dma_start3A_320 = tpu.memref_slice %arg10[%dma_start3A_311, %dma_start3A_318, %dma_start3A_319] : memref<2x16x32xf32, #tpu.memory_space<vmem>> -> memref<1x1x32xf32, #tpu.memory_space<vmem>>
    %dma_start3A_321 = tpu.memref_squeeze %dma_start3A_320 : memref<1x1x32xf32, #tpu.memory_space<vmem>> -> memref<1x32xf32, #tpu.memory_space<vmem>>
    %dma_start3A_322 = arith.constant 0 : i32
    %dma_start3A_323 = tpu.memref_slice %arg5[%squeeze3A_310, %dma_start3A_322] : memref<1000000x32xf32, #tpu.memory_space<hbm>> -> memref<1x32xf32, #tpu.memory_space<hbm>>
    tpu.enqueue_dma source(%dma_start3A_323 : memref<1x32xf32, #tpu.memory_space<hbm>>) target(%dma_start3A_321 : memref<1x32xf32, #tpu.memory_space<vmem>>) target_semaphore(%arg14 : memref<!tpu.dma_semaphore, #tpu.memory_space<semaphore_mem>>)
    %slice3A_324 = vector.extract_strided_slice %get3A_11 {offsets = [10], sizes = [1], strides = [1]} : vector<16xi32> to vector<1xi32>
    %squeeze3A_325 = vector.extract %slice3A_324[0] : i32 from vector<1xi32>
    %dma_start3A_326 = arith.constant 0 : i32
    %dma_start3A_327 = arith.constant 10 : i32
    %dma_start3A_328 = arith.constant 0 : i32
    %dma_start3A_329 = tpu.memref_slice %arg11[%dma_start3A_326, %dma_start3A_327, %dma_start3A_328] : memref<2x16x32xf32, #tpu.memory_space<vmem>> -> memref<1x1x32xf32, #tpu.memory_space<vmem>>
    %dma_start3A_330 = tpu.memref_squeeze %dma_start3A_329 : memref<1x1x32xf32, #tpu.memory_space<vmem>> -> memref<1x32xf32, #tpu.memory_space<vmem>>
    %dma_start3A_331 = arith.constant 0 : i32
    %dma_start3A_332 = tpu.memref_slice %arg6[%squeeze3A_325, %dma_start3A_331] : memref<1000000x32xf32, #tpu.memory_space<hbm>> -> memref<1x32xf32, #tpu.memory_space<hbm>>
    %dma_start3A_333 = arith.constant 10 : i32
    %dma_start3A_334 = arith.constant 0 : i32
    %dma_start3A_335 = tpu.memref_slice %arg11[%dma_start3A_326, %dma_start3A_333, %dma_start3A_334] : memref<2x16x32xf32, #tpu.memory_space<vmem>> -> memref<1x1x32xf32, #tpu.memory_space<vmem>>
    %dma_start3A_336 = tpu.memref_squeeze %dma_start3A_335 : memref<1x1x32xf32, #tpu.memory_space<vmem>> -> memref<1x32xf32, #tpu.memory_space<vmem>>
    %dma_start3A_337 = arith.constant 0 : i32
    %dma_start3A_338 = tpu.memref_slice %arg6[%squeeze3A_325, %dma_start3A_337] : memref<1000000x32xf32, #tpu.memory_space<hbm>> -> memref<1x32xf32, #tpu.memory_space<hbm>>
    tpu.enqueue_dma source(%dma_start3A_338 : memref<1x32xf32, #tpu.memory_space<hbm>>) target(%dma_start3A_336 : memref<1x32xf32, #tpu.memory_space<vmem>>) target_semaphore(%arg15 : memref<!tpu.dma_semaphore, #tpu.memory_space<semaphore_mem>>)
    %slice3A_339 = vector.extract_strided_slice %get3A_9 {offsets = [11], sizes = [1], strides = [1]} : vector<16xi32> to vector<1xi32>
    %squeeze3A_340 = vector.extract %slice3A_339[0] : i32 from vector<1xi32>
    %dma_start3A_341 = arith.constant 0 : i32
    %dma_start3A_342 = arith.constant 11 : i32
    %dma_start3A_343 = arith.constant 0 : i32
    %dma_start3A_344 = tpu.memref_slice %arg10[%dma_start3A_341, %dma_start3A_342, %dma_start3A_343] : memref<2x16x32xf32, #tpu.memory_space<vmem>> -> memref<1x1x32xf32, #tpu.memory_space<vmem>>
    %dma_start3A_345 = tpu.memref_squeeze %dma_start3A_344 : memref<1x1x32xf32, #tpu.memory_space<vmem>> -> memref<1x32xf32, #tpu.memory_space<vmem>>
    %dma_start3A_346 = arith.constant 0 : i32
    %dma_start3A_347 = tpu.memref_slice %arg5[%squeeze3A_340, %dma_start3A_346] : memref<1000000x32xf32, #tpu.memory_space<hbm>> -> memref<1x32xf32, #tpu.memory_space<hbm>>
    %dma_start3A_348 = arith.constant 11 : i32
    %dma_start3A_349 = arith.constant 0 : i32
    %dma_start3A_350 = tpu.memref_slice %arg10[%dma_start3A_341, %dma_start3A_348, %dma_start3A_349] : memref<2x16x32xf32, #tpu.memory_space<vmem>> -> memref<1x1x32xf32, #tpu.memory_space<vmem>>
    %dma_start3A_351 = tpu.memref_squeeze %dma_start3A_350 : memref<1x1x32xf32, #tpu.memory_space<vmem>> -> memref<1x32xf32, #tpu.memory_space<vmem>>
    %dma_start3A_352 = arith.constant 0 : i32
    %dma_start3A_353 = tpu.memref_slice %arg5[%squeeze3A_340, %dma_start3A_352] : memref<1000000x32xf32, #tpu.memory_space<hbm>> -> memref<1x32xf32, #tpu.memory_space<hbm>>
    tpu.enqueue_dma source(%dma_start3A_353 : memref<1x32xf32, #tpu.memory_space<hbm>>) target(%dma_start3A_351 : memref<1x32xf32, #tpu.memory_space<vmem>>) target_semaphore(%arg14 : memref<!tpu.dma_semaphore, #tpu.memory_space<semaphore_mem>>)
    %slice3A_354 = vector.extract_strided_slice %get3A_11 {offsets = [11], sizes = [1], strides = [1]} : vector<16xi32> to vector<1xi32>
    %squeeze3A_355 = vector.extract %slice3A_354[0] : i32 from vector<1xi32>
    %dma_start3A_356 = arith.constant 0 : i32
    %dma_start3A_357 = arith.constant 11 : i32
    %dma_start3A_358 = arith.constant 0 : i32
    %dma_start3A_359 = tpu.memref_slice %arg11[%dma_start3A_356, %dma_start3A_357, %dma_start3A_358] : memref<2x16x32xf32, #tpu.memory_space<vmem>> -> memref<1x1x32xf32, #tpu.memory_space<vmem>>
    %dma_start3A_360 = tpu.memref_squeeze %dma_start3A_359 : memref<1x1x32xf32, #tpu.memory_space<vmem>> -> memref<1x32xf32, #tpu.memory_space<vmem>>
    %dma_start3A_361 = arith.constant 0 : i32
    %dma_start3A_362 = tpu.memref_slice %arg6[%squeeze3A_355, %dma_start3A_361] : memref<1000000x32xf32, #tpu.memory_space<hbm>> -> memref<1x32xf32, #tpu.memory_space<hbm>>
    %dma_start3A_363 = arith.constant 11 : i32
    %dma_start3A_364 = arith.constant 0 : i32
    %dma_start3A_365 = tpu.memref_slice %arg11[%dma_start3A_356, %dma_start3A_363, %dma_start3A_364] : memref<2x16x32xf32, #tpu.memory_space<vmem>> -> memref<1x1x32xf32, #tpu.memory_space<vmem>>
    %dma_start3A_366 = tpu.memref_squeeze %dma_start3A_365 : memref<1x1x32xf32, #tpu.memory_space<vmem>> -> memref<1x32xf32, #tpu.memory_space<vmem>>
    %dma_start3A_367 = arith.constant 0 : i32
    %dma_start3A_368 = tpu.memref_slice %arg6[%squeeze3A_355, %dma_start3A_367] : memref<1000000x32xf32, #tpu.memory_space<hbm>> -> memref<1x32xf32, #tpu.memory_space<hbm>>
    tpu.enqueue_dma source(%dma_start3A_368 : memref<1x32xf32, #tpu.memory_space<hbm>>) target(%dma_start3A_366 : memref<1x32xf32, #tpu.memory_space<vmem>>) target_semaphore(%arg15 : memref<!tpu.dma_semaphore, #tpu.memory_space<semaphore_mem>>)
    %slice3A_369 = vector.extract_strided_slice %get3A_9 {offsets = [12], sizes = [1], strides = [1]} : vector<16xi32> to vector<1xi32>
    %squeeze3A_370 = vector.extract %slice3A_369[0] : i32 from vector<1xi32>
    %dma_start3A_371 = arith.constant 0 : i32
    %dma_start3A_372 = arith.constant 12 : i32
    %dma_start3A_373 = arith.constant 0 : i32
    %dma_start3A_374 = tpu.memref_slice %arg10[%dma_start3A_371, %dma_start3A_372, %dma_start3A_373] : memref<2x16x32xf32, #tpu.memory_space<vmem>> -> memref<1x1x32xf32, #tpu.memory_space<vmem>>
    %dma_start3A_375 = tpu.memref_squeeze %dma_start3A_374 : memref<1x1x32xf32, #tpu.memory_space<vmem>> -> memref<1x32xf32, #tpu.memory_space<vmem>>
    %dma_start3A_376 = arith.constant 0 : i32
    %dma_start3A_377 = tpu.memref_slice %arg5[%squeeze3A_370, %dma_start3A_376] : memref<1000000x32xf32, #tpu.memory_space<hbm>> -> memref<1x32xf32, #tpu.memory_space<hbm>>
    %dma_start3A_378 = arith.constant 12 : i32
    %dma_start3A_379 = arith.constant 0 : i32
    %dma_start3A_380 = tpu.memref_slice %arg10[%dma_start3A_371, %dma_start3A_378, %dma_start3A_379] : memref<2x16x32xf32, #tpu.memory_space<vmem>> -> memref<1x1x32xf32, #tpu.memory_space<vmem>>
    %dma_start3A_381 = tpu.memref_squeeze %dma_start3A_380 : memref<1x1x32xf32, #tpu.memory_space<vmem>> -> memref<1x32xf32, #tpu.memory_space<vmem>>
    %dma_start3A_382 = arith.constant 0 : i32
    %dma_start3A_383 = tpu.memref_slice %arg5[%squeeze3A_370, %dma_start3A_382] : memref<1000000x32xf32, #tpu.memory_space<hbm>> -> memref<1x32xf32, #tpu.memory_space<hbm>>
    tpu.enqueue_dma source(%dma_start3A_383 : memref<1x32xf32, #tpu.memory_space<hbm>>) target(%dma_start3A_381 : memref<1x32xf32, #tpu.memory_space<vmem>>) target_semaphore(%arg14 : memref<!tpu.dma_semaphore, #tpu.memory_space<semaphore_mem>>)
    %slice3A_384 = vector.extract_strided_slice %get3A_11 {offsets = [12], sizes = [1], strides = [1]} : vector<16xi32> to vector<1xi32>
    %squeeze3A_385 = vector.extract %slice3A_384[0] : i32 from vector<1xi32>
    %dma_start3A_386 = arith.constant 0 : i32
    %dma_start3A_387 = arith.constant 12 : i32
    %dma_start3A_388 = arith.constant 0 : i32
    %dma_start3A_389 = tpu.memref_slice %arg11[%dma_start3A_386, %dma_start3A_387, %dma_start3A_388] : memref<2x16x32xf32, #tpu.memory_space<vmem>> -> memref<1x1x32xf32, #tpu.memory_space<vmem>>
    %dma_start3A_390 = tpu.memref_squeeze %dma_start3A_389 : memref<1x1x32xf32, #tpu.memory_space<vmem>> -> memref<1x32xf32, #tpu.memory_space<vmem>>
    %dma_start3A_391 = arith.constant 0 : i32
    %dma_start3A_392 = tpu.memref_slice %arg6[%squeeze3A_385, %dma_start3A_391] : memref<1000000x32xf32, #tpu.memory_space<hbm>> -> memref<1x32xf32, #tpu.memory_space<hbm>>
    %dma_start3A_393 = arith.constant 12 : i32
    %dma_start3A_394 = arith.constant 0 : i32
    %dma_start3A_395 = tpu.memref_slice %arg11[%dma_start3A_386, %dma_start3A_393, %dma_start3A_394] : memref<2x16x32xf32, #tpu.memory_space<vmem>> -> memref<1x1x32xf32, #tpu.memory_space<vmem>>
    %dma_start3A_396 = tpu.memref_squeeze %dma_start3A_395 : memref<1x1x32xf32, #tpu.memory_space<vmem>> -> memref<1x32xf32, #tpu.memory_space<vmem>>
    %dma_start3A_397 = arith.constant 0 : i32
    %dma_start3A_398 = tpu.memref_slice %arg6[%squeeze3A_385, %dma_start3A_397] : memref<1000000x32xf32, #tpu.memory_space<hbm>> -> memref<1x32xf32, #tpu.memory_space<hbm>>
    tpu.enqueue_dma source(%dma_start3A_398 : memref<1x32xf32, #tpu.memory_space<hbm>>) target(%dma_start3A_396 : memref<1x32xf32, #tpu.memory_space<vmem>>) target_semaphore(%arg15 : memref<!tpu.dma_semaphore, #tpu.memory_space<semaphore_mem>>)
    %slice3A_399 = vector.extract_strided_slice %get3A_9 {offsets = [13], sizes = [1], strides = [1]} : vector<16xi32> to vector<1xi32>
    %squeeze3A_400 = vector.extract %slice3A_399[0] : i32 from vector<1xi32>
    %dma_start3A_401 = arith.constant 0 : i32
    %dma_start3A_402 = arith.constant 13 : i32
    %dma_start3A_403 = arith.constant 0 : i32
    %dma_start3A_404 = tpu.memref_slice %arg10[%dma_start3A_401, %dma_start3A_402, %dma_start3A_403] : memref<2x16x32xf32, #tpu.memory_space<vmem>> -> memref<1x1x32xf32, #tpu.memory_space<vmem>>
    %dma_start3A_405 = tpu.memref_squeeze %dma_start3A_404 : memref<1x1x32xf32, #tpu.memory_space<vmem>> -> memref<1x32xf32, #tpu.memory_space<vmem>>
    %dma_start3A_406 = arith.constant 0 : i32
    %dma_start3A_407 = tpu.memref_slice %arg5[%squeeze3A_400, %dma_start3A_406] : memref<1000000x32xf32, #tpu.memory_space<hbm>> -> memref<1x32xf32, #tpu.memory_space<hbm>>
    %dma_start3A_408 = arith.constant 13 : i32
    %dma_start3A_409 = arith.constant 0 : i32
    %dma_start3A_410 = tpu.memref_slice %arg10[%dma_start3A_401, %dma_start3A_408, %dma_start3A_409] : memref<2x16x32xf32, #tpu.memory_space<vmem>> -> memref<1x1x32xf32, #tpu.memory_space<vmem>>
    %dma_start3A_411 = tpu.memref_squeeze %dma_start3A_410 : memref<1x1x32xf32, #tpu.memory_space<vmem>> -> memref<1x32xf32, #tpu.memory_space<vmem>>
    %dma_start3A_412 = arith.constant 0 : i32
    %dma_start3A_413 = tpu.memref_slice %arg5[%squeeze3A_400, %dma_start3A_412] : memref<1000000x32xf32, #tpu.memory_space<hbm>> -> memref<1x32xf32, #tpu.memory_space<hbm>>
    tpu.enqueue_dma source(%dma_start3A_413 : memref<1x32xf32, #tpu.memory_space<hbm>>) target(%dma_start3A_411 : memref<1x32xf32, #tpu.memory_space<vmem>>) target_semaphore(%arg14 : memref<!tpu.dma_semaphore, #tpu.memory_space<semaphore_mem>>)
    %slice3A_414 = vector.extract_strided_slice %get3A_11 {offsets = [13], sizes = [1], strides = [1]} : vector<16xi32> to vector<1xi32>
    %squeeze3A_415 = vector.extract %slice3A_414[0] : i32 from vector<1xi32>
    %dma_start3A_416 = arith.constant 0 : i32
    %dma_start3A_417 = arith.constant 13 : i32
    %dma_start3A_418 = arith.constant 0 : i32
    %dma_start3A_419 = tpu.memref_slice %arg11[%dma_start3A_416, %dma_start3A_417, %dma_start3A_418] : memref<2x16x32xf32, #tpu.memory_space<vmem>> -> memref<1x1x32xf32, #tpu.memory_space<vmem>>
    %dma_start3A_420 = tpu.memref_squeeze %dma_start3A_419 : memref<1x1x32xf32, #tpu.memory_space<vmem>> -> memref<1x32xf32, #tpu.memory_space<vmem>>
    %dma_start3A_421 = arith.constant 0 : i32
    %dma_start3A_422 = tpu.memref_slice %arg6[%squeeze3A_415, %dma_start3A_421] : memref<1000000x32xf32, #tpu.memory_space<hbm>> -> memref<1x32xf32, #tpu.memory_space<hbm>>
    %dma_start3A_423 = arith.constant 13 : i32
    %dma_start3A_424 = arith.constant 0 : i32
    %dma_start3A_425 = tpu.memref_slice %arg11[%dma_start3A_416, %dma_start3A_423, %dma_start3A_424] : memref<2x16x32xf32, #tpu.memory_space<vmem>> -> memref<1x1x32xf32, #tpu.memory_space<vmem>>
    %dma_start3A_426 = tpu.memref_squeeze %dma_start3A_425 : memref<1x1x32xf32, #tpu.memory_space<vmem>> -> memref<1x32xf32, #tpu.memory_space<vmem>>
    %dma_start3A_427 = arith.constant 0 : i32
    %dma_start3A_428 = tpu.memref_slice %arg6[%squeeze3A_415, %dma_start3A_427] : memref<1000000x32xf32, #tpu.memory_space<hbm>> -> memref<1x32xf32, #tpu.memory_space<hbm>>
    tpu.enqueue_dma source(%dma_start3A_428 : memref<1x32xf32, #tpu.memory_space<hbm>>) target(%dma_start3A_426 : memref<1x32xf32, #tpu.memory_space<vmem>>) target_semaphore(%arg15 : memref<!tpu.dma_semaphore, #tpu.memory_space<semaphore_mem>>)
    %slice3A_429 = vector.extract_strided_slice %get3A_9 {offsets = [14], sizes = [1], strides = [1]} : vector<16xi32> to vector<1xi32>
    %squeeze3A_430 = vector.extract %slice3A_429[0] : i32 from vector<1xi32>
    %dma_start3A_431 = arith.constant 0 : i32
    %dma_start3A_432 = arith.constant 14 : i32
    %dma_start3A_433 = arith.constant 0 : i32
    %dma_start3A_434 = tpu.memref_slice %arg10[%dma_start3A_431, %dma_start3A_432, %dma_start3A_433] : memref<2x16x32xf32, #tpu.memory_space<vmem>> -> memref<1x1x32xf32, #tpu.memory_space<vmem>>
    %dma_start3A_435 = tpu.memref_squeeze %dma_start3A_434 : memref<1x1x32xf32, #tpu.memory_space<vmem>> -> memref<1x32xf32, #tpu.memory_space<vmem>>
    %dma_start3A_436 = arith.constant 0 : i32
    %dma_start3A_437 = tpu.memref_slice %arg5[%squeeze3A_430, %dma_start3A_436] : memref<1000000x32xf32, #tpu.memory_space<hbm>> -> memref<1x32xf32, #tpu.memory_space<hbm>>
    %dma_start3A_438 = arith.constant 14 : i32
    %dma_start3A_439 = arith.constant 0 : i32
    %dma_start3A_440 = tpu.memref_slice %arg10[%dma_start3A_431, %dma_start3A_438, %dma_start3A_439] : memref<2x16x32xf32, #tpu.memory_space<vmem>> -> memref<1x1x32xf32, #tpu.memory_space<vmem>>
    %dma_start3A_441 = tpu.memref_squeeze %dma_start3A_440 : memref<1x1x32xf32, #tpu.memory_space<vmem>> -> memref<1x32xf32, #tpu.memory_space<vmem>>
    %dma_start3A_442 = arith.constant 0 : i32
    %dma_start3A_443 = tpu.memref_slice %arg5[%squeeze3A_430, %dma_start3A_442] : memref<1000000x32xf32, #tpu.memory_space<hbm>> -> memref<1x32xf32, #tpu.memory_space<hbm>>
    tpu.enqueue_dma source(%dma_start3A_443 : memref<1x32xf32, #tpu.memory_space<hbm>>) target(%dma_start3A_441 : memref<1x32xf32, #tpu.memory_space<vmem>>) target_semaphore(%arg14 : memref<!tpu.dma_semaphore, #tpu.memory_space<semaphore_mem>>)
    %slice3A_444 = vector.extract_strided_slice %get3A_11 {offsets = [14], sizes = [1], strides = [1]} : vector<16xi32> to vector<1xi32>
    %squeeze3A_445 = vector.extract %slice3A_444[0] : i32 from vector<1xi32>
    %dma_start3A_446 = arith.constant 0 : i32
    %dma_start3A_447 = arith.constant 14 : i32
    %dma_start3A_448 = arith.constant 0 : i32
    %dma_start3A_449 = tpu.memref_slice %arg11[%dma_start3A_446, %dma_start3A_447, %dma_start3A_448] : memref<2x16x32xf32, #tpu.memory_space<vmem>> -> memref<1x1x32xf32, #tpu.memory_space<vmem>>
    %dma_start3A_450 = tpu.memref_squeeze %dma_start3A_449 : memref<1x1x32xf32, #tpu.memory_space<vmem>> -> memref<1x32xf32, #tpu.memory_space<vmem>>
    %dma_start3A_451 = arith.constant 0 : i32
    %dma_start3A_452 = tpu.memref_slice %arg6[%squeeze3A_445, %dma_start3A_451] : memref<1000000x32xf32, #tpu.memory_space<hbm>> -> memref<1x32xf32, #tpu.memory_space<hbm>>
    %dma_start3A_453 = arith.constant 14 : i32
    %dma_start3A_454 = arith.constant 0 : i32
    %dma_start3A_455 = tpu.memref_slice %arg11[%dma_start3A_446, %dma_start3A_453, %dma_start3A_454] : memref<2x16x32xf32, #tpu.memory_space<vmem>> -> memref<1x1x32xf32, #tpu.memory_space<vmem>>
    %dma_start3A_456 = tpu.memref_squeeze %dma_start3A_455 : memref<1x1x32xf32, #tpu.memory_space<vmem>> -> memref<1x32xf32, #tpu.memory_space<vmem>>
    %dma_start3A_457 = arith.constant 0 : i32
    %dma_start3A_458 = tpu.memref_slice %arg6[%squeeze3A_445, %dma_start3A_457] : memref<1000000x32xf32, #tpu.memory_space<hbm>> -> memref<1x32xf32, #tpu.memory_space<hbm>>
    tpu.enqueue_dma source(%dma_start3A_458 : memref<1x32xf32, #tpu.memory_space<hbm>>) target(%dma_start3A_456 : memref<1x32xf32, #tpu.memory_space<vmem>>) target_semaphore(%arg15 : memref<!tpu.dma_semaphore, #tpu.memory_space<semaphore_mem>>)
    %slice3A_459 = vector.extract_strided_slice %get3A_9 {offsets = [15], sizes = [1], strides = [1]} : vector<16xi32> to vector<1xi32>
    %squeeze3A_460 = vector.extract %slice3A_459[0] : i32 from vector<1xi32>
    %dma_start3A_461 = arith.constant 0 : i32
    %dma_start3A_462 = arith.constant 15 : i32
    %dma_start3A_463 = arith.constant 0 : i32
    %dma_start3A_464 = tpu.memref_slice %arg10[%dma_start3A_461, %dma_start3A_462, %dma_start3A_463] : memref<2x16x32xf32, #tpu.memory_space<vmem>> -> memref<1x1x32xf32, #tpu.memory_space<vmem>>
    %dma_start3A_465 = tpu.memref_squeeze %dma_start3A_464 : memref<1x1x32xf32, #tpu.memory_space<vmem>> -> memref<1x32xf32, #tpu.memory_space<vmem>>
    %dma_start3A_466 = arith.constant 0 : i32
    %dma_start3A_467 = tpu.memref_slice %arg5[%squeeze3A_460, %dma_start3A_466] : memref<1000000x32xf32, #tpu.memory_space<hbm>> -> memref<1x32xf32, #tpu.memory_space<hbm>>
    %dma_start3A_468 = arith.constant 15 : i32
    %dma_start3A_469 = arith.constant 0 : i32
    %dma_start3A_470 = tpu.memref_slice %arg10[%dma_start3A_461, %dma_start3A_468, %dma_start3A_469] : memref<2x16x32xf32, #tpu.memory_space<vmem>> -> memref<1x1x32xf32, #tpu.memory_space<vmem>>
    %dma_start3A_471 = tpu.memref_squeeze %dma_start3A_470 : memref<1x1x32xf32, #tpu.memory_space<vmem>> -> memref<1x32xf32, #tpu.memory_space<vmem>>
    %dma_start3A_472 = arith.constant 0 : i32
    %dma_start3A_473 = tpu.memref_slice %arg5[%squeeze3A_460, %dma_start3A_472] : memref<1000000x32xf32, #tpu.memory_space<hbm>> -> memref<1x32xf32, #tpu.memory_space<hbm>>
    tpu.enqueue_dma source(%dma_start3A_473 : memref<1x32xf32, #tpu.memory_space<hbm>>) target(%dma_start3A_471 : memref<1x32xf32, #tpu.memory_space<vmem>>) target_semaphore(%arg14 : memref<!tpu.dma_semaphore, #tpu.memory_space<semaphore_mem>>)
    %slice3A_474 = vector.extract_strided_slice %get3A_11 {offsets = [15], sizes = [1], strides = [1]} : vector<16xi32> to vector<1xi32>
    %squeeze3A_475 = vector.extract %slice3A_474[0] : i32 from vector<1xi32>
    %dma_start3A_476 = arith.constant 0 : i32
    %dma_start3A_477 = arith.constant 15 : i32
    %dma_start3A_478 = arith.constant 0 : i32
    %dma_start3A_479 = tpu.memref_slice %arg11[%dma_start3A_476, %dma_start3A_477, %dma_start3A_478] : memref<2x16x32xf32, #tpu.memory_space<vmem>> -> memref<1x1x32xf32, #tpu.memory_space<vmem>>
    %dma_start3A_480 = tpu.memref_squeeze %dma_start3A_479 : memref<1x1x32xf32, #tpu.memory_space<vmem>> -> memref<1x32xf32, #tpu.memory_space<vmem>>
    %dma_start3A_481 = arith.constant 0 : i32
    %dma_start3A_482 = tpu.memref_slice %arg6[%squeeze3A_475, %dma_start3A_481] : memref<1000000x32xf32, #tpu.memory_space<hbm>> -> memref<1x32xf32, #tpu.memory_space<hbm>>
    %dma_start3A_483 = arith.constant 15 : i32
    %dma_start3A_484 = arith.constant 0 : i32
    %dma_start3A_485 = tpu.memref_slice %arg11[%dma_start3A_476, %dma_start3A_483, %dma_start3A_484] : memref<2x16x32xf32, #tpu.memory_space<vmem>> -> memref<1x1x32xf32, #tpu.memory_space<vmem>>
    %dma_start3A_486 = tpu.memref_squeeze %dma_start3A_485 : memref<1x1x32xf32, #tpu.memory_space<vmem>> -> memref<1x32xf32, #tpu.memory_space<vmem>>
    %dma_start3A_487 = arith.constant 0 : i32
    %dma_start3A_488 = tpu.memref_slice %arg6[%squeeze3A_475, %dma_start3A_487] : memref<1000000x32xf32, #tpu.memory_space<hbm>> -> memref<1x32xf32, #tpu.memory_space<hbm>>
    tpu.enqueue_dma source(%dma_start3A_488 : memref<1x32xf32, #tpu.memory_space<hbm>>) target(%dma_start3A_486 : memref<1x32xf32, #tpu.memory_space<vmem>>) target_semaphore(%arg15 : memref<!tpu.dma_semaphore, #tpu.memory_space<semaphore_mem>>)
    %scan3A = arith.constant 0 : i32
    %scan3A_489 = arith.constant 0 : i32
    %scan3A_490 = arith.constant 32 : i32
    %scan3A_491 = arith.addi %scan3A_489, %scan3A_490 : i32
    %scan3A_492 = arith.constant 1 : i32
    scf.for %scan3A_494 = %scan3A_489 to %scan3A_491 step %scan3A_492  : i32 {
      %rem3A = arith.constant 2 : i32
      %rem3A_495 = arith.remsi %scan3A_494, %rem3A : i32
      %sub3A = arith.constant 1 : i32
      %sub3A_496 = arith.subi %sub3A, %rem3A_495 : i32
      %add3A_497 = arith.constant 1 : i32
      %add3A_498 = arith.addi %scan3A_494, %add3A_497 : i32
      %lt3A = arith.constant 32 : i32
      %lt3A_499 = arith.cmpi slt, %add3A_498, %lt3A : i32
      %convert_element_type3A = arith.extui %lt3A_499 : i1 to i32
      %cond3A = arith.constant 0 : i32
      %cond3A_500 = arith.cmpi ne, %convert_element_type3A, %cond3A : i32
      scf.if %cond3A_500 {
        %add3A_1095 = arith.constant 1 : i32
        %add3A_1096 = arith.addi %scan3A_494, %add3A_1095 : i32
        %mul3A_1097 = arith.constant 16 : i32
        %mul3A_1098 = arith.muli %add3A_1096, %mul3A_1097 : i32
        %get3A_1099 = arith.index_cast %mul3A_1098 : i32 to index
        %get3A_1100 = tpu.vector_load %arg8[%get3A_1099] {strides = array<i32>} : memref<512xi32, #tpu.memory_space<vmem>>, vector<16xi32>,
        %mul3A_1101 = arith.constant 16 : i32
        %mul3A_1102 = arith.muli %add3A_1096, %mul3A_1101 : i32
        %get3A_1103 = arith.index_cast %mul3A_1102 : i32 to index
        %get3A_1104 = tpu.vector_load %arg9[%get3A_1103] {strides = array<i32>} : memref<512xi32, #tpu.memory_space<vmem>>, vector<16xi32>,
        %slice3A_1105 = vector.extract_strided_slice %get3A_1100 {offsets = [0], sizes = [1], strides = [1]} : vector<16xi32> to vector<1xi32>
        %squeeze3A_1106 = vector.extract %slice3A_1105[0] : i32 from vector<1xi32>
        %dma_start3A_1107 = arith.constant 0 : i32
        %dma_start3A_1108 = arith.constant 0 : i32
        %dma_start3A_1109 = tpu.memref_slice %arg10[%sub3A_496, %dma_start3A_1107, %dma_start3A_1108] : memref<2x16x32xf32, #tpu.memory_space<vmem>> -> memref<1x1x32xf32, #tpu.memory_space<vmem>>
        %dma_start3A_1110 = tpu.memref_squeeze %dma_start3A_1109 : memref<1x1x32xf32, #tpu.memory_space<vmem>> -> memref<1x32xf32, #tpu.memory_space<vmem>>
        %dma_start3A_1111 = arith.constant 0 : i32
        %dma_start3A_1112 = tpu.memref_slice %arg5[%squeeze3A_1106, %dma_start3A_1111] : memref<1000000x32xf32, #tpu.memory_space<hbm>> -> memref<1x32xf32, #tpu.memory_space<hbm>>
        %dma_start3A_1113 = arith.constant 0 : i32
        %dma_start3A_1114 = arith.constant 0 : i32
        %dma_start3A_1115 = tpu.memref_slice %arg10[%sub3A_496, %dma_start3A_1113, %dma_start3A_1114] : memref<2x16x32xf32, #tpu.memory_space<vmem>> -> memref<1x1x32xf32, #tpu.memory_space<vmem>>
        %dma_start3A_1116 = tpu.memref_squeeze %dma_start3A_1115 : memref<1x1x32xf32, #tpu.memory_space<vmem>> -> memref<1x32xf32, #tpu.memory_space<vmem>>
        %dma_start3A_1117 = arith.constant 0 : i32
        %dma_start3A_1118 = tpu.memref_slice %arg5[%squeeze3A_1106, %dma_start3A_1117] : memref<1000000x32xf32, #tpu.memory_space<hbm>> -> memref<1x32xf32, #tpu.memory_space<hbm>>
        tpu.enqueue_dma source(%dma_start3A_1118 : memref<1x32xf32, #tpu.memory_space<hbm>>) target(%dma_start3A_1116 : memref<1x32xf32, #tpu.memory_space<vmem>>) target_semaphore(%arg14 : memref<!tpu.dma_semaphore, #tpu.memory_space<semaphore_mem>>)
        %slice3A_1119 = vector.extract_strided_slice %get3A_1104 {offsets = [0], sizes = [1], strides = [1]} : vector<16xi32> to vector<1xi32>
        %squeeze3A_1120 = vector.extract %slice3A_1119[0] : i32 from vector<1xi32>
        %dma_start3A_1121 = arith.constant 0 : i32
        %dma_start3A_1122 = arith.constant 0 : i32
        %dma_start3A_1123 = tpu.memref_slice %arg11[%sub3A_496, %dma_start3A_1121, %dma_start3A_1122] : memref<2x16x32xf32, #tpu.memory_space<vmem>> -> memref<1x1x32xf32, #tpu.memory_space<vmem>>
        %dma_start3A_1124 = tpu.memref_squeeze %dma_start3A_1123 : memref<1x1x32xf32, #tpu.memory_space<vmem>> -> memref<1x32xf32, #tpu.memory_space<vmem>>
        %dma_start3A_1125 = arith.constant 0 : i32
        %dma_start3A_1126 = tpu.memref_slice %arg6[%squeeze3A_1120, %dma_start3A_1125] : memref<1000000x32xf32, #tpu.memory_space<hbm>> -> memref<1x32xf32, #tpu.memory_space<hbm>>
        %dma_start3A_1127 = arith.constant 0 : i32
        %dma_start3A_1128 = arith.constant 0 : i32
        %dma_start3A_1129 = tpu.memref_slice %arg11[%sub3A_496, %dma_start3A_1127, %dma_start3A_1128] : memref<2x16x32xf32, #tpu.memory_space<vmem>> -> memref<1x1x32xf32, #tpu.memory_space<vmem>>
        %dma_start3A_1130 = tpu.memref_squeeze %dma_start3A_1129 : memref<1x1x32xf32, #tpu.memory_space<vmem>> -> memref<1x32xf32, #tpu.memory_space<vmem>>
        %dma_start3A_1131 = arith.constant 0 : i32
        %dma_start3A_1132 = tpu.memref_slice %arg6[%squeeze3A_1120, %dma_start3A_1131] : memref<1000000x32xf32, #tpu.memory_space<hbm>> -> memref<1x32xf32, #tpu.memory_space<hbm>>
        tpu.enqueue_dma source(%dma_start3A_1132 : memref<1x32xf32, #tpu.memory_space<hbm>>) target(%dma_start3A_1130 : memref<1x32xf32, #tpu.memory_space<vmem>>) target_semaphore(%arg15 : memref<!tpu.dma_semaphore, #tpu.memory_space<semaphore_mem>>)
        %slice3A_1133 = vector.extract_strided_slice %get3A_1100 {offsets = [1], sizes = [1], strides = [1]} : vector<16xi32> to vector<1xi32>
        %squeeze3A_1134 = vector.extract %slice3A_1133[0] : i32 from vector<1xi32>
        %dma_start3A_1135 = arith.constant 1 : i32
        %dma_start3A_1136 = arith.constant 0 : i32
        %dma_start3A_1137 = tpu.memref_slice %arg10[%sub3A_496, %dma_start3A_1135, %dma_start3A_1136] : memref<2x16x32xf32, #tpu.memory_space<vmem>> -> memref<1x1x32xf32, #tpu.memory_space<vmem>>
        %dma_start3A_1138 = tpu.memref_squeeze %dma_start3A_1137 : memref<1x1x32xf32, #tpu.memory_space<vmem>> -> memref<1x32xf32, #tpu.memory_space<vmem>>
        %dma_start3A_1139 = arith.constant 0 : i32
        %dma_start3A_1140 = tpu.memref_slice %arg5[%squeeze3A_1134, %dma_start3A_1139] : memref<1000000x32xf32, #tpu.memory_space<hbm>> -> memref<1x32xf32, #tpu.memory_space<hbm>>
        %dma_start3A_1141 = arith.constant 1 : i32
        %dma_start3A_1142 = arith.constant 0 : i32
        %dma_start3A_1143 = tpu.memref_slice %arg10[%sub3A_496, %dma_start3A_1141, %dma_start3A_1142] : memref<2x16x32xf32, #tpu.memory_space<vmem>> -> memref<1x1x32xf32, #tpu.memory_space<vmem>>
        %dma_start3A_1144 = tpu.memref_squeeze %dma_start3A_1143 : memref<1x1x32xf32, #tpu.memory_space<vmem>> -> memref<1x32xf32, #tpu.memory_space<vmem>>
        %dma_start3A_1145 = arith.constant 0 : i32
        %dma_start3A_1146 = tpu.memref_slice %arg5[%squeeze3A_1134, %dma_start3A_1145] : memref<1000000x32xf32, #tpu.memory_space<hbm>> -> memref<1x32xf32, #tpu.memory_space<hbm>>
        tpu.enqueue_dma source(%dma_start3A_1146 : memref<1x32xf32, #tpu.memory_space<hbm>>) target(%dma_start3A_1144 : memref<1x32xf32, #tpu.memory_space<vmem>>) target_semaphore(%arg14 : memref<!tpu.dma_semaphore, #tpu.memory_space<semaphore_mem>>)
        %slice3A_1147 = vector.extract_strided_slice %get3A_1104 {offsets = [1], sizes = [1], strides = [1]} : vector<16xi32> to vector<1xi32>
        %squeeze3A_1148 = vector.extract %slice3A_1147[0] : i32 from vector<1xi32>
        %dma_start3A_1149 = arith.constant 1 : i32
        %dma_start3A_1150 = arith.constant 0 : i32
        %dma_start3A_1151 = tpu.memref_slice %arg11[%sub3A_496, %dma_start3A_1149, %dma_start3A_1150] : memref<2x16x32xf32, #tpu.memory_space<vmem>> -> memref<1x1x32xf32, #tpu.memory_space<vmem>>
        %dma_start3A_1152 = tpu.memref_squeeze %dma_start3A_1151 : memref<1x1x32xf32, #tpu.memory_space<vmem>> -> memref<1x32xf32, #tpu.memory_space<vmem>>
        %dma_start3A_1153 = arith.constant 0 : i32
        %dma_start3A_1154 = tpu.memref_slice %arg6[%squeeze3A_1148, %dma_start3A_1153] : memref<1000000x32xf32, #tpu.memory_space<hbm>> -> memref<1x32xf32, #tpu.memory_space<hbm>>
        %dma_start3A_1155 = arith.constant 1 : i32
        %dma_start3A_1156 = arith.constant 0 : i32
        %dma_start3A_1157 = tpu.memref_slice %arg11[%sub3A_496, %dma_start3A_1155, %dma_start3A_1156] : memref<2x16x32xf32, #tpu.memory_space<vmem>> -> memref<1x1x32xf32, #tpu.memory_space<vmem>>
        %dma_start3A_1158 = tpu.memref_squeeze %dma_start3A_1157 : memref<1x1x32xf32, #tpu.memory_space<vmem>> -> memref<1x32xf32, #tpu.memory_space<vmem>>
        %dma_start3A_1159 = arith.constant 0 : i32
        %dma_start3A_1160 = tpu.memref_slice %arg6[%squeeze3A_1148, %dma_start3A_1159] : memref<1000000x32xf32, #tpu.memory_space<hbm>> -> memref<1x32xf32, #tpu.memory_space<hbm>>
        tpu.enqueue_dma source(%dma_start3A_1160 : memref<1x32xf32, #tpu.memory_space<hbm>>) target(%dma_start3A_1158 : memref<1x32xf32, #tpu.memory_space<vmem>>) target_semaphore(%arg15 : memref<!tpu.dma_semaphore, #tpu.memory_space<semaphore_mem>>)
        %slice3A_1161 = vector.extract_strided_slice %get3A_1100 {offsets = [2], sizes = [1], strides = [1]} : vector<16xi32> to vector<1xi32>
        %squeeze3A_1162 = vector.extract %slice3A_1161[0] : i32 from vector<1xi32>
        %dma_start3A_1163 = arith.constant 2 : i32
        %dma_start3A_1164 = arith.constant 0 : i32
        %dma_start3A_1165 = tpu.memref_slice %arg10[%sub3A_496, %dma_start3A_1163, %dma_start3A_1164] : memref<2x16x32xf32, #tpu.memory_space<vmem>> -> memref<1x1x32xf32, #tpu.memory_space<vmem>>
        %dma_start3A_1166 = tpu.memref_squeeze %dma_start3A_1165 : memref<1x1x32xf32, #tpu.memory_space<vmem>> -> memref<1x32xf32, #tpu.memory_space<vmem>>
        %dma_start3A_1167 = arith.constant 0 : i32
        %dma_start3A_1168 = tpu.memref_slice %arg5[%squeeze3A_1162, %dma_start3A_1167] : memref<1000000x32xf32, #tpu.memory_space<hbm>> -> memref<1x32xf32, #tpu.memory_space<hbm>>
        %dma_start3A_1169 = arith.constant 2 : i32
        %dma_start3A_1170 = arith.constant 0 : i32
        %dma_start3A_1171 = tpu.memref_slice %arg10[%sub3A_496, %dma_start3A_1169, %dma_start3A_1170] : memref<2x16x32xf32, #tpu.memory_space<vmem>> -> memref<1x1x32xf32, #tpu.memory_space<vmem>>
        %dma_start3A_1172 = tpu.memref_squeeze %dma_start3A_1171 : memref<1x1x32xf32, #tpu.memory_space<vmem>> -> memref<1x32xf32, #tpu.memory_space<vmem>>
        %dma_start3A_1173 = arith.constant 0 : i32
        %dma_start3A_1174 = tpu.memref_slice %arg5[%squeeze3A_1162, %dma_start3A_1173] : memref<1000000x32xf32, #tpu.memory_space<hbm>> -> memref<1x32xf32, #tpu.memory_space<hbm>>
        tpu.enqueue_dma source(%dma_start3A_1174 : memref<1x32xf32, #tpu.memory_space<hbm>>) target(%dma_start3A_1172 : memref<1x32xf32, #tpu.memory_space<vmem>>) target_semaphore(%arg14 : memref<!tpu.dma_semaphore, #tpu.memory_space<semaphore_mem>>)
        %slice3A_1175 = vector.extract_strided_slice %get3A_1104 {offsets = [2], sizes = [1], strides = [1]} : vector<16xi32> to vector<1xi32>
        %squeeze3A_1176 = vector.extract %slice3A_1175[0] : i32 from vector<1xi32>
        %dma_start3A_1177 = arith.constant 2 : i32
        %dma_start3A_1178 = arith.constant 0 : i32
        %dma_start3A_1179 = tpu.memref_slice %arg11[%sub3A_496, %dma_start3A_1177, %dma_start3A_1178] : memref<2x16x32xf32, #tpu.memory_space<vmem>> -> memref<1x1x32xf32, #tpu.memory_space<vmem>>
        %dma_start3A_1180 = tpu.memref_squeeze %dma_start3A_1179 : memref<1x1x32xf32, #tpu.memory_space<vmem>> -> memref<1x32xf32, #tpu.memory_space<vmem>>
        %dma_start3A_1181 = arith.constant 0 : i32
        %dma_start3A_1182 = tpu.memref_slice %arg6[%squeeze3A_1176, %dma_start3A_1181] : memref<1000000x32xf32, #tpu.memory_space<hbm>> -> memref<1x32xf32, #tpu.memory_space<hbm>>
        %dma_start3A_1183 = arith.constant 2 : i32
        %dma_start3A_1184 = arith.constant 0 : i32
        %dma_start3A_1185 = tpu.memref_slice %arg11[%sub3A_496, %dma_start3A_1183, %dma_start3A_1184] : memref<2x16x32xf32, #tpu.memory_space<vmem>> -> memref<1x1x32xf32, #tpu.memory_space<vmem>>
        %dma_start3A_1186 = tpu.memref_squeeze %dma_start3A_1185 : memref<1x1x32xf32, #tpu.memory_space<vmem>> -> memref<1x32xf32, #tpu.memory_space<vmem>>
        %dma_start3A_1187 = arith.constant 0 : i32
        %dma_start3A_1188 = tpu.memref_slice %arg6[%squeeze3A_1176, %dma_start3A_1187] : memref<1000000x32xf32, #tpu.memory_space<hbm>> -> memref<1x32xf32, #tpu.memory_space<hbm>>
        tpu.enqueue_dma source(%dma_start3A_1188 : memref<1x32xf32, #tpu.memory_space<hbm>>) target(%dma_start3A_1186 : memref<1x32xf32, #tpu.memory_space<vmem>>) target_semaphore(%arg15 : memref<!tpu.dma_semaphore, #tpu.memory_space<semaphore_mem>>)
        %slice3A_1189 = vector.extract_strided_slice %get3A_1100 {offsets = [3], sizes = [1], strides = [1]} : vector<16xi32> to vector<1xi32>
        %squeeze3A_1190 = vector.extract %slice3A_1189[0] : i32 from vector<1xi32>
        %dma_start3A_1191 = arith.constant 3 : i32
        %dma_start3A_1192 = arith.constant 0 : i32
        %dma_start3A_1193 = tpu.memref_slice %arg10[%sub3A_496, %dma_start3A_1191, %dma_start3A_1192] : memref<2x16x32xf32, #tpu.memory_space<vmem>> -> memref<1x1x32xf32, #tpu.memory_space<vmem>>
        %dma_start3A_1194 = tpu.memref_squeeze %dma_start3A_1193 : memref<1x1x32xf32, #tpu.memory_space<vmem>> -> memref<1x32xf32, #tpu.memory_space<vmem>>
        %dma_start3A_1195 = arith.constant 0 : i32
        %dma_start3A_1196 = tpu.memref_slice %arg5[%squeeze3A_1190, %dma_start3A_1195] : memref<1000000x32xf32, #tpu.memory_space<hbm>> -> memref<1x32xf32, #tpu.memory_space<hbm>>
        %dma_start3A_1197 = arith.constant 3 : i32
        %dma_start3A_1198 = arith.constant 0 : i32
        %dma_start3A_1199 = tpu.memref_slice %arg10[%sub3A_496, %dma_start3A_1197, %dma_start3A_1198] : memref<2x16x32xf32, #tpu.memory_space<vmem>> -> memref<1x1x32xf32, #tpu.memory_space<vmem>>
        %dma_start3A_1200 = tpu.memref_squeeze %dma_start3A_1199 : memref<1x1x32xf32, #tpu.memory_space<vmem>> -> memref<1x32xf32, #tpu.memory_space<vmem>>
        %dma_start3A_1201 = arith.constant 0 : i32
        %dma_start3A_1202 = tpu.memref_slice %arg5[%squeeze3A_1190, %dma_start3A_1201] : memref<1000000x32xf32, #tpu.memory_space<hbm>> -> memref<1x32xf32, #tpu.memory_space<hbm>>
        tpu.enqueue_dma source(%dma_start3A_1202 : memref<1x32xf32, #tpu.memory_space<hbm>>) target(%dma_start3A_1200 : memref<1x32xf32, #tpu.memory_space<vmem>>) target_semaphore(%arg14 : memref<!tpu.dma_semaphore, #tpu.memory_space<semaphore_mem>>)
        %slice3A_1203 = vector.extract_strided_slice %get3A_1104 {offsets = [3], sizes = [1], strides = [1]} : vector<16xi32> to vector<1xi32>
        %squeeze3A_1204 = vector.extract %slice3A_1203[0] : i32 from vector<1xi32>
        %dma_start3A_1205 = arith.constant 3 : i32
        %dma_start3A_1206 = arith.constant 0 : i32
        %dma_start3A_1207 = tpu.memref_slice %arg11[%sub3A_496, %dma_start3A_1205, %dma_start3A_1206] : memref<2x16x32xf32, #tpu.memory_space<vmem>> -> memref<1x1x32xf32, #tpu.memory_space<vmem>>
        %dma_start3A_1208 = tpu.memref_squeeze %dma_start3A_1207 : memref<1x1x32xf32, #tpu.memory_space<vmem>> -> memref<1x32xf32, #tpu.memory_space<vmem>>
        %dma_start3A_1209 = arith.constant 0 : i32
        %dma_start3A_1210 = tpu.memref_slice %arg6[%squeeze3A_1204, %dma_start3A_1209] : memref<1000000x32xf32, #tpu.memory_space<hbm>> -> memref<1x32xf32, #tpu.memory_space<hbm>>
        %dma_start3A_1211 = arith.constant 3 : i32
        %dma_start3A_1212 = arith.constant 0 : i32
        %dma_start3A_1213 = tpu.memref_slice %arg11[%sub3A_496, %dma_start3A_1211, %dma_start3A_1212] : memref<2x16x32xf32, #tpu.memory_space<vmem>> -> memref<1x1x32xf32, #tpu.memory_space<vmem>>
        %dma_start3A_1214 = tpu.memref_squeeze %dma_start3A_1213 : memref<1x1x32xf32, #tpu.memory_space<vmem>> -> memref<1x32xf32, #tpu.memory_space<vmem>>
        %dma_start3A_1215 = arith.constant 0 : i32
        %dma_start3A_1216 = tpu.memref_slice %arg6[%squeeze3A_1204, %dma_start3A_1215] : memref<1000000x32xf32, #tpu.memory_space<hbm>> -> memref<1x32xf32, #tpu.memory_space<hbm>>
        tpu.enqueue_dma source(%dma_start3A_1216 : memref<1x32xf32, #tpu.memory_space<hbm>>) target(%dma_start3A_1214 : memref<1x32xf32, #tpu.memory_space<vmem>>) target_semaphore(%arg15 : memref<!tpu.dma_semaphore, #tpu.memory_space<semaphore_mem>>)
        %slice3A_1217 = vector.extract_strided_slice %get3A_1100 {offsets = [4], sizes = [1], strides = [1]} : vector<16xi32> to vector<1xi32>
        %squeeze3A_1218 = vector.extract %slice3A_1217[0] : i32 from vector<1xi32>
        %dma_start3A_1219 = arith.constant 4 : i32
        %dma_start3A_1220 = arith.constant 0 : i32
        %dma_start3A_1221 = tpu.memref_slice %arg10[%sub3A_496, %dma_start3A_1219, %dma_start3A_1220] : memref<2x16x32xf32, #tpu.memory_space<vmem>> -> memref<1x1x32xf32, #tpu.memory_space<vmem>>
        %dma_start3A_1222 = tpu.memref_squeeze %dma_start3A_1221 : memref<1x1x32xf32, #tpu.memory_space<vmem>> -> memref<1x32xf32, #tpu.memory_space<vmem>>
        %dma_start3A_1223 = arith.constant 0 : i32
        %dma_start3A_1224 = tpu.memref_slice %arg5[%squeeze3A_1218, %dma_start3A_1223] : memref<1000000x32xf32, #tpu.memory_space<hbm>> -> memref<1x32xf32, #tpu.memory_space<hbm>>
        %dma_start3A_1225 = arith.constant 4 : i32
        %dma_start3A_1226 = arith.constant 0 : i32
        %dma_start3A_1227 = tpu.memref_slice %arg10[%sub3A_496, %dma_start3A_1225, %dma_start3A_1226] : memref<2x16x32xf32, #tpu.memory_space<vmem>> -> memref<1x1x32xf32, #tpu.memory_space<vmem>>
        %dma_start3A_1228 = tpu.memref_squeeze %dma_start3A_1227 : memref<1x1x32xf32, #tpu.memory_space<vmem>> -> memref<1x32xf32, #tpu.memory_space<vmem>>
        %dma_start3A_1229 = arith.constant 0 : i32
        %dma_start3A_1230 = tpu.memref_slice %arg5[%squeeze3A_1218, %dma_start3A_1229] : memref<1000000x32xf32, #tpu.memory_space<hbm>> -> memref<1x32xf32, #tpu.memory_space<hbm>>
        tpu.enqueue_dma source(%dma_start3A_1230 : memref<1x32xf32, #tpu.memory_space<hbm>>) target(%dma_start3A_1228 : memref<1x32xf32, #tpu.memory_space<vmem>>) target_semaphore(%arg14 : memref<!tpu.dma_semaphore, #tpu.memory_space<semaphore_mem>>)
        %slice3A_1231 = vector.extract_strided_slice %get3A_1104 {offsets = [4], sizes = [1], strides = [1]} : vector<16xi32> to vector<1xi32>
        %squeeze3A_1232 = vector.extract %slice3A_1231[0] : i32 from vector<1xi32>
        %dma_start3A_1233 = arith.constant 4 : i32
        %dma_start3A_1234 = arith.constant 0 : i32
        %dma_start3A_1235 = tpu.memref_slice %arg11[%sub3A_496, %dma_start3A_1233, %dma_start3A_1234] : memref<2x16x32xf32, #tpu.memory_space<vmem>> -> memref<1x1x32xf32, #tpu.memory_space<vmem>>
        %dma_start3A_1236 = tpu.memref_squeeze %dma_start3A_1235 : memref<1x1x32xf32, #tpu.memory_space<vmem>> -> memref<1x32xf32, #tpu.memory_space<vmem>>
        %dma_start3A_1237 = arith.constant 0 : i32
        %dma_start3A_1238 = tpu.memref_slice %arg6[%squeeze3A_1232, %dma_start3A_1237] : memref<1000000x32xf32, #tpu.memory_space<hbm>> -> memref<1x32xf32, #tpu.memory_space<hbm>>
        %dma_start3A_1239 = arith.constant 4 : i32
        %dma_start3A_1240 = arith.constant 0 : i32
        %dma_start3A_1241 = tpu.memref_slice %arg11[%sub3A_496, %dma_start3A_1239, %dma_start3A_1240] : memref<2x16x32xf32, #tpu.memory_space<vmem>> -> memref<1x1x32xf32, #tpu.memory_space<vmem>>
        %dma_start3A_1242 = tpu.memref_squeeze %dma_start3A_1241 : memref<1x1x32xf32, #tpu.memory_space<vmem>> -> memref<1x32xf32, #tpu.memory_space<vmem>>
        %dma_start3A_1243 = arith.constant 0 : i32
        %dma_start3A_1244 = tpu.memref_slice %arg6[%squeeze3A_1232, %dma_start3A_1243] : memref<1000000x32xf32, #tpu.memory_space<hbm>> -> memref<1x32xf32, #tpu.memory_space<hbm>>
        tpu.enqueue_dma source(%dma_start3A_1244 : memref<1x32xf32, #tpu.memory_space<hbm>>) target(%dma_start3A_1242 : memref<1x32xf32, #tpu.memory_space<vmem>>) target_semaphore(%arg15 : memref<!tpu.dma_semaphore, #tpu.memory_space<semaphore_mem>>)
        %slice3A_1245 = vector.extract_strided_slice %get3A_1100 {offsets = [5], sizes = [1], strides = [1]} : vector<16xi32> to vector<1xi32>
        %squeeze3A_1246 = vector.extract %slice3A_1245[0] : i32 from vector<1xi32>
        %dma_start3A_1247 = arith.constant 5 : i32
        %dma_start3A_1248 = arith.constant 0 : i32
        %dma_start3A_1249 = tpu.memref_slice %arg10[%sub3A_496, %dma_start3A_1247, %dma_start3A_1248] : memref<2x16x32xf32, #tpu.memory_space<vmem>> -> memref<1x1x32xf32, #tpu.memory_space<vmem>>
        %dma_start3A_1250 = tpu.memref_squeeze %dma_start3A_1249 : memref<1x1x32xf32, #tpu.memory_space<vmem>> -> memref<1x32xf32, #tpu.memory_space<vmem>>
        %dma_start3A_1251 = arith.constant 0 : i32
        %dma_start3A_1252 = tpu.memref_slice %arg5[%squeeze3A_1246, %dma_start3A_1251] : memref<1000000x32xf32, #tpu.memory_space<hbm>> -> memref<1x32xf32, #tpu.memory_space<hbm>>
        %dma_start3A_1253 = arith.constant 5 : i32
        %dma_start3A_1254 = arith.constant 0 : i32
        %dma_start3A_1255 = tpu.memref_slice %arg10[%sub3A_496, %dma_start3A_1253, %dma_start3A_1254] : memref<2x16x32xf32, #tpu.memory_space<vmem>> -> memref<1x1x32xf32, #tpu.memory_space<vmem>>
        %dma_start3A_1256 = tpu.memref_squeeze %dma_start3A_1255 : memref<1x1x32xf32, #tpu.memory_space<vmem>> -> memref<1x32xf32, #tpu.memory_space<vmem>>
        %dma_start3A_1257 = arith.constant 0 : i32
        %dma_start3A_1258 = tpu.memref_slice %arg5[%squeeze3A_1246, %dma_start3A_1257] : memref<1000000x32xf32, #tpu.memory_space<hbm>> -> memref<1x32xf32, #tpu.memory_space<hbm>>
        tpu.enqueue_dma source(%dma_start3A_1258 : memref<1x32xf32, #tpu.memory_space<hbm>>) target(%dma_start3A_1256 : memref<1x32xf32, #tpu.memory_space<vmem>>) target_semaphore(%arg14 : memref<!tpu.dma_semaphore, #tpu.memory_space<semaphore_mem>>)
        %slice3A_1259 = vector.extract_strided_slice %get3A_1104 {offsets = [5], sizes = [1], strides = [1]} : vector<16xi32> to vector<1xi32>
        %squeeze3A_1260 = vector.extract %slice3A_1259[0] : i32 from vector<1xi32>
        %dma_start3A_1261 = arith.constant 5 : i32
        %dma_start3A_1262 = arith.constant 0 : i32
        %dma_start3A_1263 = tpu.memref_slice %arg11[%sub3A_496, %dma_start3A_1261, %dma_start3A_1262] : memref<2x16x32xf32, #tpu.memory_space<vmem>> -> memref<1x1x32xf32, #tpu.memory_space<vmem>>
        %dma_start3A_1264 = tpu.memref_squeeze %dma_start3A_1263 : memref<1x1x32xf32, #tpu.memory_space<vmem>> -> memref<1x32xf32, #tpu.memory_space<vmem>>
        %dma_start3A_1265 = arith.constant 0 : i32
        %dma_start3A_1266 = tpu.memref_slice %arg6[%squeeze3A_1260, %dma_start3A_1265] : memref<1000000x32xf32, #tpu.memory_space<hbm>> -> memref<1x32xf32, #tpu.memory_space<hbm>>
        %dma_start3A_1267 = arith.constant 5 : i32
        %dma_start3A_1268 = arith.constant 0 : i32
        %dma_start3A_1269 = tpu.memref_slice %arg11[%sub3A_496, %dma_start3A_1267, %dma_start3A_1268] : memref<2x16x32xf32, #tpu.memory_space<vmem>> -> memref<1x1x32xf32, #tpu.memory_space<vmem>>
        %dma_start3A_1270 = tpu.memref_squeeze %dma_start3A_1269 : memref<1x1x32xf32, #tpu.memory_space<vmem>> -> memref<1x32xf32, #tpu.memory_space<vmem>>
        %dma_start3A_1271 = arith.constant 0 : i32
        %dma_start3A_1272 = tpu.memref_slice %arg6[%squeeze3A_1260, %dma_start3A_1271] : memref<1000000x32xf32, #tpu.memory_space<hbm>> -> memref<1x32xf32, #tpu.memory_space<hbm>>
        tpu.enqueue_dma source(%dma_start3A_1272 : memref<1x32xf32, #tpu.memory_space<hbm>>) target(%dma_start3A_1270 : memref<1x32xf32, #tpu.memory_space<vmem>>) target_semaphore(%arg15 : memref<!tpu.dma_semaphore, #tpu.memory_space<semaphore_mem>>)
        %slice3A_1273 = vector.extract_strided_slice %get3A_1100 {offsets = [6], sizes = [1], strides = [1]} : vector<16xi32> to vector<1xi32>
        %squeeze3A_1274 = vector.extract %slice3A_1273[0] : i32 from vector<1xi32>
        %dma_start3A_1275 = arith.constant 6 : i32
        %dma_start3A_1276 = arith.constant 0 : i32
        %dma_start3A_1277 = tpu.memref_slice %arg10[%sub3A_496, %dma_start3A_1275, %dma_start3A_1276] : memref<2x16x32xf32, #tpu.memory_space<vmem>> -> memref<1x1x32xf32, #tpu.memory_space<vmem>>
        %dma_start3A_1278 = tpu.memref_squeeze %dma_start3A_1277 : memref<1x1x32xf32, #tpu.memory_space<vmem>> -> memref<1x32xf32, #tpu.memory_space<vmem>>
        %dma_start3A_1279 = arith.constant 0 : i32
        %dma_start3A_1280 = tpu.memref_slice %arg5[%squeeze3A_1274, %dma_start3A_1279] : memref<1000000x32xf32, #tpu.memory_space<hbm>> -> memref<1x32xf32, #tpu.memory_space<hbm>>
        %dma_start3A_1281 = arith.constant 6 : i32
        %dma_start3A_1282 = arith.constant 0 : i32
        %dma_start3A_1283 = tpu.memref_slice %arg10[%sub3A_496, %dma_start3A_1281, %dma_start3A_1282] : memref<2x16x32xf32, #tpu.memory_space<vmem>> -> memref<1x1x32xf32, #tpu.memory_space<vmem>>
        %dma_start3A_1284 = tpu.memref_squeeze %dma_start3A_1283 : memref<1x1x32xf32, #tpu.memory_space<vmem>> -> memref<1x32xf32, #tpu.memory_space<vmem>>
        %dma_start3A_1285 = arith.constant 0 : i32
        %dma_start3A_1286 = tpu.memref_slice %arg5[%squeeze3A_1274, %dma_start3A_1285] : memref<1000000x32xf32, #tpu.memory_space<hbm>> -> memref<1x32xf32, #tpu.memory_space<hbm>>
        tpu.enqueue_dma source(%dma_start3A_1286 : memref<1x32xf32, #tpu.memory_space<hbm>>) target(%dma_start3A_1284 : memref<1x32xf32, #tpu.memory_space<vmem>>) target_semaphore(%arg14 : memref<!tpu.dma_semaphore, #tpu.memory_space<semaphore_mem>>)
        %slice3A_1287 = vector.extract_strided_slice %get3A_1104 {offsets = [6], sizes = [1], strides = [1]} : vector<16xi32> to vector<1xi32>
        %squeeze3A_1288 = vector.extract %slice3A_1287[0] : i32 from vector<1xi32>
        %dma_start3A_1289 = arith.constant 6 : i32
        %dma_start3A_1290 = arith.constant 0 : i32
        %dma_start3A_1291 = tpu.memref_slice %arg11[%sub3A_496, %dma_start3A_1289, %dma_start3A_1290] : memref<2x16x32xf32, #tpu.memory_space<vmem>> -> memref<1x1x32xf32, #tpu.memory_space<vmem>>
        %dma_start3A_1292 = tpu.memref_squeeze %dma_start3A_1291 : memref<1x1x32xf32, #tpu.memory_space<vmem>> -> memref<1x32xf32, #tpu.memory_space<vmem>>
        %dma_start3A_1293 = arith.constant 0 : i32
        %dma_start3A_1294 = tpu.memref_slice %arg6[%squeeze3A_1288, %dma_start3A_1293] : memref<1000000x32xf32, #tpu.memory_space<hbm>> -> memref<1x32xf32, #tpu.memory_space<hbm>>
        %dma_start3A_1295 = arith.constant 6 : i32
        %dma_start3A_1296 = arith.constant 0 : i32
        %dma_start3A_1297 = tpu.memref_slice %arg11[%sub3A_496, %dma_start3A_1295, %dma_start3A_1296] : memref<2x16x32xf32, #tpu.memory_space<vmem>> -> memref<1x1x32xf32, #tpu.memory_space<vmem>>
        %dma_start3A_1298 = tpu.memref_squeeze %dma_start3A_1297 : memref<1x1x32xf32, #tpu.memory_space<vmem>> -> memref<1x32xf32, #tpu.memory_space<vmem>>
        %dma_start3A_1299 = arith.constant 0 : i32
        %dma_start3A_1300 = tpu.memref_slice %arg6[%squeeze3A_1288, %dma_start3A_1299] : memref<1000000x32xf32, #tpu.memory_space<hbm>> -> memref<1x32xf32, #tpu.memory_space<hbm>>
        tpu.enqueue_dma source(%dma_start3A_1300 : memref<1x32xf32, #tpu.memory_space<hbm>>) target(%dma_start3A_1298 : memref<1x32xf32, #tpu.memory_space<vmem>>) target_semaphore(%arg15 : memref<!tpu.dma_semaphore, #tpu.memory_space<semaphore_mem>>)
        %slice3A_1301 = vector.extract_strided_slice %get3A_1100 {offsets = [7], sizes = [1], strides = [1]} : vector<16xi32> to vector<1xi32>
        %squeeze3A_1302 = vector.extract %slice3A_1301[0] : i32 from vector<1xi32>
        %dma_start3A_1303 = arith.constant 7 : i32
        %dma_start3A_1304 = arith.constant 0 : i32
        %dma_start3A_1305 = tpu.memref_slice %arg10[%sub3A_496, %dma_start3A_1303, %dma_start3A_1304] : memref<2x16x32xf32, #tpu.memory_space<vmem>> -> memref<1x1x32xf32, #tpu.memory_space<vmem>>
        %dma_start3A_1306 = tpu.memref_squeeze %dma_start3A_1305 : memref<1x1x32xf32, #tpu.memory_space<vmem>> -> memref<1x32xf32, #tpu.memory_space<vmem>>
        %dma_start3A_1307 = arith.constant 0 : i32
        %dma_start3A_1308 = tpu.memref_slice %arg5[%squeeze3A_1302, %dma_start3A_1307] : memref<1000000x32xf32, #tpu.memory_space<hbm>> -> memref<1x32xf32, #tpu.memory_space<hbm>>
        %dma_start3A_1309 = arith.constant 7 : i32
        %dma_start3A_1310 = arith.constant 0 : i32
        %dma_start3A_1311 = tpu.memref_slice %arg10[%sub3A_496, %dma_start3A_1309, %dma_start3A_1310] : memref<2x16x32xf32, #tpu.memory_space<vmem>> -> memref<1x1x32xf32, #tpu.memory_space<vmem>>
        %dma_start3A_1312 = tpu.memref_squeeze %dma_start3A_1311 : memref<1x1x32xf32, #tpu.memory_space<vmem>> -> memref<1x32xf32, #tpu.memory_space<vmem>>
        %dma_start3A_1313 = arith.constant 0 : i32
        %dma_start3A_1314 = tpu.memref_slice %arg5[%squeeze3A_1302, %dma_start3A_1313] : memref<1000000x32xf32, #tpu.memory_space<hbm>> -> memref<1x32xf32, #tpu.memory_space<hbm>>
        tpu.enqueue_dma source(%dma_start3A_1314 : memref<1x32xf32, #tpu.memory_space<hbm>>) target(%dma_start3A_1312 : memref<1x32xf32, #tpu.memory_space<vmem>>) target_semaphore(%arg14 : memref<!tpu.dma_semaphore, #tpu.memory_space<semaphore_mem>>)
        %slice3A_1315 = vector.extract_strided_slice %get3A_1104 {offsets = [7], sizes = [1], strides = [1]} : vector<16xi32> to vector<1xi32>
        %squeeze3A_1316 = vector.extract %slice3A_1315[0] : i32 from vector<1xi32>
        %dma_start3A_1317 = arith.constant 7 : i32
        %dma_start3A_1318 = arith.constant 0 : i32
        %dma_start3A_1319 = tpu.memref_slice %arg11[%sub3A_496, %dma_start3A_1317, %dma_start3A_1318] : memref<2x16x32xf32, #tpu.memory_space<vmem>> -> memref<1x1x32xf32, #tpu.memory_space<vmem>>
        %dma_start3A_1320 = tpu.memref_squeeze %dma_start3A_1319 : memref<1x1x32xf32, #tpu.memory_space<vmem>> -> memref<1x32xf32, #tpu.memory_space<vmem>>
        %dma_start3A_1321 = arith.constant 0 : i32
        %dma_start3A_1322 = tpu.memref_slice %arg6[%squeeze3A_1316, %dma_start3A_1321] : memref<1000000x32xf32, #tpu.memory_space<hbm>> -> memref<1x32xf32, #tpu.memory_space<hbm>>
        %dma_start3A_1323 = arith.constant 7 : i32
        %dma_start3A_1324 = arith.constant 0 : i32
        %dma_start3A_1325 = tpu.memref_slice %arg11[%sub3A_496, %dma_start3A_1323, %dma_start3A_1324] : memref<2x16x32xf32, #tpu.memory_space<vmem>> -> memref<1x1x32xf32, #tpu.memory_space<vmem>>
        %dma_start3A_1326 = tpu.memref_squeeze %dma_start3A_1325 : memref<1x1x32xf32, #tpu.memory_space<vmem>> -> memref<1x32xf32, #tpu.memory_space<vmem>>
        %dma_start3A_1327 = arith.constant 0 : i32
        %dma_start3A_1328 = tpu.memref_slice %arg6[%squeeze3A_1316, %dma_start3A_1327] : memref<1000000x32xf32, #tpu.memory_space<hbm>> -> memref<1x32xf32, #tpu.memory_space<hbm>>
        tpu.enqueue_dma source(%dma_start3A_1328 : memref<1x32xf32, #tpu.memory_space<hbm>>) target(%dma_start3A_1326 : memref<1x32xf32, #tpu.memory_space<vmem>>) target_semaphore(%arg15 : memref<!tpu.dma_semaphore, #tpu.memory_space<semaphore_mem>>)
        %slice3A_1329 = vector.extract_strided_slice %get3A_1100 {offsets = [8], sizes = [1], strides = [1]} : vector<16xi32> to vector<1xi32>
        %squeeze3A_1330 = vector.extract %slice3A_1329[0] : i32 from vector<1xi32>
        %dma_start3A_1331 = arith.constant 8 : i32
        %dma_start3A_1332 = arith.constant 0 : i32
        %dma_start3A_1333 = tpu.memref_slice %arg10[%sub3A_496, %dma_start3A_1331, %dma_start3A_1332] : memref<2x16x32xf32, #tpu.memory_space<vmem>> -> memref<1x1x32xf32, #tpu.memory_space<vmem>>
        %dma_start3A_1334 = tpu.memref_squeeze %dma_start3A_1333 : memref<1x1x32xf32, #tpu.memory_space<vmem>> -> memref<1x32xf32, #tpu.memory_space<vmem>>
        %dma_start3A_1335 = arith.constant 0 : i32
        %dma_start3A_1336 = tpu.memref_slice %arg5[%squeeze3A_1330, %dma_start3A_1335] : memref<1000000x32xf32, #tpu.memory_space<hbm>> -> memref<1x32xf32, #tpu.memory_space<hbm>>
        %dma_start3A_1337 = arith.constant 8 : i32
        %dma_start3A_1338 = arith.constant 0 : i32
        %dma_start3A_1339 = tpu.memref_slice %arg10[%sub3A_496, %dma_start3A_1337, %dma_start3A_1338] : memref<2x16x32xf32, #tpu.memory_space<vmem>> -> memref<1x1x32xf32, #tpu.memory_space<vmem>>
        %dma_start3A_1340 = tpu.memref_squeeze %dma_start3A_1339 : memref<1x1x32xf32, #tpu.memory_space<vmem>> -> memref<1x32xf32, #tpu.memory_space<vmem>>
        %dma_start3A_1341 = arith.constant 0 : i32
        %dma_start3A_1342 = tpu.memref_slice %arg5[%squeeze3A_1330, %dma_start3A_1341] : memref<1000000x32xf32, #tpu.memory_space<hbm>> -> memref<1x32xf32, #tpu.memory_space<hbm>>
        tpu.enqueue_dma source(%dma_start3A_1342 : memref<1x32xf32, #tpu.memory_space<hbm>>) target(%dma_start3A_1340 : memref<1x32xf32, #tpu.memory_space<vmem>>) target_semaphore(%arg14 : memref<!tpu.dma_semaphore, #tpu.memory_space<semaphore_mem>>)
        %slice3A_1343 = vector.extract_strided_slice %get3A_1104 {offsets = [8], sizes = [1], strides = [1]} : vector<16xi32> to vector<1xi32>
        %squeeze3A_1344 = vector.extract %slice3A_1343[0] : i32 from vector<1xi32>
        %dma_start3A_1345 = arith.constant 8 : i32
        %dma_start3A_1346 = arith.constant 0 : i32
        %dma_start3A_1347 = tpu.memref_slice %arg11[%sub3A_496, %dma_start3A_1345, %dma_start3A_1346] : memref<2x16x32xf32, #tpu.memory_space<vmem>> -> memref<1x1x32xf32, #tpu.memory_space<vmem>>
        %dma_start3A_1348 = tpu.memref_squeeze %dma_start3A_1347 : memref<1x1x32xf32, #tpu.memory_space<vmem>> -> memref<1x32xf32, #tpu.memory_space<vmem>>
        %dma_start3A_1349 = arith.constant 0 : i32
        %dma_start3A_1350 = tpu.memref_slice %arg6[%squeeze3A_1344, %dma_start3A_1349] : memref<1000000x32xf32, #tpu.memory_space<hbm>> -> memref<1x32xf32, #tpu.memory_space<hbm>>
        %dma_start3A_1351 = arith.constant 8 : i32
        %dma_start3A_1352 = arith.constant 0 : i32
        %dma_start3A_1353 = tpu.memref_slice %arg11[%sub3A_496, %dma_start3A_1351, %dma_start3A_1352] : memref<2x16x32xf32, #tpu.memory_space<vmem>> -> memref<1x1x32xf32, #tpu.memory_space<vmem>>
        %dma_start3A_1354 = tpu.memref_squeeze %dma_start3A_1353 : memref<1x1x32xf32, #tpu.memory_space<vmem>> -> memref<1x32xf32, #tpu.memory_space<vmem>>
        %dma_start3A_1355 = arith.constant 0 : i32
        %dma_start3A_1356 = tpu.memref_slice %arg6[%squeeze3A_1344, %dma_start3A_1355] : memref<1000000x32xf32, #tpu.memory_space<hbm>> -> memref<1x32xf32, #tpu.memory_space<hbm>>
        tpu.enqueue_dma source(%dma_start3A_1356 : memref<1x32xf32, #tpu.memory_space<hbm>>) target(%dma_start3A_1354 : memref<1x32xf32, #tpu.memory_space<vmem>>) target_semaphore(%arg15 : memref<!tpu.dma_semaphore, #tpu.memory_space<semaphore_mem>>)
        %slice3A_1357 = vector.extract_strided_slice %get3A_1100 {offsets = [9], sizes = [1], strides = [1]} : vector<16xi32> to vector<1xi32>
        %squeeze3A_1358 = vector.extract %slice3A_1357[0] : i32 from vector<1xi32>
        %dma_start3A_1359 = arith.constant 9 : i32
        %dma_start3A_1360 = arith.constant 0 : i32
        %dma_start3A_1361 = tpu.memref_slice %arg10[%sub3A_496, %dma_start3A_1359, %dma_start3A_1360] : memref<2x16x32xf32, #tpu.memory_space<vmem>> -> memref<1x1x32xf32, #tpu.memory_space<vmem>>
        %dma_start3A_1362 = tpu.memref_squeeze %dma_start3A_1361 : memref<1x1x32xf32, #tpu.memory_space<vmem>> -> memref<1x32xf32, #tpu.memory_space<vmem>>
        %dma_start3A_1363 = arith.constant 0 : i32
        %dma_start3A_1364 = tpu.memref_slice %arg5[%squeeze3A_1358, %dma_start3A_1363] : memref<1000000x32xf32, #tpu.memory_space<hbm>> -> memref<1x32xf32, #tpu.memory_space<hbm>>
        %dma_start3A_1365 = arith.constant 9 : i32
        %dma_start3A_1366 = arith.constant 0 : i32
        %dma_start3A_1367 = tpu.memref_slice %arg10[%sub3A_496, %dma_start3A_1365, %dma_start3A_1366] : memref<2x16x32xf32, #tpu.memory_space<vmem>> -> memref<1x1x32xf32, #tpu.memory_space<vmem>>
        %dma_start3A_1368 = tpu.memref_squeeze %dma_start3A_1367 : memref<1x1x32xf32, #tpu.memory_space<vmem>> -> memref<1x32xf32, #tpu.memory_space<vmem>>
        %dma_start3A_1369 = arith.constant 0 : i32
        %dma_start3A_1370 = tpu.memref_slice %arg5[%squeeze3A_1358, %dma_start3A_1369] : memref<1000000x32xf32, #tpu.memory_space<hbm>> -> memref<1x32xf32, #tpu.memory_space<hbm>>
        tpu.enqueue_dma source(%dma_start3A_1370 : memref<1x32xf32, #tpu.memory_space<hbm>>) target(%dma_start3A_1368 : memref<1x32xf32, #tpu.memory_space<vmem>>) target_semaphore(%arg14 : memref<!tpu.dma_semaphore, #tpu.memory_space<semaphore_mem>>)
        %slice3A_1371 = vector.extract_strided_slice %get3A_1104 {offsets = [9], sizes = [1], strides = [1]} : vector<16xi32> to vector<1xi32>
        %squeeze3A_1372 = vector.extract %slice3A_1371[0] : i32 from vector<1xi32>
        %dma_start3A_1373 = arith.constant 9 : i32
        %dma_start3A_1374 = arith.constant 0 : i32
        %dma_start3A_1375 = tpu.memref_slice %arg11[%sub3A_496, %dma_start3A_1373, %dma_start3A_1374] : memref<2x16x32xf32, #tpu.memory_space<vmem>> -> memref<1x1x32xf32, #tpu.memory_space<vmem>>
        %dma_start3A_1376 = tpu.memref_squeeze %dma_start3A_1375 : memref<1x1x32xf32, #tpu.memory_space<vmem>> -> memref<1x32xf32, #tpu.memory_space<vmem>>
        %dma_start3A_1377 = arith.constant 0 : i32
        %dma_start3A_1378 = tpu.memref_slice %arg6[%squeeze3A_1372, %dma_start3A_1377] : memref<1000000x32xf32, #tpu.memory_space<hbm>> -> memref<1x32xf32, #tpu.memory_space<hbm>>
        %dma_start3A_1379 = arith.constant 9 : i32
        %dma_start3A_1380 = arith.constant 0 : i32
        %dma_start3A_1381 = tpu.memref_slice %arg11[%sub3A_496, %dma_start3A_1379, %dma_start3A_1380] : memref<2x16x32xf32, #tpu.memory_space<vmem>> -> memref<1x1x32xf32, #tpu.memory_space<vmem>>
        %dma_start3A_1382 = tpu.memref_squeeze %dma_start3A_1381 : memref<1x1x32xf32, #tpu.memory_space<vmem>> -> memref<1x32xf32, #tpu.memory_space<vmem>>
        %dma_start3A_1383 = arith.constant 0 : i32
        %dma_start3A_1384 = tpu.memref_slice %arg6[%squeeze3A_1372, %dma_start3A_1383] : memref<1000000x32xf32, #tpu.memory_space<hbm>> -> memref<1x32xf32, #tpu.memory_space<hbm>>
        tpu.enqueue_dma source(%dma_start3A_1384 : memref<1x32xf32, #tpu.memory_space<hbm>>) target(%dma_start3A_1382 : memref<1x32xf32, #tpu.memory_space<vmem>>) target_semaphore(%arg15 : memref<!tpu.dma_semaphore, #tpu.memory_space<semaphore_mem>>)
        %slice3A_1385 = vector.extract_strided_slice %get3A_1100 {offsets = [10], sizes = [1], strides = [1]} : vector<16xi32> to vector<1xi32>
        %squeeze3A_1386 = vector.extract %slice3A_1385[0] : i32 from vector<1xi32>
        %dma_start3A_1387 = arith.constant 10 : i32
        %dma_start3A_1388 = arith.constant 0 : i32
        %dma_start3A_1389 = tpu.memref_slice %arg10[%sub3A_496, %dma_start3A_1387, %dma_start3A_1388] : memref<2x16x32xf32, #tpu.memory_space<vmem>> -> memref<1x1x32xf32, #tpu.memory_space<vmem>>
        %dma_start3A_1390 = tpu.memref_squeeze %dma_start3A_1389 : memref<1x1x32xf32, #tpu.memory_space<vmem>> -> memref<1x32xf32, #tpu.memory_space<vmem>>
        %dma_start3A_1391 = arith.constant 0 : i32
        %dma_start3A_1392 = tpu.memref_slice %arg5[%squeeze3A_1386, %dma_start3A_1391] : memref<1000000x32xf32, #tpu.memory_space<hbm>> -> memref<1x32xf32, #tpu.memory_space<hbm>>
        %dma_start3A_1393 = arith.constant 10 : i32
        %dma_start3A_1394 = arith.constant 0 : i32
        %dma_start3A_1395 = tpu.memref_slice %arg10[%sub3A_496, %dma_start3A_1393, %dma_start3A_1394] : memref<2x16x32xf32, #tpu.memory_space<vmem>> -> memref<1x1x32xf32, #tpu.memory_space<vmem>>
        %dma_start3A_1396 = tpu.memref_squeeze %dma_start3A_1395 : memref<1x1x32xf32, #tpu.memory_space<vmem>> -> memref<1x32xf32, #tpu.memory_space<vmem>>
        %dma_start3A_1397 = arith.constant 0 : i32
        %dma_start3A_1398 = tpu.memref_slice %arg5[%squeeze3A_1386, %dma_start3A_1397] : memref<1000000x32xf32, #tpu.memory_space<hbm>> -> memref<1x32xf32, #tpu.memory_space<hbm>>
        tpu.enqueue_dma source(%dma_start3A_1398 : memref<1x32xf32, #tpu.memory_space<hbm>>) target(%dma_start3A_1396 : memref<1x32xf32, #tpu.memory_space<vmem>>) target_semaphore(%arg14 : memref<!tpu.dma_semaphore, #tpu.memory_space<semaphore_mem>>)
        %slice3A_1399 = vector.extract_strided_slice %get3A_1104 {offsets = [10], sizes = [1], strides = [1]} : vector<16xi32> to vector<1xi32>
        %squeeze3A_1400 = vector.extract %slice3A_1399[0] : i32 from vector<1xi32>
        %dma_start3A_1401 = arith.constant 10 : i32
        %dma_start3A_1402 = arith.constant 0 : i32
        %dma_start3A_1403 = tpu.memref_slice %arg11[%sub3A_496, %dma_start3A_1401, %dma_start3A_1402] : memref<2x16x32xf32, #tpu.memory_space<vmem>> -> memref<1x1x32xf32, #tpu.memory_space<vmem>>
        %dma_start3A_1404 = tpu.memref_squeeze %dma_start3A_1403 : memref<1x1x32xf32, #tpu.memory_space<vmem>> -> memref<1x32xf32, #tpu.memory_space<vmem>>
        %dma_start3A_1405 = arith.constant 0 : i32
        %dma_start3A_1406 = tpu.memref_slice %arg6[%squeeze3A_1400, %dma_start3A_1405] : memref<1000000x32xf32, #tpu.memory_space<hbm>> -> memref<1x32xf32, #tpu.memory_space<hbm>>
        %dma_start3A_1407 = arith.constant 10 : i32
        %dma_start3A_1408 = arith.constant 0 : i32
        %dma_start3A_1409 = tpu.memref_slice %arg11[%sub3A_496, %dma_start3A_1407, %dma_start3A_1408] : memref<2x16x32xf32, #tpu.memory_space<vmem>> -> memref<1x1x32xf32, #tpu.memory_space<vmem>>
        %dma_start3A_1410 = tpu.memref_squeeze %dma_start3A_1409 : memref<1x1x32xf32, #tpu.memory_space<vmem>> -> memref<1x32xf32, #tpu.memory_space<vmem>>
        %dma_start3A_1411 = arith.constant 0 : i32
        %dma_start3A_1412 = tpu.memref_slice %arg6[%squeeze3A_1400, %dma_start3A_1411] : memref<1000000x32xf32, #tpu.memory_space<hbm>> -> memref<1x32xf32, #tpu.memory_space<hbm>>
        tpu.enqueue_dma source(%dma_start3A_1412 : memref<1x32xf32, #tpu.memory_space<hbm>>) target(%dma_start3A_1410 : memref<1x32xf32, #tpu.memory_space<vmem>>) target_semaphore(%arg15 : memref<!tpu.dma_semaphore, #tpu.memory_space<semaphore_mem>>)
        %slice3A_1413 = vector.extract_strided_slice %get3A_1100 {offsets = [11], sizes = [1], strides = [1]} : vector<16xi32> to vector<1xi32>
        %squeeze3A_1414 = vector.extract %slice3A_1413[0] : i32 from vector<1xi32>
        %dma_start3A_1415 = arith.constant 11 : i32
        %dma_start3A_1416 = arith.constant 0 : i32
        %dma_start3A_1417 = tpu.memref_slice %arg10[%sub3A_496, %dma_start3A_1415, %dma_start3A_1416] : memref<2x16x32xf32, #tpu.memory_space<vmem>> -> memref<1x1x32xf32, #tpu.memory_space<vmem>>
        %dma_start3A_1418 = tpu.memref_squeeze %dma_start3A_1417 : memref<1x1x32xf32, #tpu.memory_space<vmem>> -> memref<1x32xf32, #tpu.memory_space<vmem>>
        %dma_start3A_1419 = arith.constant 0 : i32
        %dma_start3A_1420 = tpu.memref_slice %arg5[%squeeze3A_1414, %dma_start3A_1419] : memref<1000000x32xf32, #tpu.memory_space<hbm>> -> memref<1x32xf32, #tpu.memory_space<hbm>>
        %dma_start3A_1421 = arith.constant 11 : i32
        %dma_start3A_1422 = arith.constant 0 : i32
        %dma_start3A_1423 = tpu.memref_slice %arg10[%sub3A_496, %dma_start3A_1421, %dma_start3A_1422] : memref<2x16x32xf32, #tpu.memory_space<vmem>> -> memref<1x1x32xf32, #tpu.memory_space<vmem>>
        %dma_start3A_1424 = tpu.memref_squeeze %dma_start3A_1423 : memref<1x1x32xf32, #tpu.memory_space<vmem>> -> memref<1x32xf32, #tpu.memory_space<vmem>>
        %dma_start3A_1425 = arith.constant 0 : i32
        %dma_start3A_1426 = tpu.memref_slice %arg5[%squeeze3A_1414, %dma_start3A_1425] : memref<1000000x32xf32, #tpu.memory_space<hbm>> -> memref<1x32xf32, #tpu.memory_space<hbm>>
        tpu.enqueue_dma source(%dma_start3A_1426 : memref<1x32xf32, #tpu.memory_space<hbm>>) target(%dma_start3A_1424 : memref<1x32xf32, #tpu.memory_space<vmem>>) target_semaphore(%arg14 : memref<!tpu.dma_semaphore, #tpu.memory_space<semaphore_mem>>)
        %slice3A_1427 = vector.extract_strided_slice %get3A_1104 {offsets = [11], sizes = [1], strides = [1]} : vector<16xi32> to vector<1xi32>
        %squeeze3A_1428 = vector.extract %slice3A_1427[0] : i32 from vector<1xi32>
        %dma_start3A_1429 = arith.constant 11 : i32
        %dma_start3A_1430 = arith.constant 0 : i32
        %dma_start3A_1431 = tpu.memref_slice %arg11[%sub3A_496, %dma_start3A_1429, %dma_start3A_1430] : memref<2x16x32xf32, #tpu.memory_space<vmem>> -> memref<1x1x32xf32, #tpu.memory_space<vmem>>
        %dma_start3A_1432 = tpu.memref_squeeze %dma_start3A_1431 : memref<1x1x32xf32, #tpu.memory_space<vmem>> -> memref<1x32xf32, #tpu.memory_space<vmem>>
        %dma_start3A_1433 = arith.constant 0 : i32
        %dma_start3A_1434 = tpu.memref_slice %arg6[%squeeze3A_1428, %dma_start3A_1433] : memref<1000000x32xf32, #tpu.memory_space<hbm>> -> memref<1x32xf32, #tpu.memory_space<hbm>>
        %dma_start3A_1435 = arith.constant 11 : i32
        %dma_start3A_1436 = arith.constant 0 : i32
        %dma_start3A_1437 = tpu.memref_slice %arg11[%sub3A_496, %dma_start3A_1435, %dma_start3A_1436] : memref<2x16x32xf32, #tpu.memory_space<vmem>> -> memref<1x1x32xf32, #tpu.memory_space<vmem>>
        %dma_start3A_1438 = tpu.memref_squeeze %dma_start3A_1437 : memref<1x1x32xf32, #tpu.memory_space<vmem>> -> memref<1x32xf32, #tpu.memory_space<vmem>>
        %dma_start3A_1439 = arith.constant 0 : i32
        %dma_start3A_1440 = tpu.memref_slice %arg6[%squeeze3A_1428, %dma_start3A_1439] : memref<1000000x32xf32, #tpu.memory_space<hbm>> -> memref<1x32xf32, #tpu.memory_space<hbm>>
        tpu.enqueue_dma source(%dma_start3A_1440 : memref<1x32xf32, #tpu.memory_space<hbm>>) target(%dma_start3A_1438 : memref<1x32xf32, #tpu.memory_space<vmem>>) target_semaphore(%arg15 : memref<!tpu.dma_semaphore, #tpu.memory_space<semaphore_mem>>)
        %slice3A_1441 = vector.extract_strided_slice %get3A_1100 {offsets = [12], sizes = [1], strides = [1]} : vector<16xi32> to vector<1xi32>
        %squeeze3A_1442 = vector.extract %slice3A_1441[0] : i32 from vector<1xi32>
        %dma_start3A_1443 = arith.constant 12 : i32
        %dma_start3A_1444 = arith.constant 0 : i32
        %dma_start3A_1445 = tpu.memref_slice %arg10[%sub3A_496, %dma_start3A_1443, %dma_start3A_1444] : memref<2x16x32xf32, #tpu.memory_space<vmem>> -> memref<1x1x32xf32, #tpu.memory_space<vmem>>
        %dma_start3A_1446 = tpu.memref_squeeze %dma_start3A_1445 : memref<1x1x32xf32, #tpu.memory_space<vmem>> -> memref<1x32xf32, #tpu.memory_space<vmem>>
        %dma_start3A_1447 = arith.constant 0 : i32
        %dma_start3A_1448 = tpu.memref_slice %arg5[%squeeze3A_1442, %dma_start3A_1447] : memref<1000000x32xf32, #tpu.memory_space<hbm>> -> memref<1x32xf32, #tpu.memory_space<hbm>>
        %dma_start3A_1449 = arith.constant 12 : i32
        %dma_start3A_1450 = arith.constant 0 : i32
        %dma_start3A_1451 = tpu.memref_slice %arg10[%sub3A_496, %dma_start3A_1449, %dma_start3A_1450] : memref<2x16x32xf32, #tpu.memory_space<vmem>> -> memref<1x1x32xf32, #tpu.memory_space<vmem>>
        %dma_start3A_1452 = tpu.memref_squeeze %dma_start3A_1451 : memref<1x1x32xf32, #tpu.memory_space<vmem>> -> memref<1x32xf32, #tpu.memory_space<vmem>>
        %dma_start3A_1453 = arith.constant 0 : i32
        %dma_start3A_1454 = tpu.memref_slice %arg5[%squeeze3A_1442, %dma_start3A_1453] : memref<1000000x32xf32, #tpu.memory_space<hbm>> -> memref<1x32xf32, #tpu.memory_space<hbm>>
        tpu.enqueue_dma source(%dma_start3A_1454 : memref<1x32xf32, #tpu.memory_space<hbm>>) target(%dma_start3A_1452 : memref<1x32xf32, #tpu.memory_space<vmem>>) target_semaphore(%arg14 : memref<!tpu.dma_semaphore, #tpu.memory_space<semaphore_mem>>)
        %slice3A_1455 = vector.extract_strided_slice %get3A_1104 {offsets = [12], sizes = [1], strides = [1]} : vector<16xi32> to vector<1xi32>
        %squeeze3A_1456 = vector.extract %slice3A_1455[0] : i32 from vector<1xi32>
        %dma_start3A_1457 = arith.constant 12 : i32
        %dma_start3A_1458 = arith.constant 0 : i32
        %dma_start3A_1459 = tpu.memref_slice %arg11[%sub3A_496, %dma_start3A_1457, %dma_start3A_1458] : memref<2x16x32xf32, #tpu.memory_space<vmem>> -> memref<1x1x32xf32, #tpu.memory_space<vmem>>
        %dma_start3A_1460 = tpu.memref_squeeze %dma_start3A_1459 : memref<1x1x32xf32, #tpu.memory_space<vmem>> -> memref<1x32xf32, #tpu.memory_space<vmem>>
        %dma_start3A_1461 = arith.constant 0 : i32
        %dma_start3A_1462 = tpu.memref_slice %arg6[%squeeze3A_1456, %dma_start3A_1461] : memref<1000000x32xf32, #tpu.memory_space<hbm>> -> memref<1x32xf32, #tpu.memory_space<hbm>>
        %dma_start3A_1463 = arith.constant 12 : i32
        %dma_start3A_1464 = arith.constant 0 : i32
        %dma_start3A_1465 = tpu.memref_slice %arg11[%sub3A_496, %dma_start3A_1463, %dma_start3A_1464] : memref<2x16x32xf32, #tpu.memory_space<vmem>> -> memref<1x1x32xf32, #tpu.memory_space<vmem>>
        %dma_start3A_1466 = tpu.memref_squeeze %dma_start3A_1465 : memref<1x1x32xf32, #tpu.memory_space<vmem>> -> memref<1x32xf32, #tpu.memory_space<vmem>>
        %dma_start3A_1467 = arith.constant 0 : i32
        %dma_start3A_1468 = tpu.memref_slice %arg6[%squeeze3A_1456, %dma_start3A_1467] : memref<1000000x32xf32, #tpu.memory_space<hbm>> -> memref<1x32xf32, #tpu.memory_space<hbm>>
        tpu.enqueue_dma source(%dma_start3A_1468 : memref<1x32xf32, #tpu.memory_space<hbm>>) target(%dma_start3A_1466 : memref<1x32xf32, #tpu.memory_space<vmem>>) target_semaphore(%arg15 : memref<!tpu.dma_semaphore, #tpu.memory_space<semaphore_mem>>)
        %slice3A_1469 = vector.extract_strided_slice %get3A_1100 {offsets = [13], sizes = [1], strides = [1]} : vector<16xi32> to vector<1xi32>
        %squeeze3A_1470 = vector.extract %slice3A_1469[0] : i32 from vector<1xi32>
        %dma_start3A_1471 = arith.constant 13 : i32
        %dma_start3A_1472 = arith.constant 0 : i32
        %dma_start3A_1473 = tpu.memref_slice %arg10[%sub3A_496, %dma_start3A_1471, %dma_start3A_1472] : memref<2x16x32xf32, #tpu.memory_space<vmem>> -> memref<1x1x32xf32, #tpu.memory_space<vmem>>
        %dma_start3A_1474 = tpu.memref_squeeze %dma_start3A_1473 : memref<1x1x32xf32, #tpu.memory_space<vmem>> -> memref<1x32xf32, #tpu.memory_space<vmem>>
        %dma_start3A_1475 = arith.constant 0 : i32
        %dma_start3A_1476 = tpu.memref_slice %arg5[%squeeze3A_1470, %dma_start3A_1475] : memref<1000000x32xf32, #tpu.memory_space<hbm>> -> memref<1x32xf32, #tpu.memory_space<hbm>>
        %dma_start3A_1477 = arith.constant 13 : i32
        %dma_start3A_1478 = arith.constant 0 : i32
        %dma_start3A_1479 = tpu.memref_slice %arg10[%sub3A_496, %dma_start3A_1477, %dma_start3A_1478] : memref<2x16x32xf32, #tpu.memory_space<vmem>> -> memref<1x1x32xf32, #tpu.memory_space<vmem>>
        %dma_start3A_1480 = tpu.memref_squeeze %dma_start3A_1479 : memref<1x1x32xf32, #tpu.memory_space<vmem>> -> memref<1x32xf32, #tpu.memory_space<vmem>>
        %dma_start3A_1481 = arith.constant 0 : i32
        %dma_start3A_1482 = tpu.memref_slice %arg5[%squeeze3A_1470, %dma_start3A_1481] : memref<1000000x32xf32, #tpu.memory_space<hbm>> -> memref<1x32xf32, #tpu.memory_space<hbm>>
        tpu.enqueue_dma source(%dma_start3A_1482 : memref<1x32xf32, #tpu.memory_space<hbm>>) target(%dma_start3A_1480 : memref<1x32xf32, #tpu.memory_space<vmem>>) target_semaphore(%arg14 : memref<!tpu.dma_semaphore, #tpu.memory_space<semaphore_mem>>)
        %slice3A_1483 = vector.extract_strided_slice %get3A_1104 {offsets = [13], sizes = [1], strides = [1]} : vector<16xi32> to vector<1xi32>
        %squeeze3A_1484 = vector.extract %slice3A_1483[0] : i32 from vector<1xi32>
        %dma_start3A_1485 = arith.constant 13 : i32
        %dma_start3A_1486 = arith.constant 0 : i32
        %dma_start3A_1487 = tpu.memref_slice %arg11[%sub3A_496, %dma_start3A_1485, %dma_start3A_1486] : memref<2x16x32xf32, #tpu.memory_space<vmem>> -> memref<1x1x32xf32, #tpu.memory_space<vmem>>
        %dma_start3A_1488 = tpu.memref_squeeze %dma_start3A_1487 : memref<1x1x32xf32, #tpu.memory_space<vmem>> -> memref<1x32xf32, #tpu.memory_space<vmem>>
        %dma_start3A_1489 = arith.constant 0 : i32
        %dma_start3A_1490 = tpu.memref_slice %arg6[%squeeze3A_1484, %dma_start3A_1489] : memref<1000000x32xf32, #tpu.memory_space<hbm>> -> memref<1x32xf32, #tpu.memory_space<hbm>>
        %dma_start3A_1491 = arith.constant 13 : i32
        %dma_start3A_1492 = arith.constant 0 : i32
        %dma_start3A_1493 = tpu.memref_slice %arg11[%sub3A_496, %dma_start3A_1491, %dma_start3A_1492] : memref<2x16x32xf32, #tpu.memory_space<vmem>> -> memref<1x1x32xf32, #tpu.memory_space<vmem>>
        %dma_start3A_1494 = tpu.memref_squeeze %dma_start3A_1493 : memref<1x1x32xf32, #tpu.memory_space<vmem>> -> memref<1x32xf32, #tpu.memory_space<vmem>>
        %dma_start3A_1495 = arith.constant 0 : i32
        %dma_start3A_1496 = tpu.memref_slice %arg6[%squeeze3A_1484, %dma_start3A_1495] : memref<1000000x32xf32, #tpu.memory_space<hbm>> -> memref<1x32xf32, #tpu.memory_space<hbm>>
        tpu.enqueue_dma source(%dma_start3A_1496 : memref<1x32xf32, #tpu.memory_space<hbm>>) target(%dma_start3A_1494 : memref<1x32xf32, #tpu.memory_space<vmem>>) target_semaphore(%arg15 : memref<!tpu.dma_semaphore, #tpu.memory_space<semaphore_mem>>)
        %slice3A_1497 = vector.extract_strided_slice %get3A_1100 {offsets = [14], sizes = [1], strides = [1]} : vector<16xi32> to vector<1xi32>
        %squeeze3A_1498 = vector.extract %slice3A_1497[0] : i32 from vector<1xi32>
        %dma_start3A_1499 = arith.constant 14 : i32
        %dma_start3A_1500 = arith.constant 0 : i32
        %dma_start3A_1501 = tpu.memref_slice %arg10[%sub3A_496, %dma_start3A_1499, %dma_start3A_1500] : memref<2x16x32xf32, #tpu.memory_space<vmem>> -> memref<1x1x32xf32, #tpu.memory_space<vmem>>
        %dma_start3A_1502 = tpu.memref_squeeze %dma_start3A_1501 : memref<1x1x32xf32, #tpu.memory_space<vmem>> -> memref<1x32xf32, #tpu.memory_space<vmem>>
        %dma_start3A_1503 = arith.constant 0 : i32
        %dma_start3A_1504 = tpu.memref_slice %arg5[%squeeze3A_1498, %dma_start3A_1503] : memref<1000000x32xf32, #tpu.memory_space<hbm>> -> memref<1x32xf32, #tpu.memory_space<hbm>>
        %dma_start3A_1505 = arith.constant 14 : i32
        %dma_start3A_1506 = arith.constant 0 : i32
        %dma_start3A_1507 = tpu.memref_slice %arg10[%sub3A_496, %dma_start3A_1505, %dma_start3A_1506] : memref<2x16x32xf32, #tpu.memory_space<vmem>> -> memref<1x1x32xf32, #tpu.memory_space<vmem>>
        %dma_start3A_1508 = tpu.memref_squeeze %dma_start3A_1507 : memref<1x1x32xf32, #tpu.memory_space<vmem>> -> memref<1x32xf32, #tpu.memory_space<vmem>>
        %dma_start3A_1509 = arith.constant 0 : i32
        %dma_start3A_1510 = tpu.memref_slice %arg5[%squeeze3A_1498, %dma_start3A_1509] : memref<1000000x32xf32, #tpu.memory_space<hbm>> -> memref<1x32xf32, #tpu.memory_space<hbm>>
        tpu.enqueue_dma source(%dma_start3A_1510 : memref<1x32xf32, #tpu.memory_space<hbm>>) target(%dma_start3A_1508 : memref<1x32xf32, #tpu.memory_space<vmem>>) target_semaphore(%arg14 : memref<!tpu.dma_semaphore, #tpu.memory_space<semaphore_mem>>)
        %slice3A_1511 = vector.extract_strided_slice %get3A_1104 {offsets = [14], sizes = [1], strides = [1]} : vector<16xi32> to vector<1xi32>
        %squeeze3A_1512 = vector.extract %slice3A_1511[0] : i32 from vector<1xi32>
        %dma_start3A_1513 = arith.constant 14 : i32
        %dma_start3A_1514 = arith.constant 0 : i32
        %dma_start3A_1515 = tpu.memref_slice %arg11[%sub3A_496, %dma_start3A_1513, %dma_start3A_1514] : memref<2x16x32xf32, #tpu.memory_space<vmem>> -> memref<1x1x32xf32, #tpu.memory_space<vmem>>
        %dma_start3A_1516 = tpu.memref_squeeze %dma_start3A_1515 : memref<1x1x32xf32, #tpu.memory_space<vmem>> -> memref<1x32xf32, #tpu.memory_space<vmem>>
        %dma_start3A_1517 = arith.constant 0 : i32
        %dma_start3A_1518 = tpu.memref_slice %arg6[%squeeze3A_1512, %dma_start3A_1517] : memref<1000000x32xf32, #tpu.memory_space<hbm>> -> memref<1x32xf32, #tpu.memory_space<hbm>>
        %dma_start3A_1519 = arith.constant 14 : i32
        %dma_start3A_1520 = arith.constant 0 : i32
        %dma_start3A_1521 = tpu.memref_slice %arg11[%sub3A_496, %dma_start3A_1519, %dma_start3A_1520] : memref<2x16x32xf32, #tpu.memory_space<vmem>> -> memref<1x1x32xf32, #tpu.memory_space<vmem>>
        %dma_start3A_1522 = tpu.memref_squeeze %dma_start3A_1521 : memref<1x1x32xf32, #tpu.memory_space<vmem>> -> memref<1x32xf32, #tpu.memory_space<vmem>>
        %dma_start3A_1523 = arith.constant 0 : i32
        %dma_start3A_1524 = tpu.memref_slice %arg6[%squeeze3A_1512, %dma_start3A_1523] : memref<1000000x32xf32, #tpu.memory_space<hbm>> -> memref<1x32xf32, #tpu.memory_space<hbm>>
        tpu.enqueue_dma source(%dma_start3A_1524 : memref<1x32xf32, #tpu.memory_space<hbm>>) target(%dma_start3A_1522 : memref<1x32xf32, #tpu.memory_space<vmem>>) target_semaphore(%arg15 : memref<!tpu.dma_semaphore, #tpu.memory_space<semaphore_mem>>)
        %slice3A_1525 = vector.extract_strided_slice %get3A_1100 {offsets = [15], sizes = [1], strides = [1]} : vector<16xi32> to vector<1xi32>
        %squeeze3A_1526 = vector.extract %slice3A_1525[0] : i32 from vector<1xi32>
        %dma_start3A_1527 = arith.constant 15 : i32
        %dma_start3A_1528 = arith.constant 0 : i32
        %dma_start3A_1529 = tpu.memref_slice %arg10[%sub3A_496, %dma_start3A_1527, %dma_start3A_1528] : memref<2x16x32xf32, #tpu.memory_space<vmem>> -> memref<1x1x32xf32, #tpu.memory_space<vmem>>
        %dma_start3A_1530 = tpu.memref_squeeze %dma_start3A_1529 : memref<1x1x32xf32, #tpu.memory_space<vmem>> -> memref<1x32xf32, #tpu.memory_space<vmem>>
        %dma_start3A_1531 = arith.constant 0 : i32
        %dma_start3A_1532 = tpu.memref_slice %arg5[%squeeze3A_1526, %dma_start3A_1531] : memref<1000000x32xf32, #tpu.memory_space<hbm>> -> memref<1x32xf32, #tpu.memory_space<hbm>>
        %dma_start3A_1533 = arith.constant 15 : i32
        %dma_start3A_1534 = arith.constant 0 : i32
        %dma_start3A_1535 = tpu.memref_slice %arg10[%sub3A_496, %dma_start3A_1533, %dma_start3A_1534] : memref<2x16x32xf32, #tpu.memory_space<vmem>> -> memref<1x1x32xf32, #tpu.memory_space<vmem>>
        %dma_start3A_1536 = tpu.memref_squeeze %dma_start3A_1535 : memref<1x1x32xf32, #tpu.memory_space<vmem>> -> memref<1x32xf32, #tpu.memory_space<vmem>>
        %dma_start3A_1537 = arith.constant 0 : i32
        %dma_start3A_1538 = tpu.memref_slice %arg5[%squeeze3A_1526, %dma_start3A_1537] : memref<1000000x32xf32, #tpu.memory_space<hbm>> -> memref<1x32xf32, #tpu.memory_space<hbm>>
        tpu.enqueue_dma source(%dma_start3A_1538 : memref<1x32xf32, #tpu.memory_space<hbm>>) target(%dma_start3A_1536 : memref<1x32xf32, #tpu.memory_space<vmem>>) target_semaphore(%arg14 : memref<!tpu.dma_semaphore, #tpu.memory_space<semaphore_mem>>)
        %slice3A_1539 = vector.extract_strided_slice %get3A_1104 {offsets = [15], sizes = [1], strides = [1]} : vector<16xi32> to vector<1xi32>
        %squeeze3A_1540 = vector.extract %slice3A_1539[0] : i32 from vector<1xi32>
        %dma_start3A_1541 = arith.constant 15 : i32
        %dma_start3A_1542 = arith.constant 0 : i32
        %dma_start3A_1543 = tpu.memref_slice %arg11[%sub3A_496, %dma_start3A_1541, %dma_start3A_1542] : memref<2x16x32xf32, #tpu.memory_space<vmem>> -> memref<1x1x32xf32, #tpu.memory_space<vmem>>
        %dma_start3A_1544 = tpu.memref_squeeze %dma_start3A_1543 : memref<1x1x32xf32, #tpu.memory_space<vmem>> -> memref<1x32xf32, #tpu.memory_space<vmem>>
        %dma_start3A_1545 = arith.constant 0 : i32
        %dma_start3A_1546 = tpu.memref_slice %arg6[%squeeze3A_1540, %dma_start3A_1545] : memref<1000000x32xf32, #tpu.memory_space<hbm>> -> memref<1x32xf32, #tpu.memory_space<hbm>>
        %dma_start3A_1547 = arith.constant 15 : i32
        %dma_start3A_1548 = arith.constant 0 : i32
        %dma_start3A_1549 = tpu.memref_slice %arg11[%sub3A_496, %dma_start3A_1547, %dma_start3A_1548] : memref<2x16x32xf32, #tpu.memory_space<vmem>> -> memref<1x1x32xf32, #tpu.memory_space<vmem>>
        %dma_start3A_1550 = tpu.memref_squeeze %dma_start3A_1549 : memref<1x1x32xf32, #tpu.memory_space<vmem>> -> memref<1x32xf32, #tpu.memory_space<vmem>>
        %dma_start3A_1551 = arith.constant 0 : i32
        %dma_start3A_1552 = tpu.memref_slice %arg6[%squeeze3A_1540, %dma_start3A_1551] : memref<1000000x32xf32, #tpu.memory_space<hbm>> -> memref<1x32xf32, #tpu.memory_space<hbm>>
        tpu.enqueue_dma source(%dma_start3A_1552 : memref<1x32xf32, #tpu.memory_space<hbm>>) target(%dma_start3A_1550 : memref<1x32xf32, #tpu.memory_space<vmem>>) target_semaphore(%arg15 : memref<!tpu.dma_semaphore, #tpu.memory_space<semaphore_mem>>)
      } else {
      }
      %dma_wait3A = arith.constant 0 : i32
      %dma_wait3A_501 = arith.constant 0 : i32
      %dma_wait3A_502 = tpu.memref_slice %arg10[%rem3A_495, %dma_wait3A, %dma_wait3A_501] : memref<2x16x32xf32, #tpu.memory_space<vmem>> -> memref<1x16x32xf32, #tpu.memory_space<vmem>>
      %dma_wait3A_503 = tpu.memref_squeeze %dma_wait3A_502 : memref<1x16x32xf32, #tpu.memory_space<vmem>> -> memref<16x32xf32, #tpu.memory_space<vmem>>
      %dma_wait3A_504 = arith.constant 0 : i32
      %dma_wait3A_505 = arith.constant 0 : i32
      %dma_wait3A_506 = tpu.memref_slice %arg5[%dma_wait3A_504, %dma_wait3A_505] : memref<1000000x32xf32, #tpu.memory_space<hbm>> -> memref<16x32xf32, #tpu.memory_space<hbm>>
      %dma_wait3A_507 = arith.constant 0 : i32
      %dma_wait3A_508 = arith.constant 0 : i32
      %dma_wait3A_509 = tpu.memref_slice %arg10[%rem3A_495, %dma_wait3A_507, %dma_wait3A_508] : memref<2x16x32xf32, #tpu.memory_space<vmem>> -> memref<1x16x32xf32, #tpu.memory_space<vmem>>
      %dma_wait3A_510 = tpu.memref_squeeze %dma_wait3A_509 : memref<1x16x32xf32, #tpu.memory_space<vmem>> -> memref<16x32xf32, #tpu.memory_space<vmem>>
      %dma_wait3A_511 = arith.constant 0 : i32
      %dma_wait3A_512 = arith.constant 0 : i32
      %dma_wait3A_513 = tpu.memref_slice %arg5[%dma_wait3A_511, %dma_wait3A_512] : memref<1000000x32xf32, #tpu.memory_space<hbm>> -> memref<16x32xf32, #tpu.memory_space<hbm>>
      tpu.wait_dma2 semaphore(%arg14 : memref<!tpu.dma_semaphore, #tpu.memory_space<semaphore_mem>>) src(%dma_wait3A_513 : memref<16x32xf32, #tpu.memory_space<hbm>>) dst(%dma_wait3A_510 : memref<16x32xf32, #tpu.memory_space<vmem>>)
      %dma_wait3A_514 = arith.constant 0 : i32
      %dma_wait3A_515 = arith.constant 0 : i32
      %dma_wait3A_516 = tpu.memref_slice %arg11[%rem3A_495, %dma_wait3A_514, %dma_wait3A_515] : memref<2x16x32xf32, #tpu.memory_space<vmem>> -> memref<1x16x32xf32, #tpu.memory_space<vmem>>
      %dma_wait3A_517 = tpu.memref_squeeze %dma_wait3A_516 : memref<1x16x32xf32, #tpu.memory_space<vmem>> -> memref<16x32xf32, #tpu.memory_space<vmem>>
      %dma_wait3A_518 = arith.constant 0 : i32
      %dma_wait3A_519 = arith.constant 0 : i32
      %dma_wait3A_520 = tpu.memref_slice %arg6[%dma_wait3A_518, %dma_wait3A_519] : memref<1000000x32xf32, #tpu.memory_space<hbm>> -> memref<16x32xf32, #tpu.memory_space<hbm>>
      %dma_wait3A_521 = arith.constant 0 : i32
      %dma_wait3A_522 = arith.constant 0 : i32
      %dma_wait3A_523 = tpu.memref_slice %arg11[%rem3A_495, %dma_wait3A_521, %dma_wait3A_522] : memref<2x16x32xf32, #tpu.memory_space<vmem>> -> memref<1x16x32xf32, #tpu.memory_space<vmem>>
      %dma_wait3A_524 = tpu.memref_squeeze %dma_wait3A_523 : memref<1x16x32xf32, #tpu.memory_space<vmem>> -> memref<16x32xf32, #tpu.memory_space<vmem>>
      %dma_wait3A_525 = arith.constant 0 : i32
      %dma_wait3A_526 = arith.constant 0 : i32
      %dma_wait3A_527 = tpu.memref_slice %arg6[%dma_wait3A_525, %dma_wait3A_526] : memref<1000000x32xf32, #tpu.memory_space<hbm>> -> memref<16x32xf32, #tpu.memory_space<hbm>>
      tpu.wait_dma2 semaphore(%arg15 : memref<!tpu.dma_semaphore, #tpu.memory_space<semaphore_mem>>) src(%dma_wait3A_527 : memref<16x32xf32, #tpu.memory_space<hbm>>) dst(%dma_wait3A_524 : memref<16x32xf32, #tpu.memory_space<vmem>>)
      %get3A_528 = arith.constant 0 : i32
      %get3A_529 = arith.index_cast %rem3A_495 : i32 to index
      %get3A_530 = arith.index_cast %get3A_528 : i32 to index
      %get3A_531 = arith.constant 0 : index
      %get3A_532 = tpu.vector_load %arg10[%get3A_529, %get3A_530, %get3A_531] {strides = array<i32>} : memref<2x16x32xf32, #tpu.memory_space<vmem>>, vector<16xf32>,
      %get3A_533 = arith.constant 0 : i32
      %get3A_534 = arith.index_cast %rem3A_495 : i32 to index
      %get3A_535 = arith.index_cast %get3A_533 : i32 to index
      %get3A_536 = arith.constant 0 : index
      %get3A_537 = tpu.vector_load %arg11[%get3A_534, %get3A_535, %get3A_536] {strides = array<i32>} : memref<2x16x32xf32, #tpu.memory_space<vmem>>, vector<16xf32>,
      %mul3A_538 = arith.mulf %get3A_532, %get3A_537 : vector<16xf32>
      %mul3A_539 = arith.mulf %mul3A_538, %get3A_5 : vector<16xf32>
      %get3A_540 = arith.constant 0 : i32
      %get3A_541 = arith.index_cast %rem3A_495 : i32 to index
      %get3A_542 = arith.index_cast %get3A_540 : i32 to index
      %get3A_543 = arith.constant 16 : index
      %get3A_544 = tpu.vector_load %arg10[%get3A_541, %get3A_542, %get3A_543] {strides = array<i32>} : memref<2x16x32xf32, #tpu.memory_space<vmem>>, vector<16xf32>,
      %get3A_545 = arith.constant 0 : i32
      %get3A_546 = arith.index_cast %rem3A_495 : i32 to index
      %get3A_547 = arith.index_cast %get3A_545 : i32 to index
      %get3A_548 = arith.constant 16 : index
      %get3A_549 = tpu.vector_load %arg11[%get3A_546, %get3A_547, %get3A_548] {strides = array<i32>} : memref<2x16x32xf32, #tpu.memory_space<vmem>>, vector<16xf32>,
      %mul3A_550 = arith.mulf %get3A_544, %get3A_549 : vector<16xf32>
      %mul3A_551 = arith.mulf %mul3A_550, %get3A_7 : vector<16xf32>
      %add3A_552 = arith.addf %mul3A_539, %mul3A_551 : vector<16xf32>
      %reduce_sum3A = arith.constant true
      %reduce_sum3A_553 = vector.broadcast %reduce_sum3A : i1 to vector<16xi1>
      %reduce_sum3A_554 = tpu.scan <sum>, %add3A_552 masked %reduce_sum3A_553 : vector<16xf32>, vector<16xi1> -> vector<16xf32>
      %reduce_sum3A_555 = vector.extract %reduce_sum3A_554[15] : f32 from vector<16xf32>
      %eq3A = arith.constant 0 : i32
      %eq3A_556 = vector.broadcast %eq3A : i32 to vector<16xi32>
      %eq3A_557 = arith.cmpi eq, %iota3A, %eq3A_556 : vector<16xi32>
      %add3A_558 = vector.broadcast %reduce_sum3A_555 : f32 to vector<16xf32>
      %add3A_559 = arith.addf %get3A_3, %add3A_558 : vector<16xf32>
      %select_n3A = arith.select %eq3A_557, %add3A_559, %get3A_3 : vector<16xi1>, vector<16xf32>
      %get3A_560 = arith.constant 1 : i32
      %get3A_561 = arith.index_cast %rem3A_495 : i32 to index
      %get3A_562 = arith.index_cast %get3A_560 : i32 to index
      %get3A_563 = arith.constant 0 : index
      %get3A_564 = tpu.vector_load %arg10[%get3A_561, %get3A_562, %get3A_563] {strides = array<i32>} : memref<2x16x32xf32, #tpu.memory_space<vmem>>, vector<16xf32>,
      %get3A_565 = arith.constant 1 : i32
      %get3A_566 = arith.index_cast %rem3A_495 : i32 to index
      %get3A_567 = arith.index_cast %get3A_565 : i32 to index
      %get3A_568 = arith.constant 0 : index
      %get3A_569 = tpu.vector_load %arg11[%get3A_566, %get3A_567, %get3A_568] {strides = array<i32>} : memref<2x16x32xf32, #tpu.memory_space<vmem>>, vector<16xf32>,
      %mul3A_570 = arith.mulf %get3A_564, %get3A_569 : vector<16xf32>
      %mul3A_571 = arith.mulf %mul3A_570, %get3A_5 : vector<16xf32>
      %get3A_572 = arith.constant 1 : i32
      %get3A_573 = arith.index_cast %rem3A_495 : i32 to index
      %get3A_574 = arith.index_cast %get3A_572 : i32 to index
      %get3A_575 = arith.constant 16 : index
      %get3A_576 = tpu.vector_load %arg10[%get3A_573, %get3A_574, %get3A_575] {strides = array<i32>} : memref<2x16x32xf32, #tpu.memory_space<vmem>>, vector<16xf32>,
      %get3A_577 = arith.constant 1 : i32
      %get3A_578 = arith.index_cast %rem3A_495 : i32 to index
      %get3A_579 = arith.index_cast %get3A_577 : i32 to index
      %get3A_580 = arith.constant 16 : index
      %get3A_581 = tpu.vector_load %arg11[%get3A_578, %get3A_579, %get3A_580] {strides = array<i32>} : memref<2x16x32xf32, #tpu.memory_space<vmem>>, vector<16xf32>,
      %mul3A_582 = arith.mulf %get3A_576, %get3A_581 : vector<16xf32>
      %mul3A_583 = arith.mulf %mul3A_582, %get3A_7 : vector<16xf32>
      %add3A_584 = arith.addf %mul3A_571, %mul3A_583 : vector<16xf32>
      %reduce_sum3A_585 = arith.constant true
      %reduce_sum3A_586 = vector.broadcast %reduce_sum3A_585 : i1 to vector<16xi1>
      %reduce_sum3A_587 = tpu.scan <sum>, %add3A_584 masked %reduce_sum3A_586 : vector<16xf32>, vector<16xi1> -> vector<16xf32>
      %reduce_sum3A_588 = vector.extract %reduce_sum3A_587[15] : f32 from vector<16xf32>
      %eq3A_589 = arith.constant 1 : i32
      %eq3A_590 = vector.broadcast %eq3A_589 : i32 to vector<16xi32>
      %eq3A_591 = arith.cmpi eq, %iota3A, %eq3A_590 : vector<16xi32>
      %add3A_592 = vector.broadcast %reduce_sum3A_588 : f32 to vector<16xf32>
      %add3A_593 = arith.addf %select_n3A, %add3A_592 : vector<16xf32>
      %select_n3A_594 = arith.select %eq3A_591, %add3A_593, %select_n3A : vector<16xi1>, vector<16xf32>
      %get3A_595 = arith.constant 2 : i32
      %get3A_596 = arith.index_cast %rem3A_495 : i32 to index
      %get3A_597 = arith.index_cast %get3A_595 : i32 to index
      %get3A_598 = arith.constant 0 : index
      %get3A_599 = tpu.vector_load %arg10[%get3A_596, %get3A_597, %get3A_598] {strides = array<i32>} : memref<2x16x32xf32, #tpu.memory_space<vmem>>, vector<16xf32>,
      %get3A_600 = arith.constant 2 : i32
      %get3A_601 = arith.index_cast %rem3A_495 : i32 to index
      %get3A_602 = arith.index_cast %get3A_600 : i32 to index
      %get3A_603 = arith.constant 0 : index
      %get3A_604 = tpu.vector_load %arg11[%get3A_601, %get3A_602, %get3A_603] {strides = array<i32>} : memref<2x16x32xf32, #tpu.memory_space<vmem>>, vector<16xf32>,
      %mul3A_605 = arith.mulf %get3A_599, %get3A_604 : vector<16xf32>
      %mul3A_606 = arith.mulf %mul3A_605, %get3A_5 : vector<16xf32>
      %get3A_607 = arith.constant 2 : i32
      %get3A_608 = arith.index_cast %rem3A_495 : i32 to index
      %get3A_609 = arith.index_cast %get3A_607 : i32 to index
      %get3A_610 = arith.constant 16 : index
      %get3A_611 = tpu.vector_load %arg10[%get3A_608, %get3A_609, %get3A_610] {strides = array<i32>} : memref<2x16x32xf32, #tpu.memory_space<vmem>>, vector<16xf32>,
      %get3A_612 = arith.constant 2 : i32
      %get3A_613 = arith.index_cast %rem3A_495 : i32 to index
      %get3A_614 = arith.index_cast %get3A_612 : i32 to index
      %get3A_615 = arith.constant 16 : index
      %get3A_616 = tpu.vector_load %arg11[%get3A_613, %get3A_614, %get3A_615] {strides = array<i32>} : memref<2x16x32xf32, #tpu.memory_space<vmem>>, vector<16xf32>,
      %mul3A_617 = arith.mulf %get3A_611, %get3A_616 : vector<16xf32>
      %mul3A_618 = arith.mulf %mul3A_617, %get3A_7 : vector<16xf32>
      %add3A_619 = arith.addf %mul3A_606, %mul3A_618 : vector<16xf32>
      %reduce_sum3A_620 = arith.constant true
      %reduce_sum3A_621 = vector.broadcast %reduce_sum3A_620 : i1 to vector<16xi1>
      %reduce_sum3A_622 = tpu.scan <sum>, %add3A_619 masked %reduce_sum3A_621 : vector<16xf32>, vector<16xi1> -> vector<16xf32>
      %reduce_sum3A_623 = vector.extract %reduce_sum3A_622[15] : f32 from vector<16xf32>
      %eq3A_624 = arith.constant 2 : i32
      %eq3A_625 = vector.broadcast %eq3A_624 : i32 to vector<16xi32>
      %eq3A_626 = arith.cmpi eq, %iota3A, %eq3A_625 : vector<16xi32>
      %add3A_627 = vector.broadcast %reduce_sum3A_623 : f32 to vector<16xf32>
      %add3A_628 = arith.addf %select_n3A_594, %add3A_627 : vector<16xf32>
      %select_n3A_629 = arith.select %eq3A_626, %add3A_628, %select_n3A_594 : vector<16xi1>, vector<16xf32>
      %get3A_630 = arith.constant 3 : i32
      %get3A_631 = arith.index_cast %rem3A_495 : i32 to index
      %get3A_632 = arith.index_cast %get3A_630 : i32 to index
      %get3A_633 = arith.constant 0 : index
      %get3A_634 = tpu.vector_load %arg10[%get3A_631, %get3A_632, %get3A_633] {strides = array<i32>} : memref<2x16x32xf32, #tpu.memory_space<vmem>>, vector<16xf32>,
      %get3A_635 = arith.constant 3 : i32
      %get3A_636 = arith.index_cast %rem3A_495 : i32 to index
      %get3A_637 = arith.index_cast %get3A_635 : i32 to index
      %get3A_638 = arith.constant 0 : index
      %get3A_639 = tpu.vector_load %arg11[%get3A_636, %get3A_637, %get3A_638] {strides = array<i32>} : memref<2x16x32xf32, #tpu.memory_space<vmem>>, vector<16xf32>,
      %mul3A_640 = arith.mulf %get3A_634, %get3A_639 : vector<16xf32>
      %mul3A_641 = arith.mulf %mul3A_640, %get3A_5 : vector<16xf32>
      %get3A_642 = arith.constant 3 : i32
      %get3A_643 = arith.index_cast %rem3A_495 : i32 to index
      %get3A_644 = arith.index_cast %get3A_642 : i32 to index
      %get3A_645 = arith.constant 16 : index
      %get3A_646 = tpu.vector_load %arg10[%get3A_643, %get3A_644, %get3A_645] {strides = array<i32>} : memref<2x16x32xf32, #tpu.memory_space<vmem>>, vector<16xf32>,
      %get3A_647 = arith.constant 3 : i32
      %get3A_648 = arith.index_cast %rem3A_495 : i32 to index
      %get3A_649 = arith.index_cast %get3A_647 : i32 to index
      %get3A_650 = arith.constant 16 : index
      %get3A_651 = tpu.vector_load %arg11[%get3A_648, %get3A_649, %get3A_650] {strides = array<i32>} : memref<2x16x32xf32, #tpu.memory_space<vmem>>, vector<16xf32>,
      %mul3A_652 = arith.mulf %get3A_646, %get3A_651 : vector<16xf32>
      %mul3A_653 = arith.mulf %mul3A_652, %get3A_7 : vector<16xf32>
      %add3A_654 = arith.addf %mul3A_641, %mul3A_653 : vector<16xf32>
      %reduce_sum3A_655 = arith.constant true
      %reduce_sum3A_656 = vector.broadcast %reduce_sum3A_655 : i1 to vector<16xi1>
      %reduce_sum3A_657 = tpu.scan <sum>, %add3A_654 masked %reduce_sum3A_656 : vector<16xf32>, vector<16xi1> -> vector<16xf32>
      %reduce_sum3A_658 = vector.extract %reduce_sum3A_657[15] : f32 from vector<16xf32>
      %eq3A_659 = arith.constant 3 : i32
      %eq3A_660 = vector.broadcast %eq3A_659 : i32 to vector<16xi32>
      %eq3A_661 = arith.cmpi eq, %iota3A, %eq3A_660 : vector<16xi32>
      %add3A_662 = vector.broadcast %reduce_sum3A_658 : f32 to vector<16xf32>
      %add3A_663 = arith.addf %select_n3A_629, %add3A_662 : vector<16xf32>
      %select_n3A_664 = arith.select %eq3A_661, %add3A_663, %select_n3A_629 : vector<16xi1>, vector<16xf32>
      %get3A_665 = arith.constant 4 : i32
      %get3A_666 = arith.index_cast %rem3A_495 : i32 to index
      %get3A_667 = arith.index_cast %get3A_665 : i32 to index
      %get3A_668 = arith.constant 0 : index
      %get3A_669 = tpu.vector_load %arg10[%get3A_666, %get3A_667, %get3A_668] {strides = array<i32>} : memref<2x16x32xf32, #tpu.memory_space<vmem>>, vector<16xf32>,
      %get3A_670 = arith.constant 4 : i32
      %get3A_671 = arith.index_cast %rem3A_495 : i32 to index
      %get3A_672 = arith.index_cast %get3A_670 : i32 to index
      %get3A_673 = arith.constant 0 : index
      %get3A_674 = tpu.vector_load %arg11[%get3A_671, %get3A_672, %get3A_673] {strides = array<i32>} : memref<2x16x32xf32, #tpu.memory_space<vmem>>, vector<16xf32>,
      %mul3A_675 = arith.mulf %get3A_669, %get3A_674 : vector<16xf32>
      %mul3A_676 = arith.mulf %mul3A_675, %get3A_5 : vector<16xf32>
      %get3A_677 = arith.constant 4 : i32
      %get3A_678 = arith.index_cast %rem3A_495 : i32 to index
      %get3A_679 = arith.index_cast %get3A_677 : i32 to index
      %get3A_680 = arith.constant 16 : index
      %get3A_681 = tpu.vector_load %arg10[%get3A_678, %get3A_679, %get3A_680] {strides = array<i32>} : memref<2x16x32xf32, #tpu.memory_space<vmem>>, vector<16xf32>,
      %get3A_682 = arith.constant 4 : i32
      %get3A_683 = arith.index_cast %rem3A_495 : i32 to index
      %get3A_684 = arith.index_cast %get3A_682 : i32 to index
      %get3A_685 = arith.constant 16 : index
      %get3A_686 = tpu.vector_load %arg11[%get3A_683, %get3A_684, %get3A_685] {strides = array<i32>} : memref<2x16x32xf32, #tpu.memory_space<vmem>>, vector<16xf32>,
      %mul3A_687 = arith.mulf %get3A_681, %get3A_686 : vector<16xf32>
      %mul3A_688 = arith.mulf %mul3A_687, %get3A_7 : vector<16xf32>
      %add3A_689 = arith.addf %mul3A_676, %mul3A_688 : vector<16xf32>
      %reduce_sum3A_690 = arith.constant true
      %reduce_sum3A_691 = vector.broadcast %reduce_sum3A_690 : i1 to vector<16xi1>
      %reduce_sum3A_692 = tpu.scan <sum>, %add3A_689 masked %reduce_sum3A_691 : vector<16xf32>, vector<16xi1> -> vector<16xf32>
      %reduce_sum3A_693 = vector.extract %reduce_sum3A_692[15] : f32 from vector<16xf32>
      %eq3A_694 = arith.constant 4 : i32
      %eq3A_695 = vector.broadcast %eq3A_694 : i32 to vector<16xi32>
      %eq3A_696 = arith.cmpi eq, %iota3A, %eq3A_695 : vector<16xi32>
      %add3A_697 = vector.broadcast %reduce_sum3A_693 : f32 to vector<16xf32>
      %add3A_698 = arith.addf %select_n3A_664, %add3A_697 : vector<16xf32>
      %select_n3A_699 = arith.select %eq3A_696, %add3A_698, %select_n3A_664 : vector<16xi1>, vector<16xf32>
      %get3A_700 = arith.constant 5 : i32
      %get3A_701 = arith.index_cast %rem3A_495 : i32 to index
      %get3A_702 = arith.index_cast %get3A_700 : i32 to index
      %get3A_703 = arith.constant 0 : index
      %get3A_704 = tpu.vector_load %arg10[%get3A_701, %get3A_702, %get3A_703] {strides = array<i32>} : memref<2x16x32xf32, #tpu.memory_space<vmem>>, vector<16xf32>,
      %get3A_705 = arith.constant 5 : i32
      %get3A_706 = arith.index_cast %rem3A_495 : i32 to index
      %get3A_707 = arith.index_cast %get3A_705 : i32 to index
      %get3A_708 = arith.constant 0 : index
      %get3A_709 = tpu.vector_load %arg11[%get3A_706, %get3A_707, %get3A_708] {strides = array<i32>} : memref<2x16x32xf32, #tpu.memory_space<vmem>>, vector<16xf32>,
      %mul3A_710 = arith.mulf %get3A_704, %get3A_709 : vector<16xf32>
      %mul3A_711 = arith.mulf %mul3A_710, %get3A_5 : vector<16xf32>
      %get3A_712 = arith.constant 5 : i32
      %get3A_713 = arith.index_cast %rem3A_495 : i32 to index
      %get3A_714 = arith.index_cast %get3A_712 : i32 to index
      %get3A_715 = arith.constant 16 : index
      %get3A_716 = tpu.vector_load %arg10[%get3A_713, %get3A_714, %get3A_715] {strides = array<i32>} : memref<2x16x32xf32, #tpu.memory_space<vmem>>, vector<16xf32>,
      %get3A_717 = arith.constant 5 : i32
      %get3A_718 = arith.index_cast %rem3A_495 : i32 to index
      %get3A_719 = arith.index_cast %get3A_717 : i32 to index
      %get3A_720 = arith.constant 16 : index
      %get3A_721 = tpu.vector_load %arg11[%get3A_718, %get3A_719, %get3A_720] {strides = array<i32>} : memref<2x16x32xf32, #tpu.memory_space<vmem>>, vector<16xf32>,
      %mul3A_722 = arith.mulf %get3A_716, %get3A_721 : vector<16xf32>
      %mul3A_723 = arith.mulf %mul3A_722, %get3A_7 : vector<16xf32>
      %add3A_724 = arith.addf %mul3A_711, %mul3A_723 : vector<16xf32>
      %reduce_sum3A_725 = arith.constant true
      %reduce_sum3A_726 = vector.broadcast %reduce_sum3A_725 : i1 to vector<16xi1>
      %reduce_sum3A_727 = tpu.scan <sum>, %add3A_724 masked %reduce_sum3A_726 : vector<16xf32>, vector<16xi1> -> vector<16xf32>
      %reduce_sum3A_728 = vector.extract %reduce_sum3A_727[15] : f32 from vector<16xf32>
      %eq3A_729 = arith.constant 5 : i32
      %eq3A_730 = vector.broadcast %eq3A_729 : i32 to vector<16xi32>
      %eq3A_731 = arith.cmpi eq, %iota3A, %eq3A_730 : vector<16xi32>
      %add3A_732 = vector.broadcast %reduce_sum3A_728 : f32 to vector<16xf32>
      %add3A_733 = arith.addf %select_n3A_699, %add3A_732 : vector<16xf32>
      %select_n3A_734 = arith.select %eq3A_731, %add3A_733, %select_n3A_699 : vector<16xi1>, vector<16xf32>
      %get3A_735 = arith.constant 6 : i32
      %get3A_736 = arith.index_cast %rem3A_495 : i32 to index
      %get3A_737 = arith.index_cast %get3A_735 : i32 to index
      %get3A_738 = arith.constant 0 : index
      %get3A_739 = tpu.vector_load %arg10[%get3A_736, %get3A_737, %get3A_738] {strides = array<i32>} : memref<2x16x32xf32, #tpu.memory_space<vmem>>, vector<16xf32>,
      %get3A_740 = arith.constant 6 : i32
      %get3A_741 = arith.index_cast %rem3A_495 : i32 to index
      %get3A_742 = arith.index_cast %get3A_740 : i32 to index
      %get3A_743 = arith.constant 0 : index
      %get3A_744 = tpu.vector_load %arg11[%get3A_741, %get3A_742, %get3A_743] {strides = array<i32>} : memref<2x16x32xf32, #tpu.memory_space<vmem>>, vector<16xf32>,
      %mul3A_745 = arith.mulf %get3A_739, %get3A_744 : vector<16xf32>
      %mul3A_746 = arith.mulf %mul3A_745, %get3A_5 : vector<16xf32>
      %get3A_747 = arith.constant 6 : i32
      %get3A_748 = arith.index_cast %rem3A_495 : i32 to index
      %get3A_749 = arith.index_cast %get3A_747 : i32 to index
      %get3A_750 = arith.constant 16 : index
      %get3A_751 = tpu.vector_load %arg10[%get3A_748, %get3A_749, %get3A_750] {strides = array<i32>} : memref<2x16x32xf32, #tpu.memory_space<vmem>>, vector<16xf32>,
      %get3A_752 = arith.constant 6 : i32
      %get3A_753 = arith.index_cast %rem3A_495 : i32 to index
      %get3A_754 = arith.index_cast %get3A_752 : i32 to index
      %get3A_755 = arith.constant 16 : index
      %get3A_756 = tpu.vector_load %arg11[%get3A_753, %get3A_754, %get3A_755] {strides = array<i32>} : memref<2x16x32xf32, #tpu.memory_space<vmem>>, vector<16xf32>,
      %mul3A_757 = arith.mulf %get3A_751, %get3A_756 : vector<16xf32>
      %mul3A_758 = arith.mulf %mul3A_757, %get3A_7 : vector<16xf32>
      %add3A_759 = arith.addf %mul3A_746, %mul3A_758 : vector<16xf32>
      %reduce_sum3A_760 = arith.constant true
      %reduce_sum3A_761 = vector.broadcast %reduce_sum3A_760 : i1 to vector<16xi1>
      %reduce_sum3A_762 = tpu.scan <sum>, %add3A_759 masked %reduce_sum3A_761 : vector<16xf32>, vector<16xi1> -> vector<16xf32>
      %reduce_sum3A_763 = vector.extract %reduce_sum3A_762[15] : f32 from vector<16xf32>
      %eq3A_764 = arith.constant 6 : i32
      %eq3A_765 = vector.broadcast %eq3A_764 : i32 to vector<16xi32>
      %eq3A_766 = arith.cmpi eq, %iota3A, %eq3A_765 : vector<16xi32>
      %add3A_767 = vector.broadcast %reduce_sum3A_763 : f32 to vector<16xf32>
      %add3A_768 = arith.addf %select_n3A_734, %add3A_767 : vector<16xf32>
      %select_n3A_769 = arith.select %eq3A_766, %add3A_768, %select_n3A_734 : vector<16xi1>, vector<16xf32>
      %get3A_770 = arith.constant 7 : i32
      %get3A_771 = arith.index_cast %rem3A_495 : i32 to index
      %get3A_772 = arith.index_cast %get3A_770 : i32 to index
      %get3A_773 = arith.constant 0 : index
      %get3A_774 = tpu.vector_load %arg10[%get3A_771, %get3A_772, %get3A_773] {strides = array<i32>} : memref<2x16x32xf32, #tpu.memory_space<vmem>>, vector<16xf32>,
      %get3A_775 = arith.constant 7 : i32
      %get3A_776 = arith.index_cast %rem3A_495 : i32 to index
      %get3A_777 = arith.index_cast %get3A_775 : i32 to index
      %get3A_778 = arith.constant 0 : index
      %get3A_779 = tpu.vector_load %arg11[%get3A_776, %get3A_777, %get3A_778] {strides = array<i32>} : memref<2x16x32xf32, #tpu.memory_space<vmem>>, vector<16xf32>,
      %mul3A_780 = arith.mulf %get3A_774, %get3A_779 : vector<16xf32>
      %mul3A_781 = arith.mulf %mul3A_780, %get3A_5 : vector<16xf32>
      %get3A_782 = arith.constant 7 : i32
      %get3A_783 = arith.index_cast %rem3A_495 : i32 to index
      %get3A_784 = arith.index_cast %get3A_782 : i32 to index
      %get3A_785 = arith.constant 16 : index
      %get3A_786 = tpu.vector_load %arg10[%get3A_783, %get3A_784, %get3A_785] {strides = array<i32>} : memref<2x16x32xf32, #tpu.memory_space<vmem>>, vector<16xf32>,
      %get3A_787 = arith.constant 7 : i32
      %get3A_788 = arith.index_cast %rem3A_495 : i32 to index
      %get3A_789 = arith.index_cast %get3A_787 : i32 to index
      %get3A_790 = arith.constant 16 : index
      %get3A_791 = tpu.vector_load %arg11[%get3A_788, %get3A_789, %get3A_790] {strides = array<i32>} : memref<2x16x32xf32, #tpu.memory_space<vmem>>, vector<16xf32>,
      %mul3A_792 = arith.mulf %get3A_786, %get3A_791 : vector<16xf32>
      %mul3A_793 = arith.mulf %mul3A_792, %get3A_7 : vector<16xf32>
      %add3A_794 = arith.addf %mul3A_781, %mul3A_793 : vector<16xf32>
      %reduce_sum3A_795 = arith.constant true
      %reduce_sum3A_796 = vector.broadcast %reduce_sum3A_795 : i1 to vector<16xi1>
      %reduce_sum3A_797 = tpu.scan <sum>, %add3A_794 masked %reduce_sum3A_796 : vector<16xf32>, vector<16xi1> -> vector<16xf32>
      %reduce_sum3A_798 = vector.extract %reduce_sum3A_797[15] : f32 from vector<16xf32>
      %eq3A_799 = arith.constant 7 : i32
      %eq3A_800 = vector.broadcast %eq3A_799 : i32 to vector<16xi32>
      %eq3A_801 = arith.cmpi eq, %iota3A, %eq3A_800 : vector<16xi32>
      %add3A_802 = vector.broadcast %reduce_sum3A_798 : f32 to vector<16xf32>
      %add3A_803 = arith.addf %select_n3A_769, %add3A_802 : vector<16xf32>
      %select_n3A_804 = arith.select %eq3A_801, %add3A_803, %select_n3A_769 : vector<16xi1>, vector<16xf32>
      %get3A_805 = arith.constant 8 : i32
      %get3A_806 = arith.index_cast %rem3A_495 : i32 to index
      %get3A_807 = arith.index_cast %get3A_805 : i32 to index
      %get3A_808 = arith.constant 0 : index
      %get3A_809 = tpu.vector_load %arg10[%get3A_806, %get3A_807, %get3A_808] {strides = array<i32>} : memref<2x16x32xf32, #tpu.memory_space<vmem>>, vector<16xf32>,
      %get3A_810 = arith.constant 8 : i32
      %get3A_811 = arith.index_cast %rem3A_495 : i32 to index
      %get3A_812 = arith.index_cast %get3A_810 : i32 to index
      %get3A_813 = arith.constant 0 : index
      %get3A_814 = tpu.vector_load %arg11[%get3A_811, %get3A_812, %get3A_813] {strides = array<i32>} : memref<2x16x32xf32, #tpu.memory_space<vmem>>, vector<16xf32>,
      %mul3A_815 = arith.mulf %get3A_809, %get3A_814 : vector<16xf32>
      %mul3A_816 = arith.mulf %mul3A_815, %get3A_5 : vector<16xf32>
      %get3A_817 = arith.constant 8 : i32
      %get3A_818 = arith.index_cast %rem3A_495 : i32 to index
      %get3A_819 = arith.index_cast %get3A_817 : i32 to index
      %get3A_820 = arith.constant 16 : index
      %get3A_821 = tpu.vector_load %arg10[%get3A_818, %get3A_819, %get3A_820] {strides = array<i32>} : memref<2x16x32xf32, #tpu.memory_space<vmem>>, vector<16xf32>,
      %get3A_822 = arith.constant 8 : i32
      %get3A_823 = arith.index_cast %rem3A_495 : i32 to index
      %get3A_824 = arith.index_cast %get3A_822 : i32 to index
      %get3A_825 = arith.constant 16 : index
      %get3A_826 = tpu.vector_load %arg11[%get3A_823, %get3A_824, %get3A_825] {strides = array<i32>} : memref<2x16x32xf32, #tpu.memory_space<vmem>>, vector<16xf32>,
      %mul3A_827 = arith.mulf %get3A_821, %get3A_826 : vector<16xf32>
      %mul3A_828 = arith.mulf %mul3A_827, %get3A_7 : vector<16xf32>
      %add3A_829 = arith.addf %mul3A_816, %mul3A_828 : vector<16xf32>
      %reduce_sum3A_830 = arith.constant true
      %reduce_sum3A_831 = vector.broadcast %reduce_sum3A_830 : i1 to vector<16xi1>
      %reduce_sum3A_832 = tpu.scan <sum>, %add3A_829 masked %reduce_sum3A_831 : vector<16xf32>, vector<16xi1> -> vector<16xf32>
      %reduce_sum3A_833 = vector.extract %reduce_sum3A_832[15] : f32 from vector<16xf32>
      %eq3A_834 = arith.constant 8 : i32
      %eq3A_835 = vector.broadcast %eq3A_834 : i32 to vector<16xi32>
      %eq3A_836 = arith.cmpi eq, %iota3A, %eq3A_835 : vector<16xi32>
      %add3A_837 = vector.broadcast %reduce_sum3A_833 : f32 to vector<16xf32>
      %add3A_838 = arith.addf %select_n3A_804, %add3A_837 : vector<16xf32>
      %select_n3A_839 = arith.select %eq3A_836, %add3A_838, %select_n3A_804 : vector<16xi1>, vector<16xf32>
      %get3A_840 = arith.constant 9 : i32
      %get3A_841 = arith.index_cast %rem3A_495 : i32 to index
      %get3A_842 = arith.index_cast %get3A_840 : i32 to index
      %get3A_843 = arith.constant 0 : index
      %get3A_844 = tpu.vector_load %arg10[%get3A_841, %get3A_842, %get3A_843] {strides = array<i32>} : memref<2x16x32xf32, #tpu.memory_space<vmem>>, vector<16xf32>,
      %get3A_845 = arith.constant 9 : i32
      %get3A_846 = arith.index_cast %rem3A_495 : i32 to index
      %get3A_847 = arith.index_cast %get3A_845 : i32 to index
      %get3A_848 = arith.constant 0 : index
      %get3A_849 = tpu.vector_load %arg11[%get3A_846, %get3A_847, %get3A_848] {strides = array<i32>} : memref<2x16x32xf32, #tpu.memory_space<vmem>>, vector<16xf32>,
      %mul3A_850 = arith.mulf %get3A_844, %get3A_849 : vector<16xf32>
      %mul3A_851 = arith.mulf %mul3A_850, %get3A_5 : vector<16xf32>
      %get3A_852 = arith.constant 9 : i32
      %get3A_853 = arith.index_cast %rem3A_495 : i32 to index
      %get3A_854 = arith.index_cast %get3A_852 : i32 to index
      %get3A_855 = arith.constant 16 : index
      %get3A_856 = tpu.vector_load %arg10[%get3A_853, %get3A_854, %get3A_855] {strides = array<i32>} : memref<2x16x32xf32, #tpu.memory_space<vmem>>, vector<16xf32>,
      %get3A_857 = arith.constant 9 : i32
      %get3A_858 = arith.index_cast %rem3A_495 : i32 to index
      %get3A_859 = arith.index_cast %get3A_857 : i32 to index
      %get3A_860 = arith.constant 16 : index
      %get3A_861 = tpu.vector_load %arg11[%get3A_858, %get3A_859, %get3A_860] {strides = array<i32>} : memref<2x16x32xf32, #tpu.memory_space<vmem>>, vector<16xf32>,
      %mul3A_862 = arith.mulf %get3A_856, %get3A_861 : vector<16xf32>
      %mul3A_863 = arith.mulf %mul3A_862, %get3A_7 : vector<16xf32>
      %add3A_864 = arith.addf %mul3A_851, %mul3A_863 : vector<16xf32>
      %reduce_sum3A_865 = arith.constant true
      %reduce_sum3A_866 = vector.broadcast %reduce_sum3A_865 : i1 to vector<16xi1>
      %reduce_sum3A_867 = tpu.scan <sum>, %add3A_864 masked %reduce_sum3A_866 : vector<16xf32>, vector<16xi1> -> vector<16xf32>
      %reduce_sum3A_868 = vector.extract %reduce_sum3A_867[15] : f32 from vector<16xf32>
      %eq3A_869 = arith.constant 9 : i32
      %eq3A_870 = vector.broadcast %eq3A_869 : i32 to vector<16xi32>
      %eq3A_871 = arith.cmpi eq, %iota3A, %eq3A_870 : vector<16xi32>
      %add3A_872 = vector.broadcast %reduce_sum3A_868 : f32 to vector<16xf32>
      %add3A_873 = arith.addf %select_n3A_839, %add3A_872 : vector<16xf32>
      %select_n3A_874 = arith.select %eq3A_871, %add3A_873, %select_n3A_839 : vector<16xi1>, vector<16xf32>
      %get3A_875 = arith.constant 10 : i32
      %get3A_876 = arith.index_cast %rem3A_495 : i32 to index
      %get3A_877 = arith.index_cast %get3A_875 : i32 to index
      %get3A_878 = arith.constant 0 : index
      %get3A_879 = tpu.vector_load %arg10[%get3A_876, %get3A_877, %get3A_878] {strides = array<i32>} : memref<2x16x32xf32, #tpu.memory_space<vmem>>, vector<16xf32>,
      %get3A_880 = arith.constant 10 : i32
      %get3A_881 = arith.index_cast %rem3A_495 : i32 to index
      %get3A_882 = arith.index_cast %get3A_880 : i32 to index
      %get3A_883 = arith.constant 0 : index
      %get3A_884 = tpu.vector_load %arg11[%get3A_881, %get3A_882, %get3A_883] {strides = array<i32>} : memref<2x16x32xf32, #tpu.memory_space<vmem>>, vector<16xf32>,
      %mul3A_885 = arith.mulf %get3A_879, %get3A_884 : vector<16xf32>
      %mul3A_886 = arith.mulf %mul3A_885, %get3A_5 : vector<16xf32>
      %get3A_887 = arith.constant 10 : i32
      %get3A_888 = arith.index_cast %rem3A_495 : i32 to index
      %get3A_889 = arith.index_cast %get3A_887 : i32 to index
      %get3A_890 = arith.constant 16 : index
      %get3A_891 = tpu.vector_load %arg10[%get3A_888, %get3A_889, %get3A_890] {strides = array<i32>} : memref<2x16x32xf32, #tpu.memory_space<vmem>>, vector<16xf32>,
      %get3A_892 = arith.constant 10 : i32
      %get3A_893 = arith.index_cast %rem3A_495 : i32 to index
      %get3A_894 = arith.index_cast %get3A_892 : i32 to index
      %get3A_895 = arith.constant 16 : index
      %get3A_896 = tpu.vector_load %arg11[%get3A_893, %get3A_894, %get3A_895] {strides = array<i32>} : memref<2x16x32xf32, #tpu.memory_space<vmem>>, vector<16xf32>,
      %mul3A_897 = arith.mulf %get3A_891, %get3A_896 : vector<16xf32>
      %mul3A_898 = arith.mulf %mul3A_897, %get3A_7 : vector<16xf32>
      %add3A_899 = arith.addf %mul3A_886, %mul3A_898 : vector<16xf32>
      %reduce_sum3A_900 = arith.constant true
      %reduce_sum3A_901 = vector.broadcast %reduce_sum3A_900 : i1 to vector<16xi1>
      %reduce_sum3A_902 = tpu.scan <sum>, %add3A_899 masked %reduce_sum3A_901 : vector<16xf32>, vector<16xi1> -> vector<16xf32>
      %reduce_sum3A_903 = vector.extract %reduce_sum3A_902[15] : f32 from vector<16xf32>
      %eq3A_904 = arith.constant 10 : i32
      %eq3A_905 = vector.broadcast %eq3A_904 : i32 to vector<16xi32>
      %eq3A_906 = arith.cmpi eq, %iota3A, %eq3A_905 : vector<16xi32>
      %add3A_907 = vector.broadcast %reduce_sum3A_903 : f32 to vector<16xf32>
      %add3A_908 = arith.addf %select_n3A_874, %add3A_907 : vector<16xf32>
      %select_n3A_909 = arith.select %eq3A_906, %add3A_908, %select_n3A_874 : vector<16xi1>, vector<16xf32>
      %get3A_910 = arith.constant 11 : i32
      %get3A_911 = arith.index_cast %rem3A_495 : i32 to index
      %get3A_912 = arith.index_cast %get3A_910 : i32 to index
      %get3A_913 = arith.constant 0 : index
      %get3A_914 = tpu.vector_load %arg10[%get3A_911, %get3A_912, %get3A_913] {strides = array<i32>} : memref<2x16x32xf32, #tpu.memory_space<vmem>>, vector<16xf32>,
      %get3A_915 = arith.constant 11 : i32
      %get3A_916 = arith.index_cast %rem3A_495 : i32 to index
      %get3A_917 = arith.index_cast %get3A_915 : i32 to index
      %get3A_918 = arith.constant 0 : index
      %get3A_919 = tpu.vector_load %arg11[%get3A_916, %get3A_917, %get3A_918] {strides = array<i32>} : memref<2x16x32xf32, #tpu.memory_space<vmem>>, vector<16xf32>,
      %mul3A_920 = arith.mulf %get3A_914, %get3A_919 : vector<16xf32>
      %mul3A_921 = arith.mulf %mul3A_920, %get3A_5 : vector<16xf32>
      %get3A_922 = arith.constant 11 : i32
      %get3A_923 = arith.index_cast %rem3A_495 : i32 to index
      %get3A_924 = arith.index_cast %get3A_922 : i32 to index
      %get3A_925 = arith.constant 16 : index
      %get3A_926 = tpu.vector_load %arg10[%get3A_923, %get3A_924, %get3A_925] {strides = array<i32>} : memref<2x16x32xf32, #tpu.memory_space<vmem>>, vector<16xf32>,
      %get3A_927 = arith.constant 11 : i32
      %get3A_928 = arith.index_cast %rem3A_495 : i32 to index
      %get3A_929 = arith.index_cast %get3A_927 : i32 to index
      %get3A_930 = arith.constant 16 : index
      %get3A_931 = tpu.vector_load %arg11[%get3A_928, %get3A_929, %get3A_930] {strides = array<i32>} : memref<2x16x32xf32, #tpu.memory_space<vmem>>, vector<16xf32>,
      %mul3A_932 = arith.mulf %get3A_926, %get3A_931 : vector<16xf32>
      %mul3A_933 = arith.mulf %mul3A_932, %get3A_7 : vector<16xf32>
      %add3A_934 = arith.addf %mul3A_921, %mul3A_933 : vector<16xf32>
      %reduce_sum3A_935 = arith.constant true
      %reduce_sum3A_936 = vector.broadcast %reduce_sum3A_935 : i1 to vector<16xi1>
      %reduce_sum3A_937 = tpu.scan <sum>, %add3A_934 masked %reduce_sum3A_936 : vector<16xf32>, vector<16xi1> -> vector<16xf32>
      %reduce_sum3A_938 = vector.extract %reduce_sum3A_937[15] : f32 from vector<16xf32>
      %eq3A_939 = arith.constant 11 : i32
      %eq3A_940 = vector.broadcast %eq3A_939 : i32 to vector<16xi32>
      %eq3A_941 = arith.cmpi eq, %iota3A, %eq3A_940 : vector<16xi32>
      %add3A_942 = vector.broadcast %reduce_sum3A_938 : f32 to vector<16xf32>
      %add3A_943 = arith.addf %select_n3A_909, %add3A_942 : vector<16xf32>
      %select_n3A_944 = arith.select %eq3A_941, %add3A_943, %select_n3A_909 : vector<16xi1>, vector<16xf32>
      %get3A_945 = arith.constant 12 : i32
      %get3A_946 = arith.index_cast %rem3A_495 : i32 to index
      %get3A_947 = arith.index_cast %get3A_945 : i32 to index
      %get3A_948 = arith.constant 0 : index
      %get3A_949 = tpu.vector_load %arg10[%get3A_946, %get3A_947, %get3A_948] {strides = array<i32>} : memref<2x16x32xf32, #tpu.memory_space<vmem>>, vector<16xf32>,
      %get3A_950 = arith.constant 12 : i32
      %get3A_951 = arith.index_cast %rem3A_495 : i32 to index
      %get3A_952 = arith.index_cast %get3A_950 : i32 to index
      %get3A_953 = arith.constant 0 : index
      %get3A_954 = tpu.vector_load %arg11[%get3A_951, %get3A_952, %get3A_953] {strides = array<i32>} : memref<2x16x32xf32, #tpu.memory_space<vmem>>, vector<16xf32>,
      %mul3A_955 = arith.mulf %get3A_949, %get3A_954 : vector<16xf32>
      %mul3A_956 = arith.mulf %mul3A_955, %get3A_5 : vector<16xf32>
      %get3A_957 = arith.constant 12 : i32
      %get3A_958 = arith.index_cast %rem3A_495 : i32 to index
      %get3A_959 = arith.index_cast %get3A_957 : i32 to index
      %get3A_960 = arith.constant 16 : index
      %get3A_961 = tpu.vector_load %arg10[%get3A_958, %get3A_959, %get3A_960] {strides = array<i32>} : memref<2x16x32xf32, #tpu.memory_space<vmem>>, vector<16xf32>,
      %get3A_962 = arith.constant 12 : i32
      %get3A_963 = arith.index_cast %rem3A_495 : i32 to index
      %get3A_964 = arith.index_cast %get3A_962 : i32 to index
      %get3A_965 = arith.constant 16 : index
      %get3A_966 = tpu.vector_load %arg11[%get3A_963, %get3A_964, %get3A_965] {strides = array<i32>} : memref<2x16x32xf32, #tpu.memory_space<vmem>>, vector<16xf32>,
      %mul3A_967 = arith.mulf %get3A_961, %get3A_966 : vector<16xf32>
      %mul3A_968 = arith.mulf %mul3A_967, %get3A_7 : vector<16xf32>
      %add3A_969 = arith.addf %mul3A_956, %mul3A_968 : vector<16xf32>
      %reduce_sum3A_970 = arith.constant true
      %reduce_sum3A_971 = vector.broadcast %reduce_sum3A_970 : i1 to vector<16xi1>
      %reduce_sum3A_972 = tpu.scan <sum>, %add3A_969 masked %reduce_sum3A_971 : vector<16xf32>, vector<16xi1> -> vector<16xf32>
      %reduce_sum3A_973 = vector.extract %reduce_sum3A_972[15] : f32 from vector<16xf32>
      %eq3A_974 = arith.constant 12 : i32
      %eq3A_975 = vector.broadcast %eq3A_974 : i32 to vector<16xi32>
      %eq3A_976 = arith.cmpi eq, %iota3A, %eq3A_975 : vector<16xi32>
      %add3A_977 = vector.broadcast %reduce_sum3A_973 : f32 to vector<16xf32>
      %add3A_978 = arith.addf %select_n3A_944, %add3A_977 : vector<16xf32>
      %select_n3A_979 = arith.select %eq3A_976, %add3A_978, %select_n3A_944 : vector<16xi1>, vector<16xf32>
      %get3A_980 = arith.constant 13 : i32
      %get3A_981 = arith.index_cast %rem3A_495 : i32 to index
      %get3A_982 = arith.index_cast %get3A_980 : i32 to index
      %get3A_983 = arith.constant 0 : index
      %get3A_984 = tpu.vector_load %arg10[%get3A_981, %get3A_982, %get3A_983] {strides = array<i32>} : memref<2x16x32xf32, #tpu.memory_space<vmem>>, vector<16xf32>,
      %get3A_985 = arith.constant 13 : i32
      %get3A_986 = arith.index_cast %rem3A_495 : i32 to index
      %get3A_987 = arith.index_cast %get3A_985 : i32 to index
      %get3A_988 = arith.constant 0 : index
      %get3A_989 = tpu.vector_load %arg11[%get3A_986, %get3A_987, %get3A_988] {strides = array<i32>} : memref<2x16x32xf32, #tpu.memory_space<vmem>>, vector<16xf32>,
      %mul3A_990 = arith.mulf %get3A_984, %get3A_989 : vector<16xf32>
      %mul3A_991 = arith.mulf %mul3A_990, %get3A_5 : vector<16xf32>
      %get3A_992 = arith.constant 13 : i32
      %get3A_993 = arith.index_cast %rem3A_495 : i32 to index
      %get3A_994 = arith.index_cast %get3A_992 : i32 to index
      %get3A_995 = arith.constant 16 : index
      %get3A_996 = tpu.vector_load %arg10[%get3A_993, %get3A_994, %get3A_995] {strides = array<i32>} : memref<2x16x32xf32, #tpu.memory_space<vmem>>, vector<16xf32>,
      %get3A_997 = arith.constant 13 : i32
      %get3A_998 = arith.index_cast %rem3A_495 : i32 to index
      %get3A_999 = arith.index_cast %get3A_997 : i32 to index
      %get3A_1000 = arith.constant 16 : index
      %get3A_1001 = tpu.vector_load %arg11[%get3A_998, %get3A_999, %get3A_1000] {strides = array<i32>} : memref<2x16x32xf32, #tpu.memory_space<vmem>>, vector<16xf32>,
      %mul3A_1002 = arith.mulf %get3A_996, %get3A_1001 : vector<16xf32>
      %mul3A_1003 = arith.mulf %mul3A_1002, %get3A_7 : vector<16xf32>
      %add3A_1004 = arith.addf %mul3A_991, %mul3A_1003 : vector<16xf32>
      %reduce_sum3A_1005 = arith.constant true
      %reduce_sum3A_1006 = vector.broadcast %reduce_sum3A_1005 : i1 to vector<16xi1>
      %reduce_sum3A_1007 = tpu.scan <sum>, %add3A_1004 masked %reduce_sum3A_1006 : vector<16xf32>, vector<16xi1> -> vector<16xf32>
      %reduce_sum3A_1008 = vector.extract %reduce_sum3A_1007[15] : f32 from vector<16xf32>
      %eq3A_1009 = arith.constant 13 : i32
      %eq3A_1010 = vector.broadcast %eq3A_1009 : i32 to vector<16xi32>
      %eq3A_1011 = arith.cmpi eq, %iota3A, %eq3A_1010 : vector<16xi32>
      %add3A_1012 = vector.broadcast %reduce_sum3A_1008 : f32 to vector<16xf32>
      %add3A_1013 = arith.addf %select_n3A_979, %add3A_1012 : vector<16xf32>
      %select_n3A_1014 = arith.select %eq3A_1011, %add3A_1013, %select_n3A_979 : vector<16xi1>, vector<16xf32>
      %get3A_1015 = arith.constant 14 : i32
      %get3A_1016 = arith.index_cast %rem3A_495 : i32 to index
      %get3A_1017 = arith.index_cast %get3A_1015 : i32 to index
      %get3A_1018 = arith.constant 0 : index
      %get3A_1019 = tpu.vector_load %arg10[%get3A_1016, %get3A_1017, %get3A_1018] {strides = array<i32>} : memref<2x16x32xf32, #tpu.memory_space<vmem>>, vector<16xf32>,
      %get3A_1020 = arith.constant 14 : i32
      %get3A_1021 = arith.index_cast %rem3A_495 : i32 to index
      %get3A_1022 = arith.index_cast %get3A_1020 : i32 to index
      %get3A_1023 = arith.constant 0 : index
      %get3A_1024 = tpu.vector_load %arg11[%get3A_1021, %get3A_1022, %get3A_1023] {strides = array<i32>} : memref<2x16x32xf32, #tpu.memory_space<vmem>>, vector<16xf32>,
      %mul3A_1025 = arith.mulf %get3A_1019, %get3A_1024 : vector<16xf32>
      %mul3A_1026 = arith.mulf %mul3A_1025, %get3A_5 : vector<16xf32>
      %get3A_1027 = arith.constant 14 : i32
      %get3A_1028 = arith.index_cast %rem3A_495 : i32 to index
      %get3A_1029 = arith.index_cast %get3A_1027 : i32 to index
      %get3A_1030 = arith.constant 16 : index
      %get3A_1031 = tpu.vector_load %arg10[%get3A_1028, %get3A_1029, %get3A_1030] {strides = array<i32>} : memref<2x16x32xf32, #tpu.memory_space<vmem>>, vector<16xf32>,
      %get3A_1032 = arith.constant 14 : i32
      %get3A_1033 = arith.index_cast %rem3A_495 : i32 to index
      %get3A_1034 = arith.index_cast %get3A_1032 : i32 to index
      %get3A_1035 = arith.constant 16 : index
      %get3A_1036 = tpu.vector_load %arg11[%get3A_1033, %get3A_1034, %get3A_1035] {strides = array<i32>} : memref<2x16x32xf32, #tpu.memory_space<vmem>>, vector<16xf32>,
      %mul3A_1037 = arith.mulf %get3A_1031, %get3A_1036 : vector<16xf32>
      %mul3A_1038 = arith.mulf %mul3A_1037, %get3A_7 : vector<16xf32>
      %add3A_1039 = arith.addf %mul3A_1026, %mul3A_1038 : vector<16xf32>
      %reduce_sum3A_1040 = arith.constant true
      %reduce_sum3A_1041 = vector.broadcast %reduce_sum3A_1040 : i1 to vector<16xi1>
      %reduce_sum3A_1042 = tpu.scan <sum>, %add3A_1039 masked %reduce_sum3A_1041 : vector<16xf32>, vector<16xi1> -> vector<16xf32>
      %reduce_sum3A_1043 = vector.extract %reduce_sum3A_1042[15] : f32 from vector<16xf32>
      %eq3A_1044 = arith.constant 14 : i32
      %eq3A_1045 = vector.broadcast %eq3A_1044 : i32 to vector<16xi32>
      %eq3A_1046 = arith.cmpi eq, %iota3A, %eq3A_1045 : vector<16xi32>
      %add3A_1047 = vector.broadcast %reduce_sum3A_1043 : f32 to vector<16xf32>
      %add3A_1048 = arith.addf %select_n3A_1014, %add3A_1047 : vector<16xf32>
      %select_n3A_1049 = arith.select %eq3A_1046, %add3A_1048, %select_n3A_1014 : vector<16xi1>, vector<16xf32>
      %get3A_1050 = arith.constant 15 : i32
      %get3A_1051 = arith.index_cast %rem3A_495 : i32 to index
      %get3A_1052 = arith.index_cast %get3A_1050 : i32 to index
      %get3A_1053 = arith.constant 0 : index
      %get3A_1054 = tpu.vector_load %arg10[%get3A_1051, %get3A_1052, %get3A_1053] {strides = array<i32>} : memref<2x16x32xf32, #tpu.memory_space<vmem>>, vector<16xf32>,
      %get3A_1055 = arith.constant 15 : i32
      %get3A_1056 = arith.index_cast %rem3A_495 : i32 to index
      %get3A_1057 = arith.index_cast %get3A_1055 : i32 to index
      %get3A_1058 = arith.constant 0 : index
      %get3A_1059 = tpu.vector_load %arg11[%get3A_1056, %get3A_1057, %get3A_1058] {strides = array<i32>} : memref<2x16x32xf32, #tpu.memory_space<vmem>>, vector<16xf32>,
      %mul3A_1060 = arith.mulf %get3A_1054, %get3A_1059 : vector<16xf32>
      %mul3A_1061 = arith.mulf %mul3A_1060, %get3A_5 : vector<16xf32>
      %get3A_1062 = arith.constant 15 : i32
      %get3A_1063 = arith.index_cast %rem3A_495 : i32 to index
      %get3A_1064 = arith.index_cast %get3A_1062 : i32 to index
      %get3A_1065 = arith.constant 16 : index
      %get3A_1066 = tpu.vector_load %arg10[%get3A_1063, %get3A_1064, %get3A_1065] {strides = array<i32>} : memref<2x16x32xf32, #tpu.memory_space<vmem>>, vector<16xf32>,
      %get3A_1067 = arith.constant 15 : i32
      %get3A_1068 = arith.index_cast %rem3A_495 : i32 to index
      %get3A_1069 = arith.index_cast %get3A_1067 : i32 to index
      %get3A_1070 = arith.constant 16 : index
      %get3A_1071 = tpu.vector_load %arg11[%get3A_1068, %get3A_1069, %get3A_1070] {strides = array<i32>} : memref<2x16x32xf32, #tpu.memory_space<vmem>>, vector<16xf32>,
      %mul3A_1072 = arith.mulf %get3A_1066, %get3A_1071 : vector<16xf32>
      %mul3A_1073 = arith.mulf %mul3A_1072, %get3A_7 : vector<16xf32>
      %add3A_1074 = arith.addf %mul3A_1061, %mul3A_1073 : vector<16xf32>
      %reduce_sum3A_1075 = arith.constant true
      %reduce_sum3A_1076 = vector.broadcast %reduce_sum3A_1075 : i1 to vector<16xi1>
      %reduce_sum3A_1077 = tpu.scan <sum>, %add3A_1074 masked %reduce_sum3A_1076 : vector<16xf32>, vector<16xi1> -> vector<16xf32>
      %reduce_sum3A_1078 = vector.extract %reduce_sum3A_1077[15] : f32 from vector<16xf32>
      %eq3A_1079 = arith.constant 15 : i32
      %eq3A_1080 = vector.broadcast %eq3A_1079 : i32 to vector<16xi32>
      %eq3A_1081 = arith.cmpi eq, %iota3A, %eq3A_1080 : vector<16xi32>
      %add3A_1082 = vector.broadcast %reduce_sum3A_1078 : f32 to vector<16xf32>
      %add3A_1083 = arith.addf %select_n3A_1049, %add3A_1082 : vector<16xf32>
      %select_n3A_1084 = arith.select %eq3A_1081, %add3A_1083, %select_n3A_1049 : vector<16xi1>, vector<16xf32>
      %neg3A = arith.constant 0.000000e+00 : f32
      %neg3A_1085 = vector.broadcast %neg3A : f32 to vector<16xf32>
      %neg3A_1086 = arith.subf %neg3A_1085, %select_n3A_1084 : vector<16xf32>
      %exp3A = math.exp %neg3A_1086 : vector<16xf32>
      %add3A_1087 = arith.constant 1.000000e+00 : f32
      %add3A_1088 = vector.broadcast %add3A_1087 : f32 to vector<16xf32>
      %add3A_1089 = arith.addf %add3A_1088, %exp3A : vector<16xf32>
      %div3A = arith.constant 1.000000e+00 : f32
      %div3A_1090 = vector.broadcast %div3A : f32 to vector<16xf32>
      %div3A_1091 = arith.divf %div3A_1090, %add3A_1089 : vector<16xf32>
      %mul3A_1092 = arith.constant 16 : i32
      %mul3A_1093 = arith.muli %scan3A_494, %mul3A_1092 : i32
      %swap3A = arith.index_cast %mul3A_1093 : i32 to index
      %swap3A_1094 = tpu.vector_load %arg13[%swap3A] {strides = array<i32>} : memref<512xf32, #tpu.memory_space<vmem>>, vector<16xf32>,
      tpu.vector_store %arg13[%swap3A], %div3A_1091 {strides = array<i32>} : memref<512xf32, #tpu.memory_space<vmem>>, vector<16xf32>,
    }
    %scan3A_493 = arith.constant 32 : i32
    "tpu.region"() ({
      %run_scoped3A = tpu.sem_alloc : memref<!tpu.dma_semaphore, #tpu.memory_space<semaphore_mem>>
      %dma_start3A_494 = tpu.memref_slice %arg7[%mul3A_2] : memref<16384xf32, #tpu.memory_space<hbm>> -> memref<512xf32, #tpu.memory_space<hbm>>
      %dma_start3A_495 = tpu.memref_slice %arg7[%mul3A_2] : memref<16384xf32, #tpu.memory_space<hbm>> -> memref<512xf32, #tpu.memory_space<hbm>>
      tpu.enqueue_dma source(%arg13 : memref<512xf32, #tpu.memory_space<vmem>>) target(%dma_start3A_495 : memref<512xf32, #tpu.memory_space<hbm>>) target_semaphore(%run_scoped3A : memref<!tpu.dma_semaphore, #tpu.memory_space<semaphore_mem>>)
      %dma_wait3A = tpu.memref_slice %arg7[%mul3A_2] : memref<16384xf32, #tpu.memory_space<hbm>> -> memref<512xf32, #tpu.memory_space<hbm>>
      %dma_wait3A_496 = tpu.memref_slice %arg7[%mul3A_2] : memref<16384xf32, #tpu.memory_space<hbm>> -> memref<512xf32, #tpu.memory_space<hbm>>
      tpu.wait_dma2 semaphore(%run_scoped3A : memref<!tpu.dma_semaphore, #tpu.memory_space<semaphore_mem>>) src(%arg13 : memref<512xf32, #tpu.memory_space<vmem>>) dst(%dma_wait3A_496 : memref<512xf32, #tpu.memory_space<hbm>>)
      tpu.yield
    }) : () -> ()
    return
  }
}

</mosaic_0001>

<sc_bundles>
// kernel: kernel.3.cloned.1.call-start
scs
__scs_entry_jumppad:
0x0: {  	(pc) =	sbr.rel $0x88, $3  }
0x1: {  	(tag) =	ssettag $0x0;
	lr =	simm.s32 $0x1  }
0x2: {  	[smem:$0x3F9B] =	sst lr;
	_ =	strace $0xD0000000  }
0x3: {  	_ = 	snop  }
0x4: {  	_ = 	snop  }
0x5: {  	_ = 	snop  }
0x6: {  	_ = 	snop  }
0x7: {  	_ = 	snop  }
__scs_overlays_trampoline_lowered:
0x8: {  	[smem:$0x3FAA] =	sst s0  }
0x9: {  	[smem:$0x3FAB] =	sst s1  }
0xa: {  	[smem:$0x3FAC] =	sst s2  }
0xb: {  	[smem:$0x3FAD] =	sst s3  }
0xc: {  	[smem:$0x3FAE] =	sst s4  }
0xd: {  	[smem:$0x3FAF] =	sst s5  }
0xe: {  	[smem:$0x3FB0] =	sst s6  }
0xf: {  	[smem:$0x3FB1] =	sst s7  }
0x10: {  	[smem:$0x3FB2] =	sst s8  }
0x11: {  	[smem:$0x3FB3] =	sst s9;
	s0 =	simm.s32 @!p0 $0x0  }
0x12: {  	s1 =	sld [smem:$0x3F99];
	s0 =	simm.s32 @p0 $0x1  }
0x13: {  	[smem:$0x3FB4] =	sst s0;
	s0 =	simm.s32 @!p1 $0x0  }
0x14: {  	s2 =	sld [smem:$0x3F98];
	s0 =	simm.s32 @p1 $0x1  }
0x15: {  	[smem:$0x3FB5] =	sst s0;
	s0 =	simm.s32 @!p2 $0x0  }
0x16: {  	s3 =	sld [smem:$0x3FDB];
	s0 =	simm.s32 @p2 $0x1  }
0x17: {  	s4 =	simm.s32 $0x1BF5;
	[smem:$0x3FB7] =	sst s0  }
0x18: {  	s0 =	sld [smem:$0x3F9A];
	_ =	swait.ge [sflag:s4], $0x0  }
0x19: {  	s7 =	sld [smem:$0x3F9B]  }
0x1a: {  	s8 =	sadd.s32 $0xFFFFE003, lr  }
0x1b: {  	s9 =	sadd.s32 $0xFFFFFEF7, lr;
	s5 =	simm.s32 $0xFFFFFFFF;
	p2 =	slt.u32 s8, $0xFFFFF086  }
0x1c: {  	p1 =	slt.u32 s9, $0xF7A;
	s5 =	simm.s32 @!p2 $0x0  }
0x1d: {  	s5 =	simm.s32 @p1 $0x1;
	p0 =	seq.s32 s7, s2  }
0x1e: {  	s7 =	smul.u32 @!p0 $0xF7A, s2;
	p2 =	seq.s32 @!p0 s5, $0x0  }
0x1f: {  	s9 =	smul.u32 $0xF7A, s1;
	s8 =	simm.s32 @!p0 $0x1BF5;
	p2 =	por !p2, p0  }
0x20: {  	[sflag:s8] =	ssyncset.s32 @!p0 $0xFFFFF086;
	s6 =	sadd.s32 @!p0 s3, s7;
	s7 =	simm.s32 @!p0 $0x108  }
0x21: {  	s3 =	sadd.s32 s3, s9;
	s6 =	sadd.s32 @!p0 $0x88, s6;
	s7 =	simm.s32 @p2 $0x1082  }
0x22: {  	[simem:s7], [sflag:s8] =	dma.local @!p0 [hbm:s6], $0xF7A  }
0x23: {  	s9 =	sor.u32 $0xD0000000, s2;
	s6 =	simm.s32 $0x108;
	_ =	swait.ge @!p0 [sflag:s8], $0x0  }
0x24: {  	s3 =	sadd.s32 $0x88, s3;
	s6 =	simm.s32 @!p1 $0x1082;
	[sflag:s4] =	ssyncset.s32 $0xFFFFF086  }
0x25: {  	[simem:s6], [sflag:s4] =	dma.local [hbm:s3], $0xF7A  }
0x26: {  	[smem:$0x3F9B] =	sst s1;
	(tag) =	ssettag s2;
	_ =	strace s9  }
0x27: {  	s1 =	sld [smem:$0x3FAB]  }
0x28: {  	s2 =	sld [smem:$0x3FAC]  }
0x29: {  	s4 =	sld [smem:$0x3FAE]  }
0x2a: {  	p0 =	seq.s32 s5, $0x0;
	s5 =	sld [smem:$0x3FAF]  }
0x2b: {  	s6 =	sld [smem:$0x3FB0]  }
0x2c: {  	s7 =	sld [smem:$0x3FB1]  }
0x2d: {  	s3 =	simm.s32 $0x108;
	s8 =	sld [smem:$0x3FB2]  }
0x2e: {  	s3 =	simm.s32 @!p0 $0x1082;
	s9 =	sld [smem:$0x3FB3]  }
0x2f: {  	lr =	sadd.s32 s0, s3;
	s0 =	sld [smem:$0x3FAA]  }
0x30: {  	s3 =	sld [smem:$0x3FAD]  }
0x31: {  	[smem:$0x3FB6] =	sst s10  }
0x32: {  	s10 =	sld [smem:$0x3FB4];
	_ =	sdelay $0x3  }
0x33: {  	p0 =	seq.s32 s10, $0x1;
	s10 =	sld [smem:$0x3FB6];
	_ =	sdelay $0x3  }
0x34: {  	[smem:$0x3FB6] =	sst s10  }
0x35: {  	s10 =	sld [smem:$0x3FB5];
	_ =	sdelay $0x3  }
0x36: {  	p1 =	seq.s32 s10, $0x1;
	s10 =	sld [smem:$0x3FB6];
	_ =	sdelay $0x3  }
0x37: {  	[smem:$0x3FB6] =	sst s10  }
0x38: {  	s10 =	sld [smem:$0x3FB7]  }
0x39: {  	_ = 	snop;
	(pc) =	sbr.ind lr, $3  }
0x3a: {  	_ = 	snop  }
0x3b: {  	_ = 	snop  }
0x3c: {  	p2 =	seq.s32 s10, $0x1;
	s10 =	sld [smem:$0x3FB6]  }
0x3d: {  	_ =	shalt  }
0x3e: {  	_ =	shalt  }
0x3f: {  	_ =	shalt  }
0x40: {  	_ =	shalt  }
0x41: {  	_ =	shalt  }
0x42: {  	_ =	shalt  }
0x43: {  	_ =	shalt  }
0x44: {  	_ =	shalt  }
0x45: {  	_ =	shalt  }
0x46: {  	_ =	shalt  }
0x47: {  	_ =	shalt  }
0x48: {  	_ =	shalt  }
0x49: {  	_ =	shalt  }
0x4a: {  	_ =	shalt  }
0x4b: {  	_ =	shalt  }
0x4c: {  	_ =	shalt  }
0x4d: {  	_ =	shalt  }
0x4e: {  	_ =	shalt  }
0x4f: {  	_ =	shalt  }
0x50: {  	_ =	shalt  }
0x51: {  	_ =	shalt  }
0x52: {  	_ =	shalt  }
0x53: {  	_ =	shalt  }
0x54: {  	_ =	shalt  }
0x55: {  	_ =	shalt  }
0x56: {  	_ =	shalt  }
0x57: {  	_ =	shalt  }
0x58: {  	_ =	shalt  }
0x59: {  	_ =	shalt  }
0x5a: {  	_ =	shalt  }
0x5b: {  	_ =	shalt  }
0x5c: {  	_ =	shalt  }
0x5d: {  	_ =	shalt  }
0x5e: {  	_ =	shalt  }
0x5f: {  	_ =	shalt  }
0x60: {  	_ =	shalt  }
0x61: {  	_ =	shalt  }
0x62: {  	_ =	shalt  }
0x63: {  	_ =	shalt  }
0x64: {  	_ =	shalt  }
0x65: {  	_ =	shalt  }
0x66: {  	_ =	shalt  }
0x67: {  	_ =	shalt  }
0x68: {  	_ =	shalt  }
0x69: {  	_ =	shalt  }
0x6a: {  	_ =	shalt  }
0x6b: {  	_ =	shalt  }
0x6c: {  	_ =	shalt  }
0x6d: {  	_ =	shalt  }
0x6e: {  	_ =	shalt  }
0x6f: {  	_ =	shalt  }
0x70: {  	_ =	shalt  }
0x71: {  	_ =	shalt  }
0x72: {  	_ =	shalt  }
0x73: {  	_ =	shalt  }
0x74: {  	_ =	shalt  }
0x75: {  	_ =	shalt  }
0x76: {  	_ =	shalt  }
0x77: {  	_ =	shalt  }
0x78: {  	_ =	shalt  }
0x79: {  	_ =	shalt  }
0x7a: {  	_ =	shalt  }
0x7b: {  	_ =	shalt  }
0x7c: {  	_ =	shalt  }
0x7d: {  	_ =	shalt  }
0x7e: {  	_ =	shalt  }
0x7f: {  	_ =	shalt  }
0x80: {  	_ =	shalt  }
0x81: {  	_ =	shalt  }
0x82: {  	_ =	shalt  }
0x83: {  	_ =	shalt  }
0x84: {  	_ =	shalt  }
0x85: {  	_ =	shalt  }
0x86: {  	_ =	shalt  }
0x87: {  	_ =	shalt  }
.Lfunc_end0:
.L_simem_size_0:
called_computation_lowered:
.L_overlay_start_0:
0x88: {  	s2 =	sld [smem:$0x3FD9]  }
0x89: {  	s3 =	sld [smem:$0x3FFE];
	_ =	sdelay $0x1  }
0x8a: {  	s1 =	srdreg.scid  }
0x8b: {  	s0 =	sand.u32 $0x1, s1  }
0x8c: {  	s17 =	sshll.u32 s0, $0xA;
	s2 =	sadd.s32 s3, s2  }
0x8d: {  	s2 =	sadd.s32 s2, s17  }
0x8e: {  	[smem:$0x3FC2] =	sst s2  }
0x8f: {  	_ = 	snop  }
0x90: {  	s2 =	sld [smem:$0x3FC9]  }
0x91: {  	s18 =	sld [smem:$0x3FC8]  }
0x92: {  	s4 =	sld [smem:$0x3FD0];
	(tm) =	ssettm $0x1  }
0x93: {  	s5 =	sld [smem:$0x3FFB];
	_ =	sdelay $0x3  }
0x94: {  	_ =	strace s5  }
0x95: {  	s5 =	sld [smem:$0x3FFC];
	_ =	sdelay $0x3  }
0x96: {  	_ =	strace s5  }
0x97: {  	s5 =	sld [smem:$0x3FFD];
	_ =	sdelay $0x3  }
0x98: {  	_ =	strace s5  }
0x99: {  	_ =	strace $0x8FFFFFFF  }
0x9a: {  	s19 =	sld [smem:$0x3FDB];
	_ =	sdelay $0x1  }
0x9b: {  	s6 =	simm.s32 $_scs_section_size  }
0x9c: {  	s7 =	simm.s32 $_size__tile_overlayer_lowered;
	s8 =	simm.s32 $_tile_overlayer_lowered  }
0x9d: {  	s22 =	simm.s32 $0x1BFF;
	s21 =	sshll.u32 s8, $0x1;
	s5 =	sadd.s32 s6, s19  }
0x9e: {  	s9 =	simm.s32 $0x0;
	s20 =	sshll.u32 s7, $0x1;
	s7 =	sadd.s32 s21, s5  }
0x9f: {  	[timem:s9], [sflag:s22] =	dma.local [hbm:s7], s20  }
0xa0: {  	_ =	swait.ge [sflag:s22], s20  }
0xa1: {  	s6 =	ssub.s32 $0x0, s20;
	[sflag:s22] =	ssyncset.done $0x0  }
0xa2: {  	[sflag:s22] =	ssyncadd.s32 s6;
	_ =	sdelay $0x1  }
0xa3: {  	s23 =	simm.s32 $0x1B8B  }
0xa4: {  	_ =	swait.ge [sflag:s23], $0x1  }
0xa5: {  	[sflag:s23] =	ssyncset.done $0x0  }
0xa6: {  	s25 =	simm.s32 $0x1B8E;
	s24 =	sld [smem:$0x3FFE];
	[sflag:s23] =	ssyncadd.s32 $0xFFFFFFFF  }
0xa7: {  	s26 =	simm.s32 $execute0_lowered;
	[smem:$0x3FD2] =	sst s25  }
0xa8: {  	s7 =	sshll.u32 s26, $0x1;
	_ =	strace $0x80000046;
	[dreg:$0x1] =	wrdreg $0xFFFFFFFF  }
0xa9: {  	s28 =	simm.s32 $_size_execute0_lowered;
	s5 =	sadd.s32 s5, s7;
	[dreg:$0x0] =	wrdreg $0x0  }
0xaa: {  	s7 =	sshll.u32 s28, $0x1;
	[dreg:$0x2] =	wrdreg s5  }
0xab: {  	[dreg:$0x3] =	wrdreg s7  }
0xac: {  	[dreg:$0x4] =	wrdreg $0xC0  }
0xad: {  	_ =	task [dreg:s9], $0x5FFFF  }
0xae: {  	[dreg:$0x1] =	wrdreg $0xFFFFFFFF  }
0xaf: {  	[dreg:$0x0] =	wrdreg $0x60  }
0xb0: {  	[dreg:$0x2] =	wrdreg s2  }
0xb1: {  	[dreg:$0x3] =	wrdreg s18  }
0xb2: {  	[dreg:$0x4] =	wrdreg s24  }
0xb3: {  	[dreg:$0x5] =	wrdreg s4  }
0xb4: {  	[dreg:$0x6] =	wrdreg $0x9  }
0xb5: {  	_ =	task.clear_ibuf [dreg:s9], $0x7FFFF;
	_ =	strace $0x90000046  }
0xb6: {  	s29 =	simm.s32 $0x9;
	_ =	strace $0x80000048  }
0xb7: {  	_ =	swait.ge [sflag:s29], $0x1  }
0xb8: {  	[sflag:s29] =	ssyncadd.s32 $0xFFFFFFFF  }
0xb9: {  	_ =	strace $0x90000048  }
0xba: {  	_ =	sfence  }
0xbb: {  	s30 =	sld [smem:$0x0];
	_ =	sdelay $0x2  }
0xbc: {  	s31 =	sshll.u32 s1, $0xD;
	s1 =	sshrl.u32 s1, $0x2  }
0xbd: {  	s3 =	sand.u32 $0x4000, s31;
	s1 =	sadd.s32 s1, s30  }
0xbe: {  	s0 =	sor.u32 s3, s0;
	s1 =	sshll.u32 s1, $0x11  }
0xbf: {  	s0 =	sor.u32 s1, s0  }
0xc0: {  	s0 =	sadd.s32 $0x8F2B, s0  }
0xc1: {  	[sflag:s0] =	ssyncadd.remote.s32 $0x1  }
0xc2: {  	_ =	sfence.sel $0xFFFF  }
0xc3: {  	[dreg:$0x0] =	wrdreg $0xFFFFFFFF;
	(pc) =	sbr.abs _section_cstart, $3  }
0xc4: {  	[dreg:$0x1] =	wrdreg $0xFFFFFFFF  }
0xc5: {  	_ =	task.clear_ibuf [dreg:s9], $0x2FFFF;
	_ =	strace $0x9FFFFFFF  }
0xc6: {  	(tm) =	ssettm $0x7FFFFFFF  }
0xc7: {  	_ =	shalt  }
tec
execute0_lowered:
.L_overlay_start_1:
0x0: {  	(tag) =	ssettag $0x1  }
0x1: {  	s0 =	rddreg [dreg:$0x0]  }
0x2: {  	s2 =	rddreg [dreg:$0x1]  }
0x3: {  	s5 =	rddreg [dreg:$0x2]  }
0x4: {  	s8 =	rddreg [dreg:$0x3]  }
0x5: {  	s1 =	simm.s32 $0x0;
	s4 =	srdreg.scid;
	s7 =	stileid.u32  }
0x6: {  	s11 =	simm.s32 $0x3;
	s12 =	simm.s32 $0x1900;
	s13 =	simm.s32 $0x980  }
0x7: {  	s14 =	simm.s32 $0x1980;
	s15 =	simm.s32 $0xA00;
	s16 =	simm.s32 $0x1A00  }
0x8: {  	s17 =	simm.s32 $0xA80;
	s18 =	simm.s32 $0x1A80;
	s19 =	simm.s32 $0xB00  }
0x9: {  	vm0 =	vmmov $0x1;
	s20 =	simm.s32 $0x1B00;
	s21 =	simm.s32 $0xB80;
	s22 =	simm.s32 $0x1B80  }
0xa: {  	vm1 =	vcmask $0x30C;
	vm2 =	vcmask $0xF0C;
	vm3 =	vcmask $0x714;
	s23 =	simm.s32 $0x1;
	s24 =	simm.s32 $0x2;
	s25 =	simm.s32 $0x2480  }
0xb: {  	vm4 =	vcmask $0xF18;
	vm5 =	vcmask $0x131C;
	vm6 =	vcmask $0x1F1C;
	s26 =	simm.s32 $0x0;
	[smem:$0x7FF] =	sst s1;
	s3 =	sadd.s32 $0x1E84E00, s5  }
.Ltmp0:
0xc: {  	vm7 =	vcmask $0x1724;
	vm8 =	vcmask $0x1F28;
	vm9 =	vcmask $0x232C;
	s4 =	sand.u32 $0x1, s4;
	s7 =	sshll.u32 s7, $0x7;
	(pc) =	sbr.rel .LBB2_1-.Ltmp0, $4  }
0xd: {  	vm10 =	vcmask $0x2F2C;
	vm11 =	vcmask $0x2734;
	vm12 =	vcmask $0x2F38;
	_ =	strace $0x80000047;
	s6 =	ssub.s32 $0x2, s4;
	s9 =	sshll.u32 s4, $0x6  }
0xe: {  	vm13 =	vcmask $0x333C;
	vm14 =	vmmov $0x3fff;
	vm15 =	vmmov $0x7fff;
	s4 =	sadd.s32 $0x600, s5;
	s10 =	sshrl.u32 s6, $0x1;
	s9 =	sor.u32 s9, s7  }
0xf: {  	vm2 =	vmor vm3, vm2;
	vm3 =	vcmask $0xB14;
	vm6 =	vmor vm7, vm6;
	s5 =	sadd.s32 $0xF42A00, s5;
	s10 =	ssub.s32 s6, s10;
	s6 =	sadd.s32 s0, s9  }
0x10: {  	vm7 =	vcmask $0x1B24;
	vm10 =	vmor vm11, vm10;
	vm11 =	vcmask $0x2B34;
	s7 =	sadd.s32 s2, s9;
	s8 =	sadd.s32 s8, s9;
	s9 =	smax.u32 s10, $0x1  }
.LBB2_5:
0x11: {  	s26 =	sadd.s32 $0x1, s26  }
0x12: {  	p0 =	sne.s32 s26, s9  }
.Ltmp1:
0x13: {  	_ = 	snop;
	(pc) =	sbr.rel @!p0 .LBB2_6-.Ltmp1, $4  }
0x14: {  	[hbm4b:s8+s1] =	stream.linear.scatter [tilespmem:s25], [sflag:$0x3], $0x200, $0x38;
	[tilespmem:$0x2680] =	vst v63  }
0x15: {  	_ =	swait.ge [sflag:s11], $0x200  }
0x16: {  	[sflag:s11] =	ssyncset.done $0x0  }
0x17: {  	[sflag:s11] =	ssyncadd.s32 $0xFFFFFE00  }
.LBB2_1:
0x18: {  	s0 =	simm.s32 $0x2400  }
0x19: {  	[tilespmem:s0], [sflag:$0x3] =	stream.linear.gather [hbm4b:s3+s1], $0x80, $0x38;
	[tilespmem:$0x2680] =	vst v63  }
0x1a: {  	_ =	swait.ge [sflag:s11], $0x80  }
0x1b: {  	[sflag:s11] =	ssyncset.done $0x0  }
0x1c: {  	[sflag:s11] =	ssyncadd.s32 $0xFFFFFF80  }
0x1d: {  	[tilespmem:s1], [sflag:$0x3] =	stream.linear.gather [hbm4b:s6+s1], $0x200, $0x38;
	[tilespmem:$0x2680] =	vst v63  }
0x1e: {  	_ =	swait.ge [sflag:s11], $0x200  }
0x1f: {  	[sflag:s11] =	ssyncset.done $0x0  }
0x20: {  	s2 =	simm.s32 $0x200;
	[sflag:s11] =	ssyncadd.s32 $0xFFFFFE00  }
0x21: {  	[tilespmem:s2], [sflag:$0x3] =	stream.linear.gather [hbm4b:s7+s1], $0x200, $0x38;
	[tilespmem:$0x2680] =	vst v63  }
0x22: {  	_ =	swait.ge [sflag:s11], $0x200  }
0x23: {  	[sflag:s11] =	ssyncset.done $0x0  }
0x24: {  	[sflag:s11] =	ssyncadd.s32 $0xFFFFFE00  }
0x25: {  	v0 =	vld [tilespmem:$0x0];
	_ =	sdelay $0x3  }
0x26: {  	v1 =	vld [tilespmem:$0x200]  }
0x27: {  	v4 =	vshll.u32 v0, $0x4  }
0x28: {  	(v2sf) =	vpush v4, $0x0;
	_ =	sdelay $0x2  }
0x29: {  	v3 =	vshll.u32 v1, $0x4  }
0x2a: {  	(v2sf) =	vpush v3, $0x0;
	_ =	sdelay $0x3  }
0x2b: {  	(v2sf) =	vpush v4, $0x1;
	_ =	sdelay $0x1  }
0x2c: {  	(v2sf) =	vpush v3, $0x1;
	_ =	sdelay $0x4  }
0x2d: {  	s10 =	spop (v2sf);
	(v2sf) =	vpush v4, $0x2  }
0x2e: {  	v2 =	vld [tilespmem:$0x2410];
	s0 =	sand.u32 $0x1FFFFFF0, s10  }
0x2f: {  	s2 =	simm.s32 $0x400;
	v0 =	vld [tilespmem:$0x2420];
	s0 =	sadd.s32 s4, s0  }
0x30: {  	v1 =	vld [tilespmem:$0x2400];
	[tilespmem:s2], [sflag:$0x1] =	stream.linear.gather [hbm4b:s0+s1], $0x80, $0x38  }
0x31: {  	s2 =	spop (v2sf);
	(v2sf) =	vpush v3, $0x2;
	_ =	sdelay $0x2  }
0x32: {  	s0 =	sand.u32 $0x1FFFFFF0, s2;
	(v2sf) =	vpush v4, $0x3  }
0x33: {  	s10 =	simm.s32 $0x1400;
	s2 =	spop (v2sf);
	s0 =	sadd.s32 s5, s0  }
0x34: {  	[tilespmem:s10], [sflag:$0x2] =	stream.linear.gather [hbm4b:s0+s1], $0x80, $0x38;
	[tilespmem:$0x2680] =	vst v63  }
0x35: {  	s0 =	sand.u32 $0x1FFFFFF0, s2;
	s2 =	spop (v2sf);
	(v2sf) =	vpush v3, $0x3;
	_ =	sdelay $0x2  }
0x36: {  	s10 =	simm.s32 $0x480;
	s0 =	sadd.s32 s4, s0  }
0x37: {  	[tilespmem:s10], [sflag:$0x1] =	stream.linear.gather [hbm4b:s0+s1], $0x80, $0x38;
	[tilespmem:$0x2680] =	vst v63  }
0x38: {  	s0 =	sand.u32 $0x1FFFFFF0, s2;
	s2 =	spop (v2sf);
	(v2sf) =	vpush v4, $0x4;
	_ =	sdelay $0x1  }
0x39: {  	s10 =	simm.s32 $0x1480;
	s0 =	sadd.s32 s5, s0  }
0x3a: {  	[tilespmem:s10], [sflag:$0x2] =	stream.linear.gather [hbm4b:s0+s1], $0x80, $0x38;
	[tilespmem:$0x2680] =	vst v63  }
0x3b: {  	s0 =	sand.u32 $0x1FFFFFF0, s2;
	s2 =	spop (v2sf);
	(v2sf) =	vpush v3, $0x4  }
0x3c: {  	s10 =	simm.s32 $0x500;
	s0 =	sadd.s32 s4, s0  }
0x3d: {  	[tilespmem:s10], [sflag:$0x1] =	stream.linear.gather [hbm4b:s0+s1], $0x80, $0x38;
	[tilespmem:$0x2680] =	vst v63  }
0x3e: {  	s0 =	sand.u32 $0x1FFFFFF0, s2;
	s2 =	spop (v2sf);
	(v2sf) =	vpush v4, $0x5  }
0x3f: {  	s10 =	simm.s32 $0x1500;
	s0 =	sadd.s32 s5, s0  }
0x40: {  	[tilespmem:s10], [sflag:$0x2] =	stream.linear.gather [hbm4b:s0+s1], $0x80, $0x38;
	[tilespmem:$0x2680] =	vst v63  }
0x41: {  	s0 =	sand.u32 $0x1FFFFFF0, s2;
	s2 =	spop (v2sf);
	(v2sf) =	vpush v3, $0x5;
	_ =	sdelay $0x2  }
0x42: {  	s10 =	simm.s32 $0x580;
	s0 =	sadd.s32 s4, s0  }
0x43: {  	[tilespmem:s10], [sflag:$0x1] =	stream.linear.gather [hbm4b:s0+s1], $0x80, $0x38;
	[tilespmem:$0x2680] =	vst v63  }
0x44: {  	s0 =	sand.u32 $0x1FFFFFF0, s2;
	s2 =	spop (v2sf);
	(v2sf) =	vpush v4, $0x6;
	_ =	sdelay $0x1  }
0x45: {  	s10 =	simm.s32 $0x1580;
	s0 =	sadd.s32 s5, s0  }
0x46: {  	[tilespmem:s10], [sflag:$0x2] =	stream.linear.gather [hbm4b:s0+s1], $0x80, $0x38;
	[tilespmem:$0x2680] =	vst v63  }
0x47: {  	s0 =	sand.u32 $0x1FFFFFF0, s2;
	s2 =	spop (v2sf);
	(v2sf) =	vpush v3, $0x6  }
0x48: {  	s10 =	simm.s32 $0x600;
	s0 =	sadd.s32 s4, s0  }
0x49: {  	[tilespmem:s10], [sflag:$0x1] =	stream.linear.gather [hbm4b:s0+s1], $0x80, $0x38;
	[tilespmem:$0x2680] =	vst v63  }
0x4a: {  	s0 =	sand.u32 $0x1FFFFFF0, s2;
	s2 =	spop (v2sf);
	(v2sf) =	vpush v4, $0x7  }
0x4b: {  	s10 =	simm.s32 $0x1600;
	s0 =	sadd.s32 s5, s0  }
0x4c: {  	[tilespmem:s10], [sflag:$0x2] =	stream.linear.gather [hbm4b:s0+s1], $0x80, $0x38;
	[tilespmem:$0x2680] =	vst v63  }
0x4d: {  	s0 =	sand.u32 $0x1FFFFFF0, s2;
	s2 =	spop (v2sf);
	(v2sf) =	vpush v3, $0x7;
	_ =	sdelay $0x2  }
0x4e: {  	s10 =	simm.s32 $0x680;
	s0 =	sadd.s32 s4, s0  }
0x4f: {  	[tilespmem:s10], [sflag:$0x1] =	stream.linear.gather [hbm4b:s0+s1], $0x80, $0x38;
	[tilespmem:$0x2680] =	vst v63  }
0x50: {  	s0 =	sand.u32 $0x1FFFFFF0, s2;
	s2 =	spop (v2sf);
	(v2sf) =	vpush v4, $0x8;
	_ =	sdelay $0x1  }
0x51: {  	s10 =	simm.s32 $0x1680;
	s0 =	sadd.s32 s5, s0  }
0x52: {  	[tilespmem:s10], [sflag:$0x2] =	stream.linear.gather [hbm4b:s0+s1], $0x80, $0x38;
	[tilespmem:$0x2680] =	vst v63  }
0x53: {  	s0 =	sand.u32 $0x1FFFFFF0, s2;
	s2 =	spop (v2sf);
	(v2sf) =	vpush v3, $0x8  }
0x54: {  	s10 =	simm.s32 $0x700;
	s0 =	sadd.s32 s4, s0  }
0x55: {  	[tilespmem:s10], [sflag:$0x1] =	stream.linear.gather [hbm4b:s0+s1], $0x80, $0x38;
	[tilespmem:$0x2680] =	vst v63  }
0x56: {  	s0 =	sand.u32 $0x1FFFFFF0, s2;
	s2 =	spop (v2sf);
	(v2sf) =	vpush v4, $0x9  }
0x57: {  	s10 =	simm.s32 $0x1700;
	s0 =	sadd.s32 s5, s0  }
0x58: {  	[tilespmem:s10], [sflag:$0x2] =	stream.linear.gather [hbm4b:s0+s1], $0x80, $0x38;
	[tilespmem:$0x2680] =	vst v63  }
0x59: {  	s0 =	sand.u32 $0x1FFFFFF0, s2;
	s2 =	spop (v2sf);
	(v2sf) =	vpush v3, $0x9;
	_ =	sdelay $0x2  }
0x5a: {  	s10 =	simm.s32 $0x780;
	s0 =	sadd.s32 s4, s0  }
0x5b: {  	[tilespmem:s10], [sflag:$0x1] =	stream.linear.gather [hbm4b:s0+s1], $0x80, $0x38;
	[tilespmem:$0x2680] =	vst v63  }
0x5c: {  	s0 =	sand.u32 $0x1FFFFFF0, s2;
	s2 =	spop (v2sf);
	(v2sf) =	vpush v4, $0xA  }
0x5d: {  	s10 =	simm.s32 $0x1780;
	s0 =	sadd.s32 s5, s0  }
0x5e: {  	[tilespmem:s10], [sflag:$0x2] =	stream.linear.gather [hbm4b:s0+s1], $0x80, $0x38;
	[tilespmem:$0x2680] =	vst v63  }
0x5f: {  	s0 =	sand.u32 $0x1FFFFFF0, s2  }
0x60: {  	s10 =	simm.s32 $0x800;
	s0 =	sadd.s32 s4, s0;
	s2 =	spop (v2sf);
	(v2sf) =	vpush v3, $0xA  }
0x61: {  	[tilespmem:s10], [sflag:$0x1] =	stream.linear.gather [hbm4b:s0+s1], $0x80, $0x38;
	[tilespmem:$0x2680] =	vst v63  }
0x62: {  	s0 =	sand.u32 $0x1FFFFFF0, s2  }
0x63: {  	s10 =	simm.s32 $0x1800;
	s2 =	spop (v2sf);
	s0 =	sadd.s32 s5, s0  }
0x64: {  	[tilespmem:s10], [sflag:$0x2] =	stream.linear.gather [hbm4b:s0+s1], $0x80, $0x38;
	[tilespmem:$0x2680] =	vst v63  }
0x65: {  	s0 =	sand.u32 $0x1FFFFFF0, s2  }
0x66: {  	(v2sf) =	vpush v4, $0xB;
	s10 =	simm.s32 $0x880;
	s2 =	spop (v2sf);
	s0 =	sadd.s32 s4, s0  }
0x67: {  	(v2sf) =	vpush v3, $0xB;
	[tilespmem:s10], [sflag:$0x1] =	stream.linear.gather [hbm4b:s0+s1], $0x80, $0x38;
	[tilespmem:$0x2680] =	vst v63  }
0x68: {  	s0 =	sand.u32 $0x1FFFFFF0, s2  }
0x69: {  	s10 =	simm.s32 $0x1880;
	s0 =	sadd.s32 s5, s0  }
0x6a: {  	[tilespmem:s10], [sflag:$0x2] =	stream.linear.gather [hbm4b:s0+s1], $0x80, $0x38;
	[tilespmem:$0x2680] =	vst v63  }
0x6b: {  	s2 =	spop (v2sf)  }
0x6c: {  	s0 =	sand.u32 $0x1FFFFFF0, s2  }
0x6d: {  	s10 =	simm.s32 $0x900;
	(v2sf) =	vpush v4, $0xC;
	s0 =	sadd.s32 s4, s0  }
0x6e: {  	[tilespmem:s10], [sflag:$0x1] =	stream.linear.gather [hbm4b:s0+s1], $0x80, $0x38;
	[tilespmem:$0x2680] =	vst v63  }
0x6f: {  	s10 =	spop (v2sf);
	(v2sf) =	vpush v3, $0xC;
	_ =	sdelay $0x2  }
0x70: {  	(v2sf) =	vpush v4, $0xD;
	_ =	sdelay $0x2  }
0x71: {  	s0 =	sand.u32 $0x1FFFFFF0, s10;
	s2 =	spop (v2sf);
	(v2sf) =	vpush v3, $0xD  }
0x72: {  	s0 =	sadd.s32 s5, s0;
	s10 =	spop (v2sf);
	(v2sf) =	vpush v4, $0xE  }
0x73: {  	[tilespmem:s12], [sflag:$0x2] =	stream.linear.gather [hbm4b:s0+s1], $0x80, $0x38;
	[tilespmem:$0x2680] =	vst v63  }
0x74: {  	s0 =	sand.u32 $0x1FFFFFF0, s2  }
0x75: {  	s0 =	sadd.s32 s4, s0  }
0x76: {  	[tilespmem:s13], [sflag:$0x1] =	stream.linear.gather [hbm4b:s0+s1], $0x80, $0x38;
	[tilespmem:$0x2680] =	vst v63  }
0x77: {  	s0 =	sand.u32 $0x1FFFFFF0, s10  }
0x78: {  	s0 =	sadd.s32 s5, s0;
	s2 =	spop (v2sf);
	(v2sf) =	vpush v3, $0xE  }
0x79: {  	[tilespmem:s14], [sflag:$0x2] =	stream.linear.gather [hbm4b:s0+s1], $0x80, $0x38;
	[tilespmem:$0x2680] =	vst v63  }
0x7a: {  	s0 =	sand.u32 $0x1FFFFFF0, s2;
	s10 =	spop (v2sf);
	(v2sf) =	vpush v4, $0xF  }
0x7b: {  	s0 =	sadd.s32 s4, s0  }
0x7c: {  	[tilespmem:s15], [sflag:$0x1] =	stream.linear.gather [hbm4b:s0+s1], $0x80, $0x38;
	[tilespmem:$0x2680] =	vst v63  }
0x7d: {  	s0 =	sand.u32 $0x1FFFFFF0, s10;
	s2 =	spop (v2sf);
	(v2sf) =	vpush v3, $0xF  }
0x7e: {  	s0 =	sadd.s32 s5, s0  }
0x7f: {  	[tilespmem:s16], [sflag:$0x2] =	stream.linear.gather [hbm4b:s0+s1], $0x80, $0x38;
	[tilespmem:$0x2680] =	vst v63  }
0x80: {  	s28 =	spop (v2sf);
	s0 =	sand.u32 $0x1FFFFFF0, s2  }
0x81: {  	s10 =	sand.u32 $0x1FFFFFF0, s28;
	s28 =	spop (v2sf);
	s0 =	sadd.s32 s4, s0  }
0x82: {  	[tilespmem:s17], [sflag:$0x1] =	stream.linear.gather [hbm4b:s0+s1], $0x80, $0x38;
	[tilespmem:$0x2680] =	vst v63  }
0x83: {  	s2 =	sand.u32 $0x1FFFFFF0, s28;
	s0 =	sadd.s32 s5, s10  }
0x84: {  	[tilespmem:s18], [sflag:$0x2] =	stream.linear.gather [hbm4b:s0+s1], $0x80, $0x38;
	[tilespmem:$0x2680] =	vst v63  }
0x85: {  	s0 =	sadd.s32 s4, s2  }
0x86: {  	[tilespmem:s19], [sflag:$0x1] =	stream.linear.gather [hbm4b:s0+s1], $0x80, $0x38;
	[tilespmem:$0x2680] =	vst v63  }
0x87: {  	s28 =	spop (v2sf)  }
0x88: {  	s10 =	sand.u32 $0x1FFFFFF0, s28  }
0x89: {  	s0 =	sadd.s32 s5, s10;
	s28 =	spop (v2sf)  }
0x8a: {  	[tilespmem:s20], [sflag:$0x2] =	stream.linear.gather [hbm4b:s0+s1], $0x80, $0x38;
	[tilespmem:$0x2680] =	vst v63  }
0x8b: {  	s2 =	sand.u32 $0x1FFFFFF0, s28  }
.Ltmp2:
0x8c: {  	s10 =	spop (v2sf);
	s0 =	sadd.s32 s4, s2;
	(pc) =	sbr.rel .LBB2_2-.Ltmp2, $4  }
0x8d: {  	[tilespmem:s21], [sflag:$0x1] =	stream.linear.gather [hbm4b:s0+s1], $0x80, $0x38;
	[tilespmem:$0x2680] =	vst v63  }
0x8e: {  	s29 =	simm.s32 $0x210;
	s30 =	simm.s32 $0x2480;
	s0 =	sand.u32 $0x1FFFFFF0, s10  }
0x8f: {  	s31 =	simm.s32 $0x0;
	s28 =	simm.s32 $0x10;
	s0 =	sadd.s32 s5, s0  }
0x90: {  	[tilespmem:s22], [sflag:$0x2] =	stream.linear.gather [hbm4b:s0+s1], $0x80, $0x38;
	[tilespmem:$0x2680] =	vst v63  }
.LBB2_4:
0x91: {  	_ =	swait.ge [sflag:s23], $0x800  }
0x92: {  	[sflag:s23] =	ssyncset.done $0x0  }
0x93: {  	[sflag:s23] =	ssyncadd.s32 $0xFFFFF800  }
0x94: {  	_ =	swait.ge [sflag:s24], $0x800  }
0x95: {  	[sflag:s24] =	ssyncset.done $0x0  }
0x96: {  	[sflag:s24] =	ssyncadd.s32 $0xFFFFF800  }
0x97: {  	v3 =	vld [tilespmem:s0+$0x400]  }
0x98: {  	v4 =	vld [tilespmem:s0+$0x1400]  }
0x99: {  	v5 =	vld [tilespmem:s0+$0x410]  }
0x9a: {  	v6 =	vld [tilespmem:s0+$0x1410]  }
0x9b: {  	v7 =	vld [tilespmem:s0+$0x480]  }
0x9c: {  	v8 =	vld [tilespmem:s0+$0x1480]  }
0x9d: {  	v9 =	vld [tilespmem:s0+$0x490]  }
0x9e: {  	v10 =	vld [tilespmem:s0+$0x1490]  }
0x9f: {  	v11 =	vld [tilespmem:s0+$0x500]  }
0xa0: {  	v12 =	vld [tilespmem:s0+$0x1500]  }
0xa1: {  	v13 =	vld [tilespmem:s0+$0x510]  }
0xa2: {  	v14 =	vld [tilespmem:s0+$0x1510]  }
0xa3: {  	v15 =	vld [tilespmem:s0+$0x580]  }
0xa4: {  	v16 =	vld [tilespmem:s0+$0x1580]  }
0xa5: {  	v17 =	vld [tilespmem:s0+$0x590]  }
0xa6: {  	v18 =	vld [tilespmem:s0+$0x1590]  }
0xa7: {  	v19 =	vld [tilespmem:s0+$0x600]  }
0xa8: {  	v20 =	vld [tilespmem:s0+$0x1600]  }
0xa9: {  	v21 =	vld [tilespmem:s0+$0x610]  }
0xaa: {  	v22 =	vld [tilespmem:s0+$0x1610]  }
0xab: {  	v23 =	vld [tilespmem:s0+$0x680]  }
0xac: {  	v24 =	vld [tilespmem:s0+$0x1680]  }
0xad: {  	v46 =	vld [tilespmem:s0+$0x690]  }
0xae: {  	v47 =	vld [tilespmem:s0+$0x1690]  }
0xaf: {  	v25 =	vld [tilespmem:s0+$0x700]  }
0xb0: {  	v26 =	vld [tilespmem:s0+$0x1700]  }
0xb1: {  	v48 =	vld [tilespmem:s0+$0x710]  }
0xb2: {  	v27 =	vld [tilespmem:s0+$0x1710]  }
0xb3: {  	v28 =	vld [tilespmem:s0+$0x1780]  }
0xb4: {  	v29 =	vld [tilespmem:s0+$0x790]  }
0xb5: {  	v30 =	vld [tilespmem:s0+$0x1790]  }
0xb6: {  	v31 =	vld [tilespmem:s0+$0x800]  }
0xb7: {  	v32 =	vld [tilespmem:s0+$0x1800]  }
0xb8: {  	v33 =	vld [tilespmem:s0+$0x810]  }
0xb9: {  	v34 =	vld [tilespmem:s0+$0x1810]  }
0xba: {  	v35 =	vld [tilespmem:s0+$0x880]  }
0xbb: {  	v36 =	vld [tilespmem:s0+$0x1880]  }
0xbc: {  	v49 =	vld [tilespmem:s0+$0x890]  }
0xbd: {  	v50 =	vld [tilespmem:s0+$0x1890]  }
0xbe: {  	v51 =	vld [tilespmem:s0+$0x1900]  }
0xbf: {  	v52 =	vld [tilespmem:s0+$0x910];
	v3 =	vmul.f32 v4, v3;
	v45 =	vmul.f32 v6, v5  }
0xc0: {  	v53 =	vld [tilespmem:s0+$0x1910];
	v7 =	vmul.f32 v8, v7;
	v9 =	vmul.f32 v10, v9  }
0xc1: {  	v56 =	vld [tilespmem:s0+$0x1990];
	v11 =	vmul.f32 v12, v11;
	v13 =	vmul.f32 v14, v13  }
0xc2: {  	v60 =	vld [tilespmem:s0+$0xA00];
	v15 =	vmul.f32 v16, v15;
	v17 =	vmul.f32 v18, v17  }
0xc3: {  	v61 =	vld [tilespmem:s0+$0x1A00];
	v19 =	vmul.f32 v20, v19;
	v21 =	vmul.f32 v22, v21  }
0xc4: {  	v63 =	vld [tilespmem:s0+$0xA10];
	v55 =	vmul.f32 v24, v23;
	v5 =	vmul.f32 v47, v46  }
0xc5: {  	v39 =	vld [tilespmem:s0+$0x1A10];
	v59 =	vmul.f32 v26, v25;
	v38 =	vmul.f32 v30, v29  }
0xc6: {  	v41 =	vld [tilespmem:s0+$0xA80];
	v40 =	vmul.f32 v32, v31;
	v43 =	vmul.f32 v34, v33  }
0xc7: {  	v44 =	vld [tilespmem:s0+$0x1A80];
	v46 =	vmul.f32 v36, v35;
	v8 =	vmul.f32 v50, v49  }
0xc8: {  	v12 =	vld [tilespmem:s0+$0x900];
	v52 =	vmul.f32 v53, v52;
	v3 =	vmul.f32 v3, v1  }
0xc9: {  	v20 =	vld [tilespmem:s0+$0x980];
	v4 =	vmul.f32 v45, v2;
	v7 =	vmul.f32 v7, v1  }
0xca: {  	v22 =	vld [tilespmem:s0+$0x1980];
	v9 =	vmul.f32 v9, v2;
	v11 =	vmul.f32 v11, v1  }
0xcb: {  	v23 =	vld [tilespmem:s0+$0x990];
	v13 =	vmul.f32 v13, v2;
	v15 =	vmul.f32 v15, v1;
	v3 =	vadd.f32 v4, v3  }
0xcc: {  	v47 =	vld [tilespmem:s0+$0xA90];
	v17 =	vmul.f32 v17, v2;
	v54 =	vmul.f32 v19, v1  }
0xcd: {  	v49 =	vld [tilespmem:s0+$0x1A90];
	v21 =	vmul.f32 v21, v2;
	v58 =	vmul.f32 v55, v1;
	v7 =	vadd.f32 v9, v7;
	(xrf2) =	vadd.scan.msk.f32 $0xffff, v3  }
0xce: {  	v24 =	vld [tilespmem:s0+$0xB80];
	v5 =	vmul.f32 v5, v2;
	v62 =	vmul.f32 v59, v1;
	v57 =	vadd.f32 v13, v11  }
0xcf: {  	v42 =	vmul.f32 v38, v2;
	v45 =	vmul.f32 v40, v1;
	v3 =	vld [tilespmem:s0+$0x780];
	(xrf2) =	vadd.scan.msk.f32 $0xffff, v7  }
0xd0: {  	v25 =	vld [tilespmem:s0+$0x1B80];
	v50 =	vmul.f32 v46, v1;
	v8 =	vmul.f32 v8, v2;
	(xrf2) =	vadd.scan.msk.f32 $0xffff, v57  }
0xd1: {  	v29 =	vld [tilespmem:s0+$0xB90];
	v59 =	vmul.f32 v61, v60;
	v4 =	vmul.f32 v27, v48  }
0xd2: {  	v33 =	vld [tilespmem:s0+$0x1B90];
	v15 =	vadd.f32 v17, v15;
	v48 =	vmul.f32 v43, v2;
	v13 =	vmul.f32 v39, v63  }
0xd3: {  	v63 =	vmul.f32 v44, v41;
	v12 =	vmul.f32 v51, v12  }
0xd4: {  	v9 =	vadd.f32 v21, v54;
	v54 =	vmul.f32 v22, v20;
	(xrf2) =	vadd.scan.msk.f32 $0xffff, v15;
	v3 =	vmul.f32 v28, v3  }
0xd5: {  	v53 =	vld [tilespmem:s0+$0x1B00];
	v5 =	vadd.f32 v5, v58;
	v6 =	vmul.f32 v56, v23;
	v4 =	vmul.f32 v4, v2  }
0xd6: {  	v60 =	vld [tilespmem:s0+$0x1B10];
	v10 =	vmul.f32 v49, v47;
	(xrf2) =	vadd.scan.msk.f32 $0xffff, v9;
	v3 =	vmul.f32 v3, v1  }
0xd7: {  	v51 =	vld [tilespmem:s0+$0xB00];
	v34 =	vmul.f32 v25, v24;
	v44 =	vmul.f32 v33, v29;
	v4 =	vadd.f32 v4, v62;
	v37, _, _ =	vpop (xrf2);
	(xrf2) =	vadd.scan.msk.f32 $0xffff, v5  }
0xd8: {  	v56 =	vld [tilespmem:s0+$0xB10];
	v31 =	vmul.f32 v13, v2;
	v26 =	vmul.f32 v12, v1;
	v3 =	vadd.f32 v42, v3  }
0xd9: {  	v11 =	vadd.f32 v48, v45;
	v27 =	vmul.f32 v54, v1;
	v6 =	vmul.f32 v6, v2;
	v55, _, _ =	vpop (xrf2);
	(xrf2) =	vadd.scan.msk.f32 $0xffff, v4  }
0xda: {  	v10 =	vmul.f32 v10, v2;
	v57 =	vadd.f32 v8, v50;
	v8 =	vmul.f32 v59, v1;
	v62, _, _ =	vpop (xrf2);
	(xrf2) =	vadd.scan.msk.f32 $0xffff, v3  }
0xdb: {  	v6 =	vadd.f32 v6, v27;
	v9 =	vmul.f32 v52, v2;
	v37 =	vbroadcast v37, $0xF  }
0xdc: {  	v35 =	vadd.f32 v31, v8;
	v28 =	vmul.f32 v53, v51;
	v58 =	vbroadcast v55, $0xF;
	(xrf2) =	vadd.scan.msk.f32 $0xffff, v11  }
0xdd: {  	v32 =	vmul.f32 v60, v56;
	v4 =	vadd.f32 v9, v26;
	v61 =	vadd.f32 v37, v0;
	(xrf2) =	vadd.scan.msk.f32 $0xffff, v57  }
0xde: {  	v41 =	vmul.f32 v28, v1;
	v19 =	vbroadcast v62, $0xF;
	v30, _, _ =	vpop (xrf2);
	v7 =	vadd.f32 v58, v0  }
0xdf: {  	v37 =	vmul.f32 v63, v1;
	v5 =	vbroadcast v30, $0xF;
	v3 =	vsel vm0, v61, v0;
	(xrf2) =	vadd.scan.msk.f32 $0xffff, v4  }
0xe0: {  	v42 =	vmul.f32 v32, v2;
	v36, _, _ =	vpop (xrf2);
	v7 =	vsel vm1, v3, v7;
	v3 =	vadd.f32 v19, v3;
	(xrf2) =	vadd.scan.msk.f32 $0xffff, v6  }
0xe1: {  	v38 =	vbroadcast v36, $0xF;
	v39 =	vadd.f32 v10, v37;
	v5 =	vadd.f32 v5, v7;
	v40, _, _ =	vpop (xrf2)  }
0xe2: {  	v49 =	vmul.f32 v34, v1;
	v3 =	vsel vm2, v7, v3;
	(xrf2) =	vadd.scan.msk.f32 $0xffff, v35;
	v43 =	vbroadcast v40, $0xF  }
0xe3: {  	v47 =	vadd.f32 v42, v41;
	v6 =	vadd.f32 v38, v7;
	v3 =	vsel vm3, v3, v5;
	v45, _, _ =	vpop (xrf2);
	(xrf2) =	vadd.scan.msk.f32 $0xffff, v39  }
0xe4: {  	v5 =	vmul.f32 v44, v2;
	v46 =	vbroadcast v45, $0xF;
	v48, _, _ =	vpop (xrf2);
	v4 =	vadd.f32 v43, v3  }
0xe5: {  	(xrf2) =	vadd.scan.msk.f32 $0xffff, v47;
	v3 =	vsel vm4, v3, v6;
	v50 =	vbroadcast v48, $0xF  }
0xe6: {  	v5 =	vadd.f32 v5, v49;
	v51, _, _ =	vpop (xrf2);
	v4 =	vsel vm5, v3, v4;
	v3 =	vadd.f32 v46, v3  }
0xe7: {  	v52 =	vbroadcast v51, $0xF;
	v53, _, _ =	vpop (xrf2);
	v6 =	vadd.f32 v50, v4  }
0xe8: {  	(xrf2) =	vadd.scan.msk.f32 $0xffff, v5;
	v8 =	vbroadcast v53, $0xF;
	v3 =	vsel vm6, v4, v3  }
0xe9: {  	v54, _, _ =	vpop (xrf2);
	v4 =	vadd.f32 v52, v4;
	v3 =	vsel vm7, v3, v6  }
0xea: {  	v55, _, _ =	vpop (xrf2);
	v5 =	vbroadcast v54, $0xF;
	v56 =	vadd.f32 v8, v3  }
0xeb: {  	v57 =	vbroadcast v55, $0xF;
	v3 =	vsel vm8, v3, v4  }
0xec: {  	v58, _, _ =	vpop (xrf2);
	v7 =	vsel vm9, v3, v56;
	v3 =	vadd.f32 v5, v3  }
0xed: {  	v59, _, _ =	vpop (xrf2);
	v6 =	vbroadcast v58, $0xF;
	v4 =	vadd.f32 v57, v7  }
0xee: {  	v5 =	vbroadcast v59, $0xF;
	v3 =	vsel vm10, v7, v3  }
0xef: {  	v60, _, _ =	vpop (xrf2);
	v61 =	vadd.f32 v6, v7;
	v3 =	vsel vm11, v3, v4  }
0xf0: {  	v62 =	vbroadcast v60, $0xF;
	v5 =	vadd.f32 v5, v3  }
0xf1: {  	v3 =	vsel vm12, v3, v61  }
0xf2: {  	v63, _, _ =	vpop (xrf2);
	v4 =	vsel vm13, v3, v5;
	v3 =	vadd.f32 v62, v3  }
0xf3: {  	v5 =	vadd.f32 v63, v4  }
0xf4: {  	v3 =	vsel vm14, v4, v3  }
0xf5: {  	v3 =	vsel vm15, v3, v5  }
0xf6: {  	v3 =	vsub.f32 $0.0e+00, v3;
	_ =	sdelay $0x1  }
0xf7: {  	v3 =	vmul.f32 $1.442695020e+00, v3;
	_ =	sdelay $0x1  }
0xf8: {  	(erf) = vpow2.f32 v3;
	_ =	sdelay $0x8  }
0xf9: {  	v3 =	vpop (erf)  }
0xfa: {  	v3 =	vadd.f32 $1.000000000e+00, v3;
	_ =	sdelay $0x1  }
0xfb: {  	(erf) = vrcp.f32 v3;
	_ =	sdelay $0x3  }
0xfc: {  	s31 =	sadd.s32 $0x800, s31  }
0xfd: {  	p0 =	sne.s32 s31, $0x10000  }
.Ltmp3:
0xfe: {  	_ = 	snop;
	(pc) =	sbr.rel @!p0 .LBB2_5-.Ltmp3, $3  }
0xff: {  	_ =	sdelay $0x1  }
0x100: {  	v3 =	vpop (erf)  }
0x101: {  	s28 =	sadd.s32 $0x10, s28;
	s29 =	sadd.s32 $0x10, s29;
	[tilespmem:s30+$0x0] =	vst v3;
	s30 =	sadd.s32 $0x10, s30  }
.LBB2_2:
0x102: {  	p0 =	seq.s32 s31, $0xF800  }
.Ltmp4:
0x103: {  	_ = 	snop;
	(pc) =	sbr.rel @p0 .LBB2_4-.Ltmp4, $2  }
0x104: {  	_ =	sdelay $0x2  }
0x105: {  	s0 =	simm.s32 $0x800  }
0x106: {  	v3 =	vld [tilespmem:s28+$0x0];
	_ =	sdelay $0x3  }
0x107: {  	v5 =	vld [tilespmem:s29+$0x0]  }
0x108: {  	v4 =	vshll.u32 v3, $0x4  }
0x109: {  	(v2sf) =	vpush v4, $0x0;
	_ =	sdelay $0x2  }
0x10a: {  	v3 =	vshll.u32 v5, $0x4  }
0x10b: {  	(v2sf) =	vpush v3, $0x0;
	_ =	sdelay $0x3  }
0x10c: {  	(v2sf) =	vpush v4, $0x1;
	_ =	sdelay $0x3  }
0x10d: {  	(v2sf) =	vpush v3, $0x1;
	_ =	sdelay $0x2  }
0x10e: {  	s2 =	spop (v2sf)  }
0x10f: {  	s0 =	sand.u32 $0x800, s31;
	(v2sf) =	vpush v4, $0x2;
	s2 =	sand.u32 $0x1FFFFFF0, s2  }
0x110: {  	s10 =	sxor.u32 $0xC00, s0;
	s2 =	sadd.s32 s4, s2  }
0x111: {  	[tilespmem:s10], [sflag:$0x1] =	stream.linear.gather [hbm4b:s2+s1], $0x80, $0x38;
	[tilespmem:$0x2680] =	vst v63  }
0x112: {  	s10 =	spop (v2sf)  }
0x113: {  	(v2sf) =	vpush v3, $0x2;
	s2 =	sand.u32 $0x1FFFFFF0, s10  }
0x114: {  	s10 =	sxor.u32 $0x1C00, s0;
	s2 =	sadd.s32 s5, s2  }
0x115: {  	[tilespmem:s10], [sflag:$0x2] =	stream.linear.gather [hbm4b:s2+s1], $0x80, $0x38;
	[tilespmem:$0x2680] =	vst v63  }
0x116: {  	s10 =	spop (v2sf)  }
0x117: {  	(v2sf) =	vpush v4, $0x3;
	s2 =	sand.u32 $0x1FFFFFF0, s10  }
0x118: {  	s10 =	sxor.u32 $0xC80, s0;
	s2 =	sadd.s32 s4, s2  }
0x119: {  	[tilespmem:s10], [sflag:$0x1] =	stream.linear.gather [hbm4b:s2+s1], $0x80, $0x38;
	[tilespmem:$0x2680] =	vst v63  }
0x11a: {  	s10 =	spop (v2sf)  }
0x11b: {  	(v2sf) =	vpush v3, $0x3;
	s2 =	sand.u32 $0x1FFFFFF0, s10  }
0x11c: {  	s10 =	sxor.u32 $0x1C80, s0;
	s2 =	sadd.s32 s5, s2  }
0x11d: {  	[tilespmem:s10], [sflag:$0x2] =	stream.linear.gather [hbm4b:s2+s1], $0x80, $0x38;
	[tilespmem:$0x2680] =	vst v63  }
0x11e: {  	s10 =	spop (v2sf)  }
0x11f: {  	(v2sf) =	vpush v4, $0x4;
	s2 =	sand.u32 $0x1FFFFFF0, s10  }
0x120: {  	s10 =	sxor.u32 $0xD00, s0;
	s2 =	sadd.s32 s4, s2  }
0x121: {  	[tilespmem:s10], [sflag:$0x1] =	stream.linear.gather [hbm4b:s2+s1], $0x80, $0x38;
	[tilespmem:$0x2680] =	vst v63  }
0x122: {  	s10 =	spop (v2sf)  }
0x123: {  	(v2sf) =	vpush v3, $0x4;
	s2 =	sand.u32 $0x1FFFFFF0, s10  }
0x124: {  	s10 =	sxor.u32 $0x1D00, s0;
	s2 =	sadd.s32 s5, s2  }
0x125: {  	[tilespmem:s10], [sflag:$0x2] =	stream.linear.gather [hbm4b:s2+s1], $0x80, $0x38;
	[tilespmem:$0x2680] =	vst v63  }
0x126: {  	s10 =	spop (v2sf)  }
0x127: {  	(v2sf) =	vpush v4, $0x5;
	s2 =	sand.u32 $0x1FFFFFF0, s10  }
0x128: {  	s10 =	sxor.u32 $0xD80, s0;
	s2 =	sadd.s32 s4, s2  }
0x129: {  	[tilespmem:s10], [sflag:$0x1] =	stream.linear.gather [hbm4b:s2+s1], $0x80, $0x38;
	[tilespmem:$0x2680] =	vst v63  }
0x12a: {  	s10 =	spop (v2sf)  }
0x12b: {  	(v2sf) =	vpush v3, $0x5;
	s2 =	sand.u32 $0x1FFFFFF0, s10  }
0x12c: {  	s10 =	sxor.u32 $0x1D80, s0;
	s2 =	sadd.s32 s5, s2  }
0x12d: {  	[tilespmem:s10], [sflag:$0x2] =	stream.linear.gather [hbm4b:s2+s1], $0x80, $0x38;
	[tilespmem:$0x2680] =	vst v63  }
0x12e: {  	s10 =	spop (v2sf)  }
0x12f: {  	(v2sf) =	vpush v4, $0x6;
	s2 =	sand.u32 $0x1FFFFFF0, s10  }
0x130: {  	s10 =	sxor.u32 $0xE00, s0;
	s2 =	sadd.s32 s4, s2  }
0x131: {  	[tilespmem:s10], [sflag:$0x1] =	stream.linear.gather [hbm4b:s2+s1], $0x80, $0x38;
	[tilespmem:$0x2680] =	vst v63  }
0x132: {  	s10 =	spop (v2sf)  }
0x133: {  	(v2sf) =	vpush v3, $0x6;
	s2 =	sand.u32 $0x1FFFFFF0, s10  }
0x134: {  	s10 =	sxor.u32 $0x1E00, s0;
	s2 =	sadd.s32 s5, s2  }
0x135: {  	[tilespmem:s10], [sflag:$0x2] =	stream.linear.gather [hbm4b:s2+s1], $0x80, $0x38;
	[tilespmem:$0x2680] =	vst v63  }
0x136: {  	s10 =	spop (v2sf)  }
0x137: {  	(v2sf) =	vpush v4, $0x7;
	s2 =	sand.u32 $0x1FFFFFF0, s10  }
0x138: {  	s10 =	sxor.u32 $0xE80, s0;
	s2 =	sadd.s32 s4, s2  }
0x139: {  	[tilespmem:s10], [sflag:$0x1] =	stream.linear.gather [hbm4b:s2+s1], $0x80, $0x38;
	[tilespmem:$0x2680] =	vst v63  }
0x13a: {  	s10 =	spop (v2sf)  }
0x13b: {  	(v2sf) =	vpush v3, $0x7;
	s2 =	sand.u32 $0x1FFFFFF0, s10  }
0x13c: {  	s10 =	sxor.u32 $0x1E80, s0;
	s2 =	sadd.s32 s5, s2  }
0x13d: {  	[tilespmem:s10], [sflag:$0x2] =	stream.linear.gather [hbm4b:s2+s1], $0x80, $0x38;
	[tilespmem:$0x2680] =	vst v63  }
0x13e: {  	s10 =	spop (v2sf)  }
0x13f: {  	(v2sf) =	vpush v4, $0x8;
	s2 =	sand.u32 $0x1FFFFFF0, s10  }
0x140: {  	s10 =	sxor.u32 $0xF00, s0;
	s2 =	sadd.s32 s4, s2  }
0x141: {  	[tilespmem:s10], [sflag:$0x1] =	stream.linear.gather [hbm4b:s2+s1], $0x80, $0x38;
	[tilespmem:$0x2680] =	vst v63  }
0x142: {  	s10 =	spop (v2sf)  }
0x143: {  	(v2sf) =	vpush v3, $0x8;
	s2 =	sand.u32 $0x1FFFFFF0, s10  }
0x144: {  	s10 =	sxor.u32 $0x1F00, s0;
	s2 =	sadd.s32 s5, s2  }
0x145: {  	[tilespmem:s10], [sflag:$0x2] =	stream.linear.gather [hbm4b:s2+s1], $0x80, $0x38;
	[tilespmem:$0x2680] =	vst v63  }
0x146: {  	s10 =	spop (v2sf)  }
0x147: {  	(v2sf) =	vpush v4, $0x9;
	s2 =	sand.u32 $0x1FFFFFF0, s10  }
0x148: {  	s10 =	sxor.u32 $0xF80, s0;
	s2 =	sadd.s32 s4, s2  }
0x149: {  	[tilespmem:s10], [sflag:$0x1] =	stream.linear.gather [hbm4b:s2+s1], $0x80, $0x38;
	[tilespmem:$0x2680] =	vst v63  }
0x14a: {  	s10 =	spop (v2sf)  }
0x14b: {  	(v2sf) =	vpush v3, $0x9;
	s2 =	sand.u32 $0x1FFFFFF0, s10  }
0x14c: {  	s10 =	sxor.u32 $0x1F80, s0;
	s2 =	sadd.s32 s5, s2  }
0x14d: {  	[tilespmem:s10], [sflag:$0x2] =	stream.linear.gather [hbm4b:s2+s1], $0x80, $0x38;
	[tilespmem:$0x2680] =	vst v63  }
0x14e: {  	s10 =	spop (v2sf)  }
0x14f: {  	(v2sf) =	vpush v4, $0xA;
	s2 =	sand.u32 $0x1FFFFFF0, s10  }
0x150: {  	s10 =	ssub.s32 $0x1000, s0;
	s2 =	sadd.s32 s4, s2  }
0x151: {  	[tilespmem:s10], [sflag:$0x1] =	stream.linear.gather [hbm4b:s2+s1], $0x80, $0x38;
	[tilespmem:$0x2680] =	vst v63  }
0x152: {  	s10 =	spop (v2sf)  }
0x153: {  	(v2sf) =	vpush v3, $0xA;
	s2 =	sand.u32 $0x1FFFFFF0, s10  }
0x154: {  	s10 =	ssub.s32 $0x2000, s0;
	s2 =	sadd.s32 s5, s2  }
0x155: {  	[tilespmem:s10], [sflag:$0x2] =	stream.linear.gather [hbm4b:s2+s1], $0x80, $0x38;
	[tilespmem:$0x2680] =	vst v63  }
0x156: {  	s10 =	spop (v2sf)  }
0x157: {  	(v2sf) =	vpush v4, $0xB;
	s2 =	sand.u32 $0x1FFFFFF0, s10  }
0x158: {  	s10 =	ssub.s32 $0x1080, s0;
	s2 =	sadd.s32 s4, s2  }
0x159: {  	[tilespmem:s10], [sflag:$0x1] =	stream.linear.gather [hbm4b:s2+s1], $0x80, $0x38;
	[tilespmem:$0x2680] =	vst v63  }
0x15a: {  	s10 =	spop (v2sf)  }
0x15b: {  	(v2sf) =	vpush v3, $0xB;
	s2 =	sand.u32 $0x1FFFFFF0, s10  }
0x15c: {  	s10 =	ssub.s32 $0x2080, s0;
	s2 =	sadd.s32 s5, s2  }
0x15d: {  	[tilespmem:s10], [sflag:$0x2] =	stream.linear.gather [hbm4b:s2+s1], $0x80, $0x38;
	[tilespmem:$0x2680] =	vst v63  }
0x15e: {  	s10 =	spop (v2sf)  }
0x15f: {  	(v2sf) =	vpush v4, $0xC;
	s2 =	sand.u32 $0x1FFFFFF0, s10  }
0x160: {  	s10 =	ssub.s32 $0x1100, s0;
	s2 =	sadd.s32 s4, s2  }
0x161: {  	[tilespmem:s10], [sflag:$0x1] =	stream.linear.gather [hbm4b:s2+s1], $0x80, $0x38;
	[tilespmem:$0x2680] =	vst v63  }
0x162: {  	s10 =	spop (v2sf)  }
0x163: {  	(v2sf) =	vpush v3, $0xC;
	s2 =	sand.u32 $0x1FFFFFF0, s10  }
0x164: {  	s10 =	ssub.s32 $0x2100, s0;
	s2 =	sadd.s32 s5, s2  }
0x165: {  	[tilespmem:s10], [sflag:$0x2] =	stream.linear.gather [hbm4b:s2+s1], $0x80, $0x38;
	[tilespmem:$0x2680] =	vst v63  }
0x166: {  	s10 =	spop (v2sf)  }
0x167: {  	(v2sf) =	vpush v4, $0xD;
	s2 =	sand.u32 $0x1FFFFFF0, s10  }
0x168: {  	s10 =	ssub.s32 $0x1180, s0;
	s2 =	sadd.s32 s4, s2  }
0x169: {  	[tilespmem:s10], [sflag:$0x1] =	stream.linear.gather [hbm4b:s2+s1], $0x80, $0x38;
	[tilespmem:$0x2680] =	vst v63  }
0x16a: {  	s10 =	spop (v2sf)  }
0x16b: {  	(v2sf) =	vpush v3, $0xD;
	s2 =	sand.u32 $0x1FFFFFF0, s10  }
0x16c: {  	s10 =	ssub.s32 $0x2180, s0;
	s2 =	sadd.s32 s5, s2  }
0x16d: {  	[tilespmem:s10], [sflag:$0x2] =	stream.linear.gather [hbm4b:s2+s1], $0x80, $0x38;
	[tilespmem:$0x2680] =	vst v63  }
0x16e: {  	s10 =	spop (v2sf)  }
0x16f: {  	(v2sf) =	vpush v4, $0xE;
	s2 =	sand.u32 $0x1FFFFFF0, s10  }
0x170: {  	s10 =	ssub.s32 $0x1200, s0;
	s2 =	sadd.s32 s4, s2  }
0x171: {  	[tilespmem:s10], [sflag:$0x1] =	stream.linear.gather [hbm4b:s2+s1], $0x80, $0x38;
	[tilespmem:$0x2680] =	vst v63  }
0x172: {  	s10 =	spop (v2sf)  }
0x173: {  	(v2sf) =	vpush v3, $0xE;
	s2 =	sand.u32 $0x1FFFFFF0, s10  }
0x174: {  	s10 =	ssub.s32 $0x2200, s0;
	s2 =	sadd.s32 s5, s2  }
0x175: {  	[tilespmem:s10], [sflag:$0x2] =	stream.linear.gather [hbm4b:s2+s1], $0x80, $0x38;
	[tilespmem:$0x2680] =	vst v63  }
0x176: {  	s10 =	spop (v2sf)  }
0x177: {  	(v2sf) =	vpush v4, $0xF;
	s2 =	sand.u32 $0x1FFFFFF0, s10  }
0x178: {  	s10 =	ssub.s32 $0x1280, s0;
	s2 =	sadd.s32 s4, s2  }
0x179: {  	[tilespmem:s10], [sflag:$0x1] =	stream.linear.gather [hbm4b:s2+s1], $0x80, $0x38;
	[tilespmem:$0x2680] =	vst v63  }
0x17a: {  	s10 =	spop (v2sf)  }
0x17b: {  	s2 =	sand.u32 $0x1FFFFFF0, s10  }
0x17c: {  	(v2sf) =	vpush v3, $0xF;
	s10 =	ssub.s32 $0x2280, s0;
	s2 =	sadd.s32 s5, s2  }
0x17d: {  	[tilespmem:s10], [sflag:$0x2] =	stream.linear.gather [hbm4b:s2+s1], $0x80, $0x38;
	[tilespmem:$0x2680] =	vst v63  }
0x17e: {  	s10 =	spop (v2sf)  }
0x17f: {  	s2 =	sand.u32 $0x1FFFFFF0, s10  }
0x180: {  	s10 =	ssub.s32 $0x1300, s0;
	s2 =	sadd.s32 s4, s2  }
0x181: {  	[tilespmem:s10], [sflag:$0x1] =	stream.linear.gather [hbm4b:s2+s1], $0x80, $0x38;
	[tilespmem:$0x2680] =	vst v63  }
0x182: {  	s10 =	spop (v2sf)  }
0x183: {  	s2 =	sand.u32 $0x1FFFFFF0, s10  }
0x184: {  	s10 =	ssub.s32 $0x2300, s0;
	s2 =	sadd.s32 s5, s2  }
0x185: {  	[tilespmem:s10], [sflag:$0x2] =	stream.linear.gather [hbm4b:s2+s1], $0x80, $0x38;
	[tilespmem:$0x2680] =	vst v63  }
0x186: {  	s10 =	spop (v2sf)  }
0x187: {  	s2 =	sand.u32 $0x1FFFFFF0, s10  }
0x188: {  	s10 =	ssub.s32 $0x1380, s0;
	s2 =	sadd.s32 s4, s2  }
0x189: {  	[tilespmem:s10], [sflag:$0x1] =	stream.linear.gather [hbm4b:s2+s1], $0x80, $0x38;
	[tilespmem:$0x2680] =	vst v63  }
.Ltmp5:
0x18a: {  	_ = 	snop;
	(pc) =	sbr.rel .LBB2_4-.Ltmp5, $4  }
0x18b: {  	s10 =	spop (v2sf)  }
0x18c: {  	s2 =	sand.u32 $0x1FFFFFF0, s10  }
0x18d: {  	s10 =	ssub.s32 $0x2380, s0;
	s2 =	sadd.s32 s5, s2  }
0x18e: {  	[tilespmem:s10], [sflag:$0x2] =	stream.linear.gather [hbm4b:s2+s1], $0x80, $0x38;
	[tilespmem:$0x2680] =	vst v63  }
.LBB2_6:
0x18f: {  	_ =	sfence.sel $0x180000  }
0x190: {  	[bflag:$0x0] =	sbarrier.arrive $0xFFFF  }
0x191: {  	_ =	strace $0x90000047  }
0x192: {  	s0 =	stileid.u32;
	[bflag:$0x2] =	sbarrier.arrive $0xFFFF  }
0x193: {  	p0 =	sne.s32 s0, $0x0;
	s0 =	rddreg [dreg:$0x4]  }
0x194: {  	s0 =	sadd.s32 @!p0 $0x100000, s0  }
0x195: {  	[sflag:s0] =	ssyncadd.tile.s32 @!p0 $0x1;
	_ =	shalt  }
.Lfunc_end2:
_tile_overlayer_lowered:
.L_overlay_start_2:
0x196: {  	(tag) =	ssettag $0x2  }
0x197: {  	s0 =	rddreg [dreg:$0x0];
	s2 =	stileid.u32  }
0x198: {  	s1 =	rddreg [dreg:$0x1];
	p0 =	sne.s32 s2, $0x0  }
0x199: {  	s3 =	rddreg [dreg:$0x2];
	[bflag:$0x3] =	sbarrier.arrive $0xFFFF;
	s2 =	simm.s32 @!p0 $0x1C03  }
0x19a: {  	[timem:s3], [sflag:s2] =	dma.local @!p0 [hbm:s0], s1  }
0x19b: {  	s0 =	simm.s32 @!p0 $0x3  }
0x19c: {  	_ =	swait.ge @!p0 [sflag:s0], s1  }
0x19d: {  	s1 =	ssub.s32 @!p0 $0x0, s1;
	[sflag:s0] =	ssyncset.done @!p0 $0x0  }
0x19e: {  	[sflag:s0] =	ssyncadd.s32 @!p0 s1  }
0x19f: {  	[bflag:$0x3] =	sbarrier.arrive $0xFFFF  }
0x1a0: {  	_ =	shalt  }

</sc_bundles>
